<compile_context>
chip_gen: v7x
topology: tpu7x:2x2x1
jax: 0.10.2.dev20260603
libtpu: 0.0.44.dev20260713+nightly
codegen_flags: <defaults>
</compile_context>

<pallas_src>
import functools

import jax
import jax.numpy as jnp
from jax import lax
from jax.experimental import pallas as pl
from jax.experimental.pallas import tpu as pltpu
from jax.experimental.pallas import tpu_sc as plsc

N = 10000
E = 320000
D = 128
NC = 2
NS = 16
NW = NC * NS
EPW = E // NW
CHUNK = 80
NCHUNK = EPW // CHUNK
N_PAD = 10240
RPS = N_PAD // NS

_sc_mesh = plsc.VectorSubcoreMesh(
    core_axis_name="c", subcore_axis_name="s", num_cores=NC, num_subcores=NS
)


@functools.partial(
    pl.kernel,
    out_type=jax.ShapeDtypeStruct((NC, N_PAD, D), jnp.float32),
    mesh=_sc_mesh,
    scratch_types=[
        pltpu.VMEM((EPW,), jnp.int32),
        pltpu.VMEM((NCHUNK, CHUNK), jnp.int32),
        pltpu.VMEM((2, CHUNK, D), jnp.float32),
        pltpu.VMEM_SHARED((N_PAD, D), jnp.float32),
        pltpu.SemaphoreType.DMA,
        pltpu.SemaphoreType.DMA,
    ],
)
def _propagate(hw_hbm, src_hbm, dst_hbm, zero_hbm, p_hbm,
               src_v, dst_v, rows_v, acc_sh, sem0, sem1):
    c = lax.axis_index("c")
    s = lax.axis_index("s")
    wid = c * NS + s
    pltpu.sync_copy(src_hbm.at[wid], src_v)
    pltpu.sync_copy(dst_hbm.at[wid], dst_v)
    pltpu.sync_copy(zero_hbm, acc_sh.at[pl.ds(s * RPS, RPS)])
    plsc.subcore_barrier()

    def _issue(j, b, sem):
        return pltpu.async_copy(
            hw_hbm.at[src_v.at[pl.ds(j * CHUNK, CHUNK)]], rows_v.at[b],
            sem)

    def _wait(b, sem):
        pltpu.make_async_copy(hw_hbm.at[src_v.at[pl.ds(0, CHUNK)]],
                              rows_v.at[b], sem).wait()

    def _scat(j, b):
        pltpu.sync_copy(rows_v.at[b], acc_sh.at[dst_v.at[j]], add=True)

    _issue(0, 0, sem0)
    _issue(1, 1, sem1)

    @pl.loop(0, NCHUNK - 5, step=4)
    def _(j):
        _wait(0, sem0)
        _scat(j, 0)
        h2 = _issue(j + 2, 0, sem0)
        _wait(1, sem1)
        _scat(j + 1, 1)
        h3 = _issue(j + 3, 1, sem1)
        h2.wait()
        _scat(j + 2, 0)
        _issue(j + 4, 0, sem0)
        h3.wait()
        _scat(j + 3, 1)
        _issue(j + 5, 1, sem1)

    t = NCHUNK - 5
    _wait(0, sem0)
    _scat(t, 0)
    _issue(t + 2, 0, sem0)
    _wait(1, sem1)
    _scat(t + 1, 1)
    _issue(t + 3, 1, sem1)
    _wait(0, sem0)
    _scat(t + 2, 0)
    _issue(t + 4, 0, sem0)
    _wait(1, sem1)
    _scat(t + 3, 1)
    _wait(0, sem0)
    _scat(t + 4, 0)

    plsc.subcore_barrier()
    pltpu.sync_copy(acc_sh.at[pl.ds(s * RPS, RPS)],
                    p_hbm.at[c].at[pl.ds(s * RPS, RPS)])


ROWS_BLK = 1000


def _mm_first_body(x_ref, w_ref, o_ref):
    o_ref[...] = jnp.dot(x_ref[...], w_ref[...],
                         preferred_element_type=jnp.float32)


def _mm_fused_body(p0_ref, p1_ref, b_ref, w_ref, o_ref):
    h = jnp.maximum(p0_ref[...] + p1_ref[...] + b_ref[...], 0.0)
    o_ref[...] = jnp.dot(h, w_ref[...], preferred_element_type=jnp.float32)


def _final_body(p0_ref, p1_ref, b_ref, o_ref):
    o_ref[...] = p0_ref[...] + p1_ref[...] + b_ref[...]


def _mm_first(x, w):
    return pl.pallas_call(
        _mm_first_body,
        grid=(N // ROWS_BLK,),
        in_specs=[
            pl.BlockSpec((ROWS_BLK, D), lambda i: (i, 0)),
            pl.BlockSpec((D, D), lambda i: (0, 0)),
        ],
        out_specs=pl.BlockSpec((ROWS_BLK, D), lambda i: (i, 0)),
        out_shape=jax.ShapeDtypeStruct((N, D), jnp.float32),
    )(x, w)


def _mm_fused(p, b, w):
    return pl.pallas_call(
        _mm_fused_body,
        grid=(N // ROWS_BLK,),
        in_specs=[
            pl.BlockSpec((ROWS_BLK, D), lambda i: (i, 0)),
            pl.BlockSpec((ROWS_BLK, D), lambda i: (i, 0)),
            pl.BlockSpec((1, D), lambda i: (0, 0)),
            pl.BlockSpec((D, D), lambda i: (0, 0)),
        ],
        out_specs=pl.BlockSpec((ROWS_BLK, D), lambda i: (i, 0)),
        out_shape=jax.ShapeDtypeStruct((N, D), jnp.float32),
    )(p[0], p[1], b, w)


def _final(p, b):
    return pl.pallas_call(
        _final_body,
        grid=(N // ROWS_BLK,),
        in_specs=[
            pl.BlockSpec((ROWS_BLK, D), lambda i: (i, 0)),
            pl.BlockSpec((ROWS_BLK, D), lambda i: (i, 0)),
            pl.BlockSpec((1, D), lambda i: (0, 0)),
        ],
        out_specs=pl.BlockSpec((ROWS_BLK, D), lambda i: (i, 0)),
        out_shape=jax.ShapeDtypeStruct((N, D), jnp.float32),
    )(p[0], p[1], b)


def kernel(x, edge_index, W1, b1, W2, b2, W3, b3):
    src = edge_index[0].astype(jnp.int32).reshape(NW, EPW)
    dst = edge_index[1].astype(jnp.int32).reshape(NW, NCHUNK, CHUNK)
    zeros = jnp.zeros((RPS, D), jnp.float32)
    b1r = b1.reshape(1, D)
    b2r = b2.reshape(1, D)
    b3r = b3.reshape(1, D)

    h = _mm_first(x, W1)
    p = _propagate(h, src, dst, zeros)
    h = _mm_fused(p, b1r, W2)
    p = _propagate(h, src, dst, zeros)
    h = _mm_fused(p, b2r, W3)
    p = _propagate(h, src, dst, zeros)
    return _final(p, b3r)

# --- scband reference (transcript-rebuilt; emitter-appended) ---
"""Pipeline reference for scband-gcn-1623497638183 (READ-ONLY COPY).

The authoritative reference and input builder live on the scoring server;
editing this copy changes nothing except your own understanding.
"""

import jax, jax.numpy as jnp
import numpy as np

N = 10000
E = 320000
D_IN = 128
D_HID = 128
D_OUT = 128


def _glorot(key, fan_in, fan_out):
    limit = np.sqrt(6.0 / (fan_in + fan_out))
    return jax.random.uniform(key, (fan_in, fan_out), dtype=jnp.float32, minval=-limit, maxval=limit)


def setup_inputs(seed: int = 0) -> dict:
    key = jax.random.key(seed)
    ks = jax.random.split(key, 8)
    x = jax.random.normal(ks[0], (N, D_IN), dtype=jnp.float32)
    edge_index = jax.random.randint(ks[1], (2, E), 0, N)
    W1 = _glorot(ks[2], D_IN, D_HID)
    b1 = jnp.zeros((D_HID,), dtype=jnp.float32)
    W2 = _glorot(ks[3], D_HID, D_HID)
    b2 = jnp.zeros((D_HID,), dtype=jnp.float32)
    W3 = _glorot(ks[4], D_HID, D_OUT)
    b3 = jnp.zeros((D_OUT,), dtype=jnp.float32)
    return {"x": x, "edge_index": edge_index, "W1": W1, "b1": b1, "W2": W2, "b2": b2, "W3": W3, "b3": b3}


def _gcn_conv(h, edge_index, W, b):
    # GCNConv with normalize=False, no edge weights: out = A @ (h W) + b
    h = h @ W
    src = edge_index[0]
    dst = edge_index[1]
    msg = jnp.take(h, src, axis=0)           # gather source-node features per edge
    agg = jax.ops.segment_sum(msg, dst, num_segments=N)  # scatter-add into dst nodes
    return agg + b


def reference(x, edge_index, W1, b1, W2, b2, W3, b3):
    # eval mode: dropout is identity (p=0.0 / training=False)
    h = _gcn_conv(x, edge_index, W1, b1)
    h = jax.nn.relu(h)
    h = _gcn_conv(h, edge_index, W2, b2)
    h = jax.nn.relu(h)
    out = _gcn_conv(h, edge_index, W3, b3)
    return out

if __name__ == "__main__":
    import jax
    _d = setup_inputs()
    print(jax.jit(kernel)(*tuple(_d.values())))

</pallas_src>

<mosaic_0001>
#map = affine_map<(d0, d1) -> (0, 0)>
#map1 = affine_map<(d0, d1) -> (0, 0, 0)>
module attributes {stable_mosaic.version = 14 : i64} {
  func.func @_propagate(%arg0: i32, %arg1: i32, %arg2: memref<10000x128xf32, #tpu.memory_space<hbm>>, %arg3: memref<32x10000xi32, #tpu.memory_space<hbm>>, %arg4: memref<32x125x80xi32, #tpu.memory_space<hbm>>, %arg5: memref<640x128xf32, #tpu.memory_space<hbm>>, %arg6: memref<2x10240x128xf32, #tpu.memory_space<hbm>>, %arg7: memref<10000xi32, #tpu.memory_space<vmem>>, %arg8: memref<125x80xi32, #tpu.memory_space<vmem>>, %arg9: memref<2x80x128xf32, #tpu.memory_space<vmem>>, %arg10: memref<10240x128xf32, #tpu.memory_space<vmem_shared>>, %arg11: memref<!tpu.dma_semaphore, #tpu.memory_space<semaphore_mem>>, %arg12: memref<!tpu.dma_semaphore, #tpu.memory_space<semaphore_mem>>) attributes {dimension_semantics = [#tpu.dimension_semantics<core_parallel>, #tpu.dimension_semantics<subcore_parallel>], iteration_bounds = array<i64: 2, 16>, scalar_prefetch = 0 : i64, scratch_operands = 6 : i64, tpu.core_type = #tpu.core_type<sc_vector_subcore>, window_params = [{transform_indices = #map}, {transform_indices = #map}, {transform_indices = #map1}, {transform_indices = #map}, {transform_indices = #map1}]} {
    %mul3A = arith.constant 16 : i32
    %mul3A_0 = arith.muli %arg0, %mul3A : i32
    %add3A = arith.addi %mul3A_0, %arg1 : i32
    "tpu.region"() ({
      %run_scoped3A_119 = tpu.sem_alloc : memref<!tpu.dma_semaphore, #tpu.memory_space<semaphore_mem>>
      %dma_start3A_120 = arith.constant 0 : i32
      %dma_start3A_121 = tpu.memref_slice %arg3[%add3A, %dma_start3A_120] : memref<32x10000xi32, #tpu.memory_space<hbm>> -> memref<1x10000xi32, #tpu.memory_space<hbm>>
      %dma_start3A_122 = tpu.memref_squeeze %dma_start3A_121 : memref<1x10000xi32, #tpu.memory_space<hbm>> -> memref<10000xi32, #tpu.memory_space<hbm>>
      %dma_start3A_123 = arith.constant 0 : i32
      %dma_start3A_124 = tpu.memref_slice %arg3[%add3A, %dma_start3A_123] : memref<32x10000xi32, #tpu.memory_space<hbm>> -> memref<1x10000xi32, #tpu.memory_space<hbm>>
      %dma_start3A_125 = tpu.memref_squeeze %dma_start3A_124 : memref<1x10000xi32, #tpu.memory_space<hbm>> -> memref<10000xi32, #tpu.memory_space<hbm>>
      tpu.enqueue_dma source(%dma_start3A_125 : memref<10000xi32, #tpu.memory_space<hbm>>) target(%arg7 : memref<10000xi32, #tpu.memory_space<vmem>>) target_semaphore(%run_scoped3A_119 : memref<!tpu.dma_semaphore, #tpu.memory_space<semaphore_mem>>)
      %dma_wait3A_126 = arith.constant 0 : i32
      %dma_wait3A_127 = tpu.memref_slice %arg3[%add3A, %dma_wait3A_126] : memref<32x10000xi32, #tpu.memory_space<hbm>> -> memref<1x10000xi32, #tpu.memory_space<hbm>>
      %dma_wait3A_128 = tpu.memref_squeeze %dma_wait3A_127 : memref<1x10000xi32, #tpu.memory_space<hbm>> -> memref<10000xi32, #tpu.memory_space<hbm>>
      %dma_wait3A_129 = arith.constant 0 : i32
      %dma_wait3A_130 = tpu.memref_slice %arg3[%add3A, %dma_wait3A_129] : memref<32x10000xi32, #tpu.memory_space<hbm>> -> memref<1x10000xi32, #tpu.memory_space<hbm>>
      %dma_wait3A_131 = tpu.memref_squeeze %dma_wait3A_130 : memref<1x10000xi32, #tpu.memory_space<hbm>> -> memref<10000xi32, #tpu.memory_space<hbm>>
      tpu.wait_dma2 semaphore(%run_scoped3A_119 : memref<!tpu.dma_semaphore, #tpu.memory_space<semaphore_mem>>) src(%dma_wait3A_131 : memref<10000xi32, #tpu.memory_space<hbm>>) dst(%arg7 : memref<10000xi32, #tpu.memory_space<vmem>>)
      tpu.yield
    }) : () -> ()
    "tpu.region"() ({
      %run_scoped3A_119 = tpu.sem_alloc : memref<!tpu.dma_semaphore, #tpu.memory_space<semaphore_mem>>
      %dma_start3A_120 = arith.constant 0 : i32
      %dma_start3A_121 = arith.constant 0 : i32
      %dma_start3A_122 = tpu.memref_slice %arg4[%add3A, %dma_start3A_120, %dma_start3A_121] : memref<32x125x80xi32, #tpu.memory_space<hbm>> -> memref<1x125x80xi32, #tpu.memory_space<hbm>>
      %dma_start3A_123 = tpu.memref_squeeze %dma_start3A_122 : memref<1x125x80xi32, #tpu.memory_space<hbm>> -> memref<125x80xi32, #tpu.memory_space<hbm>>
      %dma_start3A_124 = arith.constant 0 : i32
      %dma_start3A_125 = arith.constant 0 : i32
      %dma_start3A_126 = tpu.memref_slice %arg4[%add3A, %dma_start3A_124, %dma_start3A_125] : memref<32x125x80xi32, #tpu.memory_space<hbm>> -> memref<1x125x80xi32, #tpu.memory_space<hbm>>
      %dma_start3A_127 = tpu.memref_squeeze %dma_start3A_126 : memref<1x125x80xi32, #tpu.memory_space<hbm>> -> memref<125x80xi32, #tpu.memory_space<hbm>>
      tpu.enqueue_dma source(%dma_start3A_127 : memref<125x80xi32, #tpu.memory_space<hbm>>) target(%arg8 : memref<125x80xi32, #tpu.memory_space<vmem>>) target_semaphore(%run_scoped3A_119 : memref<!tpu.dma_semaphore, #tpu.memory_space<semaphore_mem>>)
      %dma_wait3A_128 = arith.constant 0 : i32
      %dma_wait3A_129 = arith.constant 0 : i32
      %dma_wait3A_130 = tpu.memref_slice %arg4[%add3A, %dma_wait3A_128, %dma_wait3A_129] : memref<32x125x80xi32, #tpu.memory_space<hbm>> -> memref<1x125x80xi32, #tpu.memory_space<hbm>>
      %dma_wait3A_131 = tpu.memref_squeeze %dma_wait3A_130 : memref<1x125x80xi32, #tpu.memory_space<hbm>> -> memref<125x80xi32, #tpu.memory_space<hbm>>
      %dma_wait3A_132 = arith.constant 0 : i32
      %dma_wait3A_133 = arith.constant 0 : i32
      %dma_wait3A_134 = tpu.memref_slice %arg4[%add3A, %dma_wait3A_132, %dma_wait3A_133] : memref<32x125x80xi32, #tpu.memory_space<hbm>> -> memref<1x125x80xi32, #tpu.memory_space<hbm>>
      %dma_wait3A_135 = tpu.memref_squeeze %dma_wait3A_134 : memref<1x125x80xi32, #tpu.memory_space<hbm>> -> memref<125x80xi32, #tpu.memory_space<hbm>>
      tpu.wait_dma2 semaphore(%run_scoped3A_119 : memref<!tpu.dma_semaphore, #tpu.memory_space<semaphore_mem>>) src(%dma_wait3A_135 : memref<125x80xi32, #tpu.memory_space<hbm>>) dst(%arg8 : memref<125x80xi32, #tpu.memory_space<vmem>>)
      tpu.yield
    }) : () -> ()
    %mul3A_1 = arith.constant 640 : i32
    %mul3A_2 = arith.muli %arg1, %mul3A_1 : i32
    "tpu.region"() ({
      %run_scoped3A_119 = tpu.sem_alloc : memref<!tpu.dma_semaphore, #tpu.memory_space<semaphore_mem>>
      %dma_start3A_120 = arith.constant 0 : i32
      %dma_start3A_121 = tpu.memref_slice %arg10[%mul3A_2, %dma_start3A_120] : memref<10240x128xf32, #tpu.memory_space<vmem_shared>> -> memref<640x128xf32, #tpu.memory_space<vmem_shared>>
      tpu.enqueue_dma source(%arg5 : memref<640x128xf32, #tpu.memory_space<hbm>>) target(%dma_start3A_121 : memref<640x128xf32, #tpu.memory_space<vmem_shared>>) target_semaphore(%run_scoped3A_119 : memref<!tpu.dma_semaphore, #tpu.memory_space<semaphore_mem>>)
      %dma_wait3A_122 = arith.constant 0 : i32
      %dma_wait3A_123 = tpu.memref_slice %arg10[%mul3A_2, %dma_wait3A_122] : memref<10240x128xf32, #tpu.memory_space<vmem_shared>> -> memref<640x128xf32, #tpu.memory_space<vmem_shared>>
      tpu.wait_dma2 semaphore(%run_scoped3A_119 : memref<!tpu.dma_semaphore, #tpu.memory_space<semaphore_mem>>) src(%arg5 : memref<640x128xf32, #tpu.memory_space<hbm>>) dst(%dma_wait3A_123 : memref<640x128xf32, #tpu.memory_space<vmem_shared>>)
      tpu.yield
    }) : () -> ()
    %barrier3A = arith.constant 0 : index
    tpu.barrier barrier_id(%barrier3A)
    %dma_start3A = arith.constant 0 : i32
    %dma_start3A_3 = arith.constant 0 : i32
    %dma_start3A_4 = arith.constant 0 : i32
    %dma_start3A_5 = tpu.memref_slice %arg9[%dma_start3A, %dma_start3A_3, %dma_start3A_4] : memref<2x80x128xf32, #tpu.memory_space<vmem>> -> memref<1x80x128xf32, #tpu.memory_space<vmem>>
    %dma_start3A_6 = tpu.memref_squeeze %dma_start3A_5 : memref<1x80x128xf32, #tpu.memory_space<vmem>> -> memref<80x128xf32, #tpu.memory_space<vmem>>
    %dma_start3A_7 = arith.constant 0 : i32
    %dma_start3A_8 = tpu.memref_slice %arg7[%dma_start3A_7] : memref<10000xi32, #tpu.memory_space<vmem>> -> memref<80xi32, #tpu.memory_space<vmem>>
    %dma_start3A_9 = arith.constant 0 : i32
    %dma_start3A_10 = arith.constant 0 : i32
    %dma_start3A_11 = tpu.memref_slice %arg2[%dma_start3A_9, %dma_start3A_10] : memref<10000x128xf32, #tpu.memory_space<hbm>> -> memref<10000x128xf32, #tpu.memory_space<hbm>>
    tpu.enqueue_indirect_dma source(%dma_start3A_11 : memref<10000x128xf32, #tpu.memory_space<hbm>>) target(%dma_start3A_6 : memref<80x128xf32, #tpu.memory_space<vmem>>) offsets(%dma_start3A_8 : memref<80xi32, #tpu.memory_space<vmem>>) semaphore(%arg11 : memref<!tpu.dma_semaphore, #tpu.memory_space<semaphore_mem>>)
    %dma_start3A_12 = arith.constant 1 : i32
    %dma_start3A_13 = arith.constant 0 : i32
    %dma_start3A_14 = arith.constant 0 : i32
    %dma_start3A_15 = tpu.memref_slice %arg9[%dma_start3A_12, %dma_start3A_13, %dma_start3A_14] : memref<2x80x128xf32, #tpu.memory_space<vmem>> -> memref<1x80x128xf32, #tpu.memory_space<vmem>>
    %dma_start3A_16 = tpu.memref_squeeze %dma_start3A_15 : memref<1x80x128xf32, #tpu.memory_space<vmem>> -> memref<80x128xf32, #tpu.memory_space<vmem>>
    %dma_start3A_17 = arith.constant 80 : i32
    %dma_start3A_18 = tpu.memref_slice %arg7[%dma_start3A_17] : memref<10000xi32, #tpu.memory_space<vmem>> -> memref<80xi32, #tpu.memory_space<vmem>>
    %dma_start3A_19 = arith.constant 0 : i32
    %dma_start3A_20 = arith.constant 0 : i32
    %dma_start3A_21 = tpu.memref_slice %arg2[%dma_start3A_19, %dma_start3A_20] : memref<10000x128xf32, #tpu.memory_space<hbm>> -> memref<10000x128xf32, #tpu.memory_space<hbm>>
    tpu.enqueue_indirect_dma source(%dma_start3A_21 : memref<10000x128xf32, #tpu.memory_space<hbm>>) target(%dma_start3A_16 : memref<80x128xf32, #tpu.memory_space<vmem>>) offsets(%dma_start3A_18 : memref<80xi32, #tpu.memory_space<vmem>>) semaphore(%arg12 : memref<!tpu.dma_semaphore, #tpu.memory_space<semaphore_mem>>)
    %scan3A = arith.constant 0 : i32
    %scan3A_22 = arith.constant 30 : i32
    %scan3A_23 = arith.addi %scan3A, %scan3A_22 : i32
    %scan3A_24 = arith.constant 1 : i32
    scf.for %scan3A_119 = %scan3A to %scan3A_23 step %scan3A_24  : i32 {
      %mul3A_120 = arith.constant 4 : i32
      %mul3A_121 = arith.muli %scan3A_119, %mul3A_120 : i32
      %add3A_122 = arith.constant 0 : i32
      %add3A_123 = arith.addi %add3A_122, %mul3A_121 : i32
      %dma_wait3A_124 = arith.constant 0 : i32
      %dma_wait3A_125 = arith.constant 0 : i32
      %dma_wait3A_126 = arith.constant 0 : i32
      %dma_wait3A_127 = tpu.memref_slice %arg9[%dma_wait3A_124, %dma_wait3A_125, %dma_wait3A_126] : memref<2x80x128xf32, #tpu.memory_space<vmem>> -> memref<1x80x128xf32, #tpu.memory_space<vmem>>
      %dma_wait3A_128 = tpu.memref_squeeze %dma_wait3A_127 : memref<1x80x128xf32, #tpu.memory_space<vmem>> -> memref<80x128xf32, #tpu.memory_space<vmem>>
      %dma_wait3A_129 = arith.constant 0 : i32
      %dma_wait3A_130 = tpu.memref_slice %arg7[%dma_wait3A_129] : memref<10000xi32, #tpu.memory_space<vmem>> -> memref<80xi32, #tpu.memory_space<vmem>>
      %dma_wait3A_131 = arith.constant 0 : i32
      %dma_wait3A_132 = arith.constant 0 : i32
      %dma_wait3A_133 = tpu.memref_slice %arg2[%dma_wait3A_131, %dma_wait3A_132] : memref<10000x128xf32, #tpu.memory_space<hbm>> -> memref<10000x128xf32, #tpu.memory_space<hbm>>
      tpu.wait_indirect_dma semaphore(%arg11 : memref<!tpu.dma_semaphore, #tpu.memory_space<semaphore_mem>>) src(%dma_wait3A_133 : memref<10000x128xf32, #tpu.memory_space<hbm>>) dst(%dma_wait3A_128 : memref<80x128xf32, #tpu.memory_space<vmem>>)
      %run_scoped3A_134 = arith.constant 0 : i32
      "tpu.region"() ({
        %run_scoped3A_224 = tpu.sem_alloc : memref<!tpu.dma_semaphore, #tpu.memory_space<semaphore_mem>>
        %dma_start3A_225 = arith.constant 0 : i32
        %dma_start3A_226 = arith.constant 0 : i32
        %dma_start3A_227 = tpu.memref_slice %arg9[%run_scoped3A_134, %dma_start3A_225, %dma_start3A_226] : memref<2x80x128xf32, #tpu.memory_space<vmem>> -> memref<1x80x128xf32, #tpu.memory_space<vmem>>
        %dma_start3A_228 = tpu.memref_squeeze %dma_start3A_227 : memref<1x80x128xf32, #tpu.memory_space<vmem>> -> memref<80x128xf32, #tpu.memory_space<vmem>>
        %dma_start3A_229 = arith.constant 0 : i32
        %dma_start3A_230 = tpu.memref_slice %arg8[%add3A_123, %dma_start3A_229] : memref<125x80xi32, #tpu.memory_space<vmem>> -> memref<1x80xi32, #tpu.memory_space<vmem>>
        %dma_start3A_231 = tpu.memref_squeeze %dma_start3A_230 : memref<1x80xi32, #tpu.memory_space<vmem>> -> memref<80xi32, #tpu.memory_space<vmem>>
        %dma_start3A_232 = arith.constant 0 : i32
        %dma_start3A_233 = arith.constant 0 : i32
        %dma_start3A_234 = tpu.memref_slice %arg10[%dma_start3A_232, %dma_start3A_233] : memref<10240x128xf32, #tpu.memory_space<vmem_shared>> -> memref<10240x128xf32, #tpu.memory_space<vmem_shared>>
        tpu.enqueue_indirect_dma source(%dma_start3A_228 : memref<80x128xf32, #tpu.memory_space<vmem>>) target(%dma_start3A_234 : memref<10240x128xf32, #tpu.memory_space<vmem_shared>>) offsets(%dma_start3A_231 : memref<80xi32, #tpu.memory_space<vmem>>) semaphore(%run_scoped3A_224 : memref<!tpu.dma_semaphore, #tpu.memory_space<semaphore_mem>>) {add = true}
        %dma_wait3A_235 = arith.constant 0 : i32
        %dma_wait3A_236 = arith.constant 0 : i32
        %dma_wait3A_237 = tpu.memref_slice %arg9[%run_scoped3A_134, %dma_wait3A_235, %dma_wait3A_236] : memref<2x80x128xf32, #tpu.memory_space<vmem>> -> memref<1x80x128xf32, #tpu.memory_space<vmem>>
        %dma_wait3A_238 = tpu.memref_squeeze %dma_wait3A_237 : memref<1x80x128xf32, #tpu.memory_space<vmem>> -> memref<80x128xf32, #tpu.memory_space<vmem>>
        %dma_wait3A_239 = arith.constant 0 : i32
        %dma_wait3A_240 = tpu.memref_slice %arg8[%add3A_123, %dma_wait3A_239] : memref<125x80xi32, #tpu.memory_space<vmem>> -> memref<1x80xi32, #tpu.memory_space<vmem>>
        %dma_wait3A_241 = tpu.memref_squeeze %dma_wait3A_240 : memref<1x80xi32, #tpu.memory_space<vmem>> -> memref<80xi32, #tpu.memory_space<vmem>>
        %dma_wait3A_242 = arith.constant 0 : i32
        %dma_wait3A_243 = arith.constant 0 : i32
        %dma_wait3A_244 = tpu.memref_slice %arg10[%dma_wait3A_242, %dma_wait3A_243] : memref<10240x128xf32, #tpu.memory_space<vmem_shared>> -> memref<10240x128xf32, #tpu.memory_space<vmem_shared>>
        tpu.wait_indirect_dma semaphore(%run_scoped3A_224 : memref<!tpu.dma_semaphore, #tpu.memory_space<semaphore_mem>>) src(%dma_wait3A_238 : memref<80x128xf32, #tpu.memory_space<vmem>>) dst(%dma_wait3A_244 : memref<10240x128xf32, #tpu.memory_space<vmem_shared>>)
        tpu.yield
      }) : () -> ()
      %add3A_135 = arith.constant 2 : i32
      %add3A_136 = arith.addi %add3A_123, %add3A_135 : i32
      %mul3A_137 = arith.constant 80 : i32
      %mul3A_138 = arith.muli %add3A_136, %mul3A_137 : i32
      %dma_start3A_139 = arith.constant 0 : i32
      %dma_start3A_140 = arith.constant 0 : i32
      %dma_start3A_141 = arith.constant 0 : i32
      %dma_start3A_142 = tpu.memref_slice %arg9[%dma_start3A_139, %dma_start3A_140, %dma_start3A_141] : memref<2x80x128xf32, #tpu.memory_space<vmem>> -> memref<1x80x128xf32, #tpu.memory_space<vmem>>
      %dma_start3A_143 = tpu.memref_squeeze %dma_start3A_142 : memref<1x80x128xf32, #tpu.memory_space<vmem>> -> memref<80x128xf32, #tpu.memory_space<vmem>>
      %dma_start3A_144 = tpu.memref_slice %arg7[%mul3A_138] : memref<10000xi32, #tpu.memory_space<vmem>> -> memref<80xi32, #tpu.memory_space<vmem>>
      %dma_start3A_145 = arith.constant 0 : i32
      %dma_start3A_146 = arith.constant 0 : i32
      %dma_start3A_147 = tpu.memref_slice %arg2[%dma_start3A_145, %dma_start3A_146] : memref<10000x128xf32, #tpu.memory_space<hbm>> -> memref<10000x128xf32, #tpu.memory_space<hbm>>
      tpu.enqueue_indirect_dma source(%dma_start3A_147 : memref<10000x128xf32, #tpu.memory_space<hbm>>) target(%dma_start3A_143 : memref<80x128xf32, #tpu.memory_space<vmem>>) offsets(%dma_start3A_144 : memref<80xi32, #tpu.memory_space<vmem>>) semaphore(%arg11 : memref<!tpu.dma_semaphore, #tpu.memory_space<semaphore_mem>>)
      %dma_wait3A_148 = arith.constant 1 : i32
      %dma_wait3A_149 = arith.constant 0 : i32
      %dma_wait3A_150 = arith.constant 0 : i32
      %dma_wait3A_151 = tpu.memref_slice %arg9[%dma_wait3A_148, %dma_wait3A_149, %dma_wait3A_150] : memref<2x80x128xf32, #tpu.memory_space<vmem>> -> memref<1x80x128xf32, #tpu.memory_space<vmem>>
      %dma_wait3A_152 = tpu.memref_squeeze %dma_wait3A_151 : memref<1x80x128xf32, #tpu.memory_space<vmem>> -> memref<80x128xf32, #tpu.memory_space<vmem>>
      %dma_wait3A_153 = arith.constant 0 : i32
      %dma_wait3A_154 = tpu.memref_slice %arg7[%dma_wait3A_153] : memref<10000xi32, #tpu.memory_space<vmem>> -> memref<80xi32, #tpu.memory_space<vmem>>
      %dma_wait3A_155 = arith.constant 0 : i32
      %dma_wait3A_156 = arith.constant 0 : i32
      %dma_wait3A_157 = tpu.memref_slice %arg2[%dma_wait3A_155, %dma_wait3A_156] : memref<10000x128xf32, #tpu.memory_space<hbm>> -> memref<10000x128xf32, #tpu.memory_space<hbm>>
      tpu.wait_indirect_dma semaphore(%arg12 : memref<!tpu.dma_semaphore, #tpu.memory_space<semaphore_mem>>) src(%dma_wait3A_157 : memref<10000x128xf32, #tpu.memory_space<hbm>>) dst(%dma_wait3A_152 : memref<80x128xf32, #tpu.memory_space<vmem>>)
      %add3A_158 = arith.constant 1 : i32
      %add3A_159 = arith.addi %add3A_123, %add3A_158 : i32
      %run_scoped3A_160 = arith.constant 1 : i32
      "tpu.region"() ({
        %run_scoped3A_224 = tpu.sem_alloc : memref<!tpu.dma_semaphore, #tpu.memory_space<semaphore_mem>>
        %dma_start3A_225 = arith.constant 0 : i32
        %dma_start3A_226 = arith.constant 0 : i32
        %dma_start3A_227 = tpu.memref_slice %arg9[%run_scoped3A_160, %dma_start3A_225, %dma_start3A_226] : memref<2x80x128xf32, #tpu.memory_space<vmem>> -> memref<1x80x128xf32, #tpu.memory_space<vmem>>
        %dma_start3A_228 = tpu.memref_squeeze %dma_start3A_227 : memref<1x80x128xf32, #tpu.memory_space<vmem>> -> memref<80x128xf32, #tpu.memory_space<vmem>>
        %dma_start3A_229 = arith.constant 0 : i32
        %dma_start3A_230 = tpu.memref_slice %arg8[%add3A_159, %dma_start3A_229] : memref<125x80xi32, #tpu.memory_space<vmem>> -> memref<1x80xi32, #tpu.memory_space<vmem>>
        %dma_start3A_231 = tpu.memref_squeeze %dma_start3A_230 : memref<1x80xi32, #tpu.memory_space<vmem>> -> memref<80xi32, #tpu.memory_space<vmem>>
        %dma_start3A_232 = arith.constant 0 : i32
        %dma_start3A_233 = arith.constant 0 : i32
        %dma_start3A_234 = tpu.memref_slice %arg10[%dma_start3A_232, %dma_start3A_233] : memref<10240x128xf32, #tpu.memory_space<vmem_shared>> -> memref<10240x128xf32, #tpu.memory_space<vmem_shared>>
        tpu.enqueue_indirect_dma source(%dma_start3A_228 : memref<80x128xf32, #tpu.memory_space<vmem>>) target(%dma_start3A_234 : memref<10240x128xf32, #tpu.memory_space<vmem_shared>>) offsets(%dma_start3A_231 : memref<80xi32, #tpu.memory_space<vmem>>) semaphore(%run_scoped3A_224 : memref<!tpu.dma_semaphore, #tpu.memory_space<semaphore_mem>>) {add = true}
        %dma_wait3A_235 = arith.constant 0 : i32
        %dma_wait3A_236 = arith.constant 0 : i32
        %dma_wait3A_237 = tpu.memref_slice %arg9[%run_scoped3A_160, %dma_wait3A_235, %dma_wait3A_236] : memref<2x80x128xf32, #tpu.memory_space<vmem>> -> memref<1x80x128xf32, #tpu.memory_space<vmem>>
        %dma_wait3A_238 = tpu.memref_squeeze %dma_wait3A_237 : memref<1x80x128xf32, #tpu.memory_space<vmem>> -> memref<80x128xf32, #tpu.memory_space<vmem>>
        %dma_wait3A_239 = arith.constant 0 : i32
        %dma_wait3A_240 = tpu.memref_slice %arg8[%add3A_159, %dma_wait3A_239] : memref<125x80xi32, #tpu.memory_space<vmem>> -> memref<1x80xi32, #tpu.memory_space<vmem>>
        %dma_wait3A_241 = tpu.memref_squeeze %dma_wait3A_240 : memref<1x80xi32, #tpu.memory_space<vmem>> -> memref<80xi32, #tpu.memory_space<vmem>>
        %dma_wait3A_242 = arith.constant 0 : i32
        %dma_wait3A_243 = arith.constant 0 : i32
        %dma_wait3A_244 = tpu.memref_slice %arg10[%dma_wait3A_242, %dma_wait3A_243] : memref<10240x128xf32, #tpu.memory_space<vmem_shared>> -> memref<10240x128xf32, #tpu.memory_space<vmem_shared>>
        tpu.wait_indirect_dma semaphore(%run_scoped3A_224 : memref<!tpu.dma_semaphore, #tpu.memory_space<semaphore_mem>>) src(%dma_wait3A_238 : memref<80x128xf32, #tpu.memory_space<vmem>>) dst(%dma_wait3A_244 : memref<10240x128xf32, #tpu.memory_space<vmem_shared>>)
        tpu.yield
      }) : () -> ()
      %add3A_161 = arith.constant 3 : i32
      %add3A_162 = arith.addi %add3A_123, %add3A_161 : i32
      %mul3A_163 = arith.constant 80 : i32
      %mul3A_164 = arith.muli %add3A_162, %mul3A_163 : i32
      %dma_start3A_165 = arith.constant 1 : i32
      %dma_start3A_166 = arith.constant 0 : i32
      %dma_start3A_167 = arith.constant 0 : i32
      %dma_start3A_168 = tpu.memref_slice %arg9[%dma_start3A_165, %dma_start3A_166, %dma_start3A_167] : memref<2x80x128xf32, #tpu.memory_space<vmem>> -> memref<1x80x128xf32, #tpu.memory_space<vmem>>
      %dma_start3A_169 = tpu.memref_squeeze %dma_start3A_168 : memref<1x80x128xf32, #tpu.memory_space<vmem>> -> memref<80x128xf32, #tpu.memory_space<vmem>>
      %dma_start3A_170 = tpu.memref_slice %arg7[%mul3A_164] : memref<10000xi32, #tpu.memory_space<vmem>> -> memref<80xi32, #tpu.memory_space<vmem>>
      %dma_start3A_171 = arith.constant 0 : i32
      %dma_start3A_172 = arith.constant 0 : i32
      %dma_start3A_173 = tpu.memref_slice %arg2[%dma_start3A_171, %dma_start3A_172] : memref<10000x128xf32, #tpu.memory_space<hbm>> -> memref<10000x128xf32, #tpu.memory_space<hbm>>
      tpu.enqueue_indirect_dma source(%dma_start3A_173 : memref<10000x128xf32, #tpu.memory_space<hbm>>) target(%dma_start3A_169 : memref<80x128xf32, #tpu.memory_space<vmem>>) offsets(%dma_start3A_170 : memref<80xi32, #tpu.memory_space<vmem>>) semaphore(%arg12 : memref<!tpu.dma_semaphore, #tpu.memory_space<semaphore_mem>>)
      %dma_wait3A_174 = arith.constant 0 : i32
      %dma_wait3A_175 = arith.constant 0 : i32
      %dma_wait3A_176 = arith.constant 0 : i32
      %dma_wait3A_177 = tpu.memref_slice %arg9[%dma_wait3A_174, %dma_wait3A_175, %dma_wait3A_176] : memref<2x80x128xf32, #tpu.memory_space<vmem>> -> memref<1x80x128xf32, #tpu.memory_space<vmem>>
      %dma_wait3A_178 = tpu.memref_squeeze %dma_wait3A_177 : memref<1x80x128xf32, #tpu.memory_space<vmem>> -> memref<80x128xf32, #tpu.memory_space<vmem>>
      %dma_wait3A_179 = tpu.memref_slice %arg7[%mul3A_138] : memref<10000xi32, #tpu.memory_space<vmem>> -> memref<80xi32, #tpu.memory_space<vmem>>
      %dma_wait3A_180 = arith.constant 0 : i32
      %dma_wait3A_181 = arith.constant 0 : i32
      %dma_wait3A_182 = tpu.memref_slice %arg2[%dma_wait3A_180, %dma_wait3A_181] : memref<10000x128xf32, #tpu.memory_space<hbm>> -> memref<10000x128xf32, #tpu.memory_space<hbm>>
      tpu.wait_indirect_dma semaphore(%arg11 : memref<!tpu.dma_semaphore, #tpu.memory_space<semaphore_mem>>) src(%dma_wait3A_182 : memref<10000x128xf32, #tpu.memory_space<hbm>>) dst(%dma_wait3A_178 : memref<80x128xf32, #tpu.memory_space<vmem>>)
      %add3A_183 = arith.constant 2 : i32
      %add3A_184 = arith.addi %add3A_123, %add3A_183 : i32
      %run_scoped3A_185 = arith.constant 0 : i32
      "tpu.region"() ({
        %run_scoped3A_224 = tpu.sem_alloc : memref<!tpu.dma_semaphore, #tpu.memory_space<semaphore_mem>>
        %dma_start3A_225 = arith.constant 0 : i32
        %dma_start3A_226 = arith.constant 0 : i32
        %dma_start3A_227 = tpu.memref_slice %arg9[%run_scoped3A_185, %dma_start3A_225, %dma_start3A_226] : memref<2x80x128xf32, #tpu.memory_space<vmem>> -> memref<1x80x128xf32, #tpu.memory_space<vmem>>
        %dma_start3A_228 = tpu.memref_squeeze %dma_start3A_227 : memref<1x80x128xf32, #tpu.memory_space<vmem>> -> memref<80x128xf32, #tpu.memory_space<vmem>>
        %dma_start3A_229 = arith.constant 0 : i32
        %dma_start3A_230 = tpu.memref_slice %arg8[%add3A_184, %dma_start3A_229] : memref<125x80xi32, #tpu.memory_space<vmem>> -> memref<1x80xi32, #tpu.memory_space<vmem>>
        %dma_start3A_231 = tpu.memref_squeeze %dma_start3A_230 : memref<1x80xi32, #tpu.memory_space<vmem>> -> memref<80xi32, #tpu.memory_space<vmem>>
        %dma_start3A_232 = arith.constant 0 : i32
        %dma_start3A_233 = arith.constant 0 : i32
        %dma_start3A_234 = tpu.memref_slice %arg10[%dma_start3A_232, %dma_start3A_233] : memref<10240x128xf32, #tpu.memory_space<vmem_shared>> -> memref<10240x128xf32, #tpu.memory_space<vmem_shared>>
        tpu.enqueue_indirect_dma source(%dma_start3A_228 : memref<80x128xf32, #tpu.memory_space<vmem>>) target(%dma_start3A_234 : memref<10240x128xf32, #tpu.memory_space<vmem_shared>>) offsets(%dma_start3A_231 : memref<80xi32, #tpu.memory_space<vmem>>) semaphore(%run_scoped3A_224 : memref<!tpu.dma_semaphore, #tpu.memory_space<semaphore_mem>>) {add = true}
        %dma_wait3A_235 = arith.constant 0 : i32
        %dma_wait3A_236 = arith.constant 0 : i32
        %dma_wait3A_237 = tpu.memref_slice %arg9[%run_scoped3A_185, %dma_wait3A_235, %dma_wait3A_236] : memref<2x80x128xf32, #tpu.memory_space<vmem>> -> memref<1x80x128xf32, #tpu.memory_space<vmem>>
        %dma_wait3A_238 = tpu.memref_squeeze %dma_wait3A_237 : memref<1x80x128xf32, #tpu.memory_space<vmem>> -> memref<80x128xf32, #tpu.memory_space<vmem>>
        %dma_wait3A_239 = arith.constant 0 : i32
        %dma_wait3A_240 = tpu.memref_slice %arg8[%add3A_184, %dma_wait3A_239] : memref<125x80xi32, #tpu.memory_space<vmem>> -> memref<1x80xi32, #tpu.memory_space<vmem>>
        %dma_wait3A_241 = tpu.memref_squeeze %dma_wait3A_240 : memref<1x80xi32, #tpu.memory_space<vmem>> -> memref<80xi32, #tpu.memory_space<vmem>>
        %dma_wait3A_242 = arith.constant 0 : i32
        %dma_wait3A_243 = arith.constant 0 : i32
        %dma_wait3A_244 = tpu.memref_slice %arg10[%dma_wait3A_242, %dma_wait3A_243] : memref<10240x128xf32, #tpu.memory_space<vmem_shared>> -> memref<10240x128xf32, #tpu.memory_space<vmem_shared>>
        tpu.wait_indirect_dma semaphore(%run_scoped3A_224 : memref<!tpu.dma_semaphore, #tpu.memory_space<semaphore_mem>>) src(%dma_wait3A_238 : memref<80x128xf32, #tpu.memory_space<vmem>>) dst(%dma_wait3A_244 : memref<10240x128xf32, #tpu.memory_space<vmem_shared>>)
        tpu.yield
      }) : () -> ()
      %add3A_186 = arith.constant 4 : i32
      %add3A_187 = arith.addi %add3A_123, %add3A_186 : i32
      %mul3A_188 = arith.constant 80 : i32
      %mul3A_189 = arith.muli %add3A_187, %mul3A_188 : i32
      %dma_start3A_190 = arith.constant 0 : i32
      %dma_start3A_191 = arith.constant 0 : i32
      %dma_start3A_192 = arith.constant 0 : i32
      %dma_start3A_193 = tpu.memref_slice %arg9[%dma_start3A_190, %dma_start3A_191, %dma_start3A_192] : memref<2x80x128xf32, #tpu.memory_space<vmem>> -> memref<1x80x128xf32, #tpu.memory_space<vmem>>
      %dma_start3A_194 = tpu.memref_squeeze %dma_start3A_193 : memref<1x80x128xf32, #tpu.memory_space<vmem>> -> memref<80x128xf32, #tpu.memory_space<vmem>>
      %dma_start3A_195 = tpu.memref_slice %arg7[%mul3A_189] : memref<10000xi32, #tpu.memory_space<vmem>> -> memref<80xi32, #tpu.memory_space<vmem>>
      %dma_start3A_196 = arith.constant 0 : i32
      %dma_start3A_197 = arith.constant 0 : i32
      %dma_start3A_198 = tpu.memref_slice %arg2[%dma_start3A_196, %dma_start3A_197] : memref<10000x128xf32, #tpu.memory_space<hbm>> -> memref<10000x128xf32, #tpu.memory_space<hbm>>
      tpu.enqueue_indirect_dma source(%dma_start3A_198 : memref<10000x128xf32, #tpu.memory_space<hbm>>) target(%dma_start3A_194 : memref<80x128xf32, #tpu.memory_space<vmem>>) offsets(%dma_start3A_195 : memref<80xi32, #tpu.memory_space<vmem>>) semaphore(%arg11 : memref<!tpu.dma_semaphore, #tpu.memory_space<semaphore_mem>>)
      %dma_wait3A_199 = arith.constant 1 : i32
      %dma_wait3A_200 = arith.constant 0 : i32
      %dma_wait3A_201 = arith.constant 0 : i32
      %dma_wait3A_202 = tpu.memref_slice %arg9[%dma_wait3A_199, %dma_wait3A_200, %dma_wait3A_201] : memref<2x80x128xf32, #tpu.memory_space<vmem>> -> memref<1x80x128xf32, #tpu.memory_space<vmem>>
      %dma_wait3A_203 = tpu.memref_squeeze %dma_wait3A_202 : memref<1x80x128xf32, #tpu.memory_space<vmem>> -> memref<80x128xf32, #tpu.memory_space<vmem>>
      %dma_wait3A_204 = tpu.memref_slice %arg7[%mul3A_164] : memref<10000xi32, #tpu.memory_space<vmem>> -> memref<80xi32, #tpu.memory_space<vmem>>
      %dma_wait3A_205 = arith.constant 0 : i32
      %dma_wait3A_206 = arith.constant 0 : i32
      %dma_wait3A_207 = tpu.memref_slice %arg2[%dma_wait3A_205, %dma_wait3A_206] : memref<10000x128xf32, #tpu.memory_space<hbm>> -> memref<10000x128xf32, #tpu.memory_space<hbm>>
      tpu.wait_indirect_dma semaphore(%arg12 : memref<!tpu.dma_semaphore, #tpu.memory_space<semaphore_mem>>) src(%dma_wait3A_207 : memref<10000x128xf32, #tpu.memory_space<hbm>>) dst(%dma_wait3A_203 : memref<80x128xf32, #tpu.memory_space<vmem>>)
      %add3A_208 = arith.constant 3 : i32
      %add3A_209 = arith.addi %add3A_123, %add3A_208 : i32
      %run_scoped3A_210 = arith.constant 1 : i32
      "tpu.region"() ({
        %run_scoped3A_224 = tpu.sem_alloc : memref<!tpu.dma_semaphore, #tpu.memory_space<semaphore_mem>>
        %dma_start3A_225 = arith.constant 0 : i32
        %dma_start3A_226 = arith.constant 0 : i32
        %dma_start3A_227 = tpu.memref_slice %arg9[%run_scoped3A_210, %dma_start3A_225, %dma_start3A_226] : memref<2x80x128xf32, #tpu.memory_space<vmem>> -> memref<1x80x128xf32, #tpu.memory_space<vmem>>
        %dma_start3A_228 = tpu.memref_squeeze %dma_start3A_227 : memref<1x80x128xf32, #tpu.memory_space<vmem>> -> memref<80x128xf32, #tpu.memory_space<vmem>>
        %dma_start3A_229 = arith.constant 0 : i32
        %dma_start3A_230 = tpu.memref_slice %arg8[%add3A_209, %dma_start3A_229] : memref<125x80xi32, #tpu.memory_space<vmem>> -> memref<1x80xi32, #tpu.memory_space<vmem>>
        %dma_start3A_231 = tpu.memref_squeeze %dma_start3A_230 : memref<1x80xi32, #tpu.memory_space<vmem>> -> memref<80xi32, #tpu.memory_space<vmem>>
        %dma_start3A_232 = arith.constant 0 : i32
        %dma_start3A_233 = arith.constant 0 : i32
        %dma_start3A_234 = tpu.memref_slice %arg10[%dma_start3A_232, %dma_start3A_233] : memref<10240x128xf32, #tpu.memory_space<vmem_shared>> -> memref<10240x128xf32, #tpu.memory_space<vmem_shared>>
        tpu.enqueue_indirect_dma source(%dma_start3A_228 : memref<80x128xf32, #tpu.memory_space<vmem>>) target(%dma_start3A_234 : memref<10240x128xf32, #tpu.memory_space<vmem_shared>>) offsets(%dma_start3A_231 : memref<80xi32, #tpu.memory_space<vmem>>) semaphore(%run_scoped3A_224 : memref<!tpu.dma_semaphore, #tpu.memory_space<semaphore_mem>>) {add = true}
        %dma_wait3A_235 = arith.constant 0 : i32
        %dma_wait3A_236 = arith.constant 0 : i32
        %dma_wait3A_237 = tpu.memref_slice %arg9[%run_scoped3A_210, %dma_wait3A_235, %dma_wait3A_236] : memref<2x80x128xf32, #tpu.memory_space<vmem>> -> memref<1x80x128xf32, #tpu.memory_space<vmem>>
        %dma_wait3A_238 = tpu.memref_squeeze %dma_wait3A_237 : memref<1x80x128xf32, #tpu.memory_space<vmem>> -> memref<80x128xf32, #tpu.memory_space<vmem>>
        %dma_wait3A_239 = arith.constant 0 : i32
        %dma_wait3A_240 = tpu.memref_slice %arg8[%add3A_209, %dma_wait3A_239] : memref<125x80xi32, #tpu.memory_space<vmem>> -> memref<1x80xi32, #tpu.memory_space<vmem>>
        %dma_wait3A_241 = tpu.memref_squeeze %dma_wait3A_240 : memref<1x80xi32, #tpu.memory_space<vmem>> -> memref<80xi32, #tpu.memory_space<vmem>>
        %dma_wait3A_242 = arith.constant 0 : i32
        %dma_wait3A_243 = arith.constant 0 : i32
        %dma_wait3A_244 = tpu.memref_slice %arg10[%dma_wait3A_242, %dma_wait3A_243] : memref<10240x128xf32, #tpu.memory_space<vmem_shared>> -> memref<10240x128xf32, #tpu.memory_space<vmem_shared>>
        tpu.wait_indirect_dma semaphore(%run_scoped3A_224 : memref<!tpu.dma_semaphore, #tpu.memory_space<semaphore_mem>>) src(%dma_wait3A_238 : memref<80x128xf32, #tpu.memory_space<vmem>>) dst(%dma_wait3A_244 : memref<10240x128xf32, #tpu.memory_space<vmem_shared>>)
        tpu.yield
      }) : () -> ()
      %add3A_211 = arith.constant 5 : i32
      %add3A_212 = arith.addi %add3A_123, %add3A_211 : i32
      %mul3A_213 = arith.constant 80 : i32
      %mul3A_214 = arith.muli %add3A_212, %mul3A_213 : i32
      %dma_start3A_215 = arith.constant 1 : i32
      %dma_start3A_216 = arith.constant 0 : i32
      %dma_start3A_217 = arith.constant 0 : i32
      %dma_start3A_218 = tpu.memref_slice %arg9[%dma_start3A_215, %dma_start3A_216, %dma_start3A_217] : memref<2x80x128xf32, #tpu.memory_space<vmem>> -> memref<1x80x128xf32, #tpu.memory_space<vmem>>
      %dma_start3A_219 = tpu.memref_squeeze %dma_start3A_218 : memref<1x80x128xf32, #tpu.memory_space<vmem>> -> memref<80x128xf32, #tpu.memory_space<vmem>>
      %dma_start3A_220 = tpu.memref_slice %arg7[%mul3A_214] : memref<10000xi32, #tpu.memory_space<vmem>> -> memref<80xi32, #tpu.memory_space<vmem>>
      %dma_start3A_221 = arith.constant 0 : i32
      %dma_start3A_222 = arith.constant 0 : i32
      %dma_start3A_223 = tpu.memref_slice %arg2[%dma_start3A_221, %dma_start3A_222] : memref<10000x128xf32, #tpu.memory_space<hbm>> -> memref<10000x128xf32, #tpu.memory_space<hbm>>
      tpu.enqueue_indirect_dma source(%dma_start3A_223 : memref<10000x128xf32, #tpu.memory_space<hbm>>) target(%dma_start3A_219 : memref<80x128xf32, #tpu.memory_space<vmem>>) offsets(%dma_start3A_220 : memref<80xi32, #tpu.memory_space<vmem>>) semaphore(%arg12 : memref<!tpu.dma_semaphore, #tpu.memory_space<semaphore_mem>>)
    }
    %scan3A_25 = arith.constant 30 : i32
    %dma_wait3A = arith.constant 0 : i32
    %dma_wait3A_26 = arith.constant 0 : i32
    %dma_wait3A_27 = arith.constant 0 : i32
    %dma_wait3A_28 = tpu.memref_slice %arg9[%dma_wait3A, %dma_wait3A_26, %dma_wait3A_27] : memref<2x80x128xf32, #tpu.memory_space<vmem>> -> memref<1x80x128xf32, #tpu.memory_space<vmem>>
    %dma_wait3A_29 = tpu.memref_squeeze %dma_wait3A_28 : memref<1x80x128xf32, #tpu.memory_space<vmem>> -> memref<80x128xf32, #tpu.memory_space<vmem>>
    %dma_wait3A_30 = arith.constant 0 : i32
    %dma_wait3A_31 = tpu.memref_slice %arg7[%dma_wait3A_30] : memref<10000xi32, #tpu.memory_space<vmem>> -> memref<80xi32, #tpu.memory_space<vmem>>
    %dma_wait3A_32 = arith.constant 0 : i32
    %dma_wait3A_33 = arith.constant 0 : i32
    %dma_wait3A_34 = tpu.memref_slice %arg2[%dma_wait3A_32, %dma_wait3A_33] : memref<10000x128xf32, #tpu.memory_space<hbm>> -> memref<10000x128xf32, #tpu.memory_space<hbm>>
    tpu.wait_indirect_dma semaphore(%arg11 : memref<!tpu.dma_semaphore, #tpu.memory_space<semaphore_mem>>) src(%dma_wait3A_34 : memref<10000x128xf32, #tpu.memory_space<hbm>>) dst(%dma_wait3A_29 : memref<80x128xf32, #tpu.memory_space<vmem>>)
    %run_scoped3A = arith.constant 0 : i32
    %run_scoped3A_35 = arith.constant 120 : i32
    "tpu.region"() ({
      %run_scoped3A_119 = tpu.sem_alloc : memref<!tpu.dma_semaphore, #tpu.memory_space<semaphore_mem>>
      %dma_start3A_120 = arith.constant 0 : i32
      %dma_start3A_121 = arith.constant 0 : i32
      %dma_start3A_122 = tpu.memref_slice %arg9[%run_scoped3A, %dma_start3A_120, %dma_start3A_121] : memref<2x80x128xf32, #tpu.memory_space<vmem>> -> memref<1x80x128xf32, #tpu.memory_space<vmem>>
      %dma_start3A_123 = tpu.memref_squeeze %dma_start3A_122 : memref<1x80x128xf32, #tpu.memory_space<vmem>> -> memref<80x128xf32, #tpu.memory_space<vmem>>
      %dma_start3A_124 = arith.constant 0 : i32
      %dma_start3A_125 = tpu.memref_slice %arg8[%run_scoped3A_35, %dma_start3A_124] : memref<125x80xi32, #tpu.memory_space<vmem>> -> memref<1x80xi32, #tpu.memory_space<vmem>>
      %dma_start3A_126 = tpu.memref_squeeze %dma_start3A_125 : memref<1x80xi32, #tpu.memory_space<vmem>> -> memref<80xi32, #tpu.memory_space<vmem>>
      %dma_start3A_127 = arith.constant 0 : i32
      %dma_start3A_128 = arith.constant 0 : i32
      %dma_start3A_129 = tpu.memref_slice %arg10[%dma_start3A_127, %dma_start3A_128] : memref<10240x128xf32, #tpu.memory_space<vmem_shared>> -> memref<10240x128xf32, #tpu.memory_space<vmem_shared>>
      tpu.enqueue_indirect_dma source(%dma_start3A_123 : memref<80x128xf32, #tpu.memory_space<vmem>>) target(%dma_start3A_129 : memref<10240x128xf32, #tpu.memory_space<vmem_shared>>) offsets(%dma_start3A_126 : memref<80xi32, #tpu.memory_space<vmem>>) semaphore(%run_scoped3A_119 : memref<!tpu.dma_semaphore, #tpu.memory_space<semaphore_mem>>) {add = true}
      %dma_wait3A_130 = arith.constant 0 : i32
      %dma_wait3A_131 = arith.constant 0 : i32
      %dma_wait3A_132 = tpu.memref_slice %arg9[%run_scoped3A, %dma_wait3A_130, %dma_wait3A_131] : memref<2x80x128xf32, #tpu.memory_space<vmem>> -> memref<1x80x128xf32, #tpu.memory_space<vmem>>
      %dma_wait3A_133 = tpu.memref_squeeze %dma_wait3A_132 : memref<1x80x128xf32, #tpu.memory_space<vmem>> -> memref<80x128xf32, #tpu.memory_space<vmem>>
      %dma_wait3A_134 = arith.constant 0 : i32
      %dma_wait3A_135 = tpu.memref_slice %arg8[%run_scoped3A_35, %dma_wait3A_134] : memref<125x80xi32, #tpu.memory_space<vmem>> -> memref<1x80xi32, #tpu.memory_space<vmem>>
      %dma_wait3A_136 = tpu.memref_squeeze %dma_wait3A_135 : memref<1x80xi32, #tpu.memory_space<vmem>> -> memref<80xi32, #tpu.memory_space<vmem>>
      %dma_wait3A_137 = arith.constant 0 : i32
      %dma_wait3A_138 = arith.constant 0 : i32
      %dma_wait3A_139 = tpu.memref_slice %arg10[%dma_wait3A_137, %dma_wait3A_138] : memref<10240x128xf32, #tpu.memory_space<vmem_shared>> -> memref<10240x128xf32, #tpu.memory_space<vmem_shared>>
      tpu.wait_indirect_dma semaphore(%run_scoped3A_119 : memref<!tpu.dma_semaphore, #tpu.memory_space<semaphore_mem>>) src(%dma_wait3A_133 : memref<80x128xf32, #tpu.memory_space<vmem>>) dst(%dma_wait3A_139 : memref<10240x128xf32, #tpu.memory_space<vmem_shared>>)
      tpu.yield
    }) : () -> ()
    %dma_start3A_36 = arith.constant 0 : i32
    %dma_start3A_37 = arith.constant 0 : i32
    %dma_start3A_38 = arith.constant 0 : i32
    %dma_start3A_39 = tpu.memref_slice %arg9[%dma_start3A_36, %dma_start3A_37, %dma_start3A_38] : memref<2x80x128xf32, #tpu.memory_space<vmem>> -> memref<1x80x128xf32, #tpu.memory_space<vmem>>
    %dma_start3A_40 = tpu.memref_squeeze %dma_start3A_39 : memref<1x80x128xf32, #tpu.memory_space<vmem>> -> memref<80x128xf32, #tpu.memory_space<vmem>>
    %dma_start3A_41 = arith.constant 9760 : i32
    %dma_start3A_42 = tpu.memref_slice %arg7[%dma_start3A_41] : memref<10000xi32, #tpu.memory_space<vmem>> -> memref<80xi32, #tpu.memory_space<vmem>>
    %dma_start3A_43 = arith.constant 0 : i32
    %dma_start3A_44 = arith.constant 0 : i32
    %dma_start3A_45 = tpu.memref_slice %arg2[%dma_start3A_43, %dma_start3A_44] : memref<10000x128xf32, #tpu.memory_space<hbm>> -> memref<10000x128xf32, #tpu.memory_space<hbm>>
    tpu.enqueue_indirect_dma source(%dma_start3A_45 : memref<10000x128xf32, #tpu.memory_space<hbm>>) target(%dma_start3A_40 : memref<80x128xf32, #tpu.memory_space<vmem>>) offsets(%dma_start3A_42 : memref<80xi32, #tpu.memory_space<vmem>>) semaphore(%arg11 : memref<!tpu.dma_semaphore, #tpu.memory_space<semaphore_mem>>)
    %dma_wait3A_46 = arith.constant 1 : i32
    %dma_wait3A_47 = arith.constant 0 : i32
    %dma_wait3A_48 = arith.constant 0 : i32
    %dma_wait3A_49 = tpu.memref_slice %arg9[%dma_wait3A_46, %dma_wait3A_47, %dma_wait3A_48] : memref<2x80x128xf32, #tpu.memory_space<vmem>> -> memref<1x80x128xf32, #tpu.memory_space<vmem>>
    %dma_wait3A_50 = tpu.memref_squeeze %dma_wait3A_49 : memref<1x80x128xf32, #tpu.memory_space<vmem>> -> memref<80x128xf32, #tpu.memory_space<vmem>>
    %dma_wait3A_51 = arith.constant 0 : i32
    %dma_wait3A_52 = tpu.memref_slice %arg7[%dma_wait3A_51] : memref<10000xi32, #tpu.memory_space<vmem>> -> memref<80xi32, #tpu.memory_space<vmem>>
    %dma_wait3A_53 = arith.constant 0 : i32
    %dma_wait3A_54 = arith.constant 0 : i32
    %dma_wait3A_55 = tpu.memref_slice %arg2[%dma_wait3A_53, %dma_wait3A_54] : memref<10000x128xf32, #tpu.memory_space<hbm>> -> memref<10000x128xf32, #tpu.memory_space<hbm>>
    tpu.wait_indirect_dma semaphore(%arg12 : memref<!tpu.dma_semaphore, #tpu.memory_space<semaphore_mem>>) src(%dma_wait3A_55 : memref<10000x128xf32, #tpu.memory_space<hbm>>) dst(%dma_wait3A_50 : memref<80x128xf32, #tpu.memory_space<vmem>>)
    %run_scoped3A_56 = arith.constant 1 : i32
    %run_scoped3A_57 = arith.constant 121 : i32
    "tpu.region"() ({
      %run_scoped3A_119 = tpu.sem_alloc : memref<!tpu.dma_semaphore, #tpu.memory_space<semaphore_mem>>
      %dma_start3A_120 = arith.constant 0 : i32
      %dma_start3A_121 = arith.constant 0 : i32
      %dma_start3A_122 = tpu.memref_slice %arg9[%run_scoped3A_56, %dma_start3A_120, %dma_start3A_121] : memref<2x80x128xf32, #tpu.memory_space<vmem>> -> memref<1x80x128xf32, #tpu.memory_space<vmem>>
      %dma_start3A_123 = tpu.memref_squeeze %dma_start3A_122 : memref<1x80x128xf32, #tpu.memory_space<vmem>> -> memref<80x128xf32, #tpu.memory_space<vmem>>
      %dma_start3A_124 = arith.constant 0 : i32
      %dma_start3A_125 = tpu.memref_slice %arg8[%run_scoped3A_57, %dma_start3A_124] : memref<125x80xi32, #tpu.memory_space<vmem>> -> memref<1x80xi32, #tpu.memory_space<vmem>>
      %dma_start3A_126 = tpu.memref_squeeze %dma_start3A_125 : memref<1x80xi32, #tpu.memory_space<vmem>> -> memref<80xi32, #tpu.memory_space<vmem>>
      %dma_start3A_127 = arith.constant 0 : i32
      %dma_start3A_128 = arith.constant 0 : i32
      %dma_start3A_129 = tpu.memref_slice %arg10[%dma_start3A_127, %dma_start3A_128] : memref<10240x128xf32, #tpu.memory_space<vmem_shared>> -> memref<10240x128xf32, #tpu.memory_space<vmem_shared>>
      tpu.enqueue_indirect_dma source(%dma_start3A_123 : memref<80x128xf32, #tpu.memory_space<vmem>>) target(%dma_start3A_129 : memref<10240x128xf32, #tpu.memory_space<vmem_shared>>) offsets(%dma_start3A_126 : memref<80xi32, #tpu.memory_space<vmem>>) semaphore(%run_scoped3A_119 : memref<!tpu.dma_semaphore, #tpu.memory_space<semaphore_mem>>) {add = true}
      %dma_wait3A_130 = arith.constant 0 : i32
      %dma_wait3A_131 = arith.constant 0 : i32
      %dma_wait3A_132 = tpu.memref_slice %arg9[%run_scoped3A_56, %dma_wait3A_130, %dma_wait3A_131] : memref<2x80x128xf32, #tpu.memory_space<vmem>> -> memref<1x80x128xf32, #tpu.memory_space<vmem>>
      %dma_wait3A_133 = tpu.memref_squeeze %dma_wait3A_132 : memref<1x80x128xf32, #tpu.memory_space<vmem>> -> memref<80x128xf32, #tpu.memory_space<vmem>>
      %dma_wait3A_134 = arith.constant 0 : i32
      %dma_wait3A_135 = tpu.memref_slice %arg8[%run_scoped3A_57, %dma_wait3A_134] : memref<125x80xi32, #tpu.memory_space<vmem>> -> memref<1x80xi32, #tpu.memory_space<vmem>>
      %dma_wait3A_136 = tpu.memref_squeeze %dma_wait3A_135 : memref<1x80xi32, #tpu.memory_space<vmem>> -> memref<80xi32, #tpu.memory_space<vmem>>
      %dma_wait3A_137 = arith.constant 0 : i32
      %dma_wait3A_138 = arith.constant 0 : i32
      %dma_wait3A_139 = tpu.memref_slice %arg10[%dma_wait3A_137, %dma_wait3A_138] : memref<10240x128xf32, #tpu.memory_space<vmem_shared>> -> memref<10240x128xf32, #tpu.memory_space<vmem_shared>>
      tpu.wait_indirect_dma semaphore(%run_scoped3A_119 : memref<!tpu.dma_semaphore, #tpu.memory_space<semaphore_mem>>) src(%dma_wait3A_133 : memref<80x128xf32, #tpu.memory_space<vmem>>) dst(%dma_wait3A_139 : memref<10240x128xf32, #tpu.memory_space<vmem_shared>>)
      tpu.yield
    }) : () -> ()
    %dma_start3A_58 = arith.constant 1 : i32
    %dma_start3A_59 = arith.constant 0 : i32
    %dma_start3A_60 = arith.constant 0 : i32
    %dma_start3A_61 = tpu.memref_slice %arg9[%dma_start3A_58, %dma_start3A_59, %dma_start3A_60] : memref<2x80x128xf32, #tpu.memory_space<vmem>> -> memref<1x80x128xf32, #tpu.memory_space<vmem>>
    %dma_start3A_62 = tpu.memref_squeeze %dma_start3A_61 : memref<1x80x128xf32, #tpu.memory_space<vmem>> -> memref<80x128xf32, #tpu.memory_space<vmem>>
    %dma_start3A_63 = arith.constant 9840 : i32
    %dma_start3A_64 = tpu.memref_slice %arg7[%dma_start3A_63] : memref<10000xi32, #tpu.memory_space<vmem>> -> memref<80xi32, #tpu.memory_space<vmem>>
    %dma_start3A_65 = arith.constant 0 : i32
    %dma_start3A_66 = arith.constant 0 : i32
    %dma_start3A_67 = tpu.memref_slice %arg2[%dma_start3A_65, %dma_start3A_66] : memref<10000x128xf32, #tpu.memory_space<hbm>> -> memref<10000x128xf32, #tpu.memory_space<hbm>>
    tpu.enqueue_indirect_dma source(%dma_start3A_67 : memref<10000x128xf32, #tpu.memory_space<hbm>>) target(%dma_start3A_62 : memref<80x128xf32, #tpu.memory_space<vmem>>) offsets(%dma_start3A_64 : memref<80xi32, #tpu.memory_space<vmem>>) semaphore(%arg12 : memref<!tpu.dma_semaphore, #tpu.memory_space<semaphore_mem>>)
    %dma_wait3A_68 = arith.constant 0 : i32
    %dma_wait3A_69 = arith.constant 0 : i32
    %dma_wait3A_70 = arith.constant 0 : i32
    %dma_wait3A_71 = tpu.memref_slice %arg9[%dma_wait3A_68, %dma_wait3A_69, %dma_wait3A_70] : memref<2x80x128xf32, #tpu.memory_space<vmem>> -> memref<1x80x128xf32, #tpu.memory_space<vmem>>
    %dma_wait3A_72 = tpu.memref_squeeze %dma_wait3A_71 : memref<1x80x128xf32, #tpu.memory_space<vmem>> -> memref<80x128xf32, #tpu.memory_space<vmem>>
    %dma_wait3A_73 = arith.constant 0 : i32
    %dma_wait3A_74 = tpu.memref_slice %arg7[%dma_wait3A_73] : memref<10000xi32, #tpu.memory_space<vmem>> -> memref<80xi32, #tpu.memory_space<vmem>>
    %dma_wait3A_75 = arith.constant 0 : i32
    %dma_wait3A_76 = arith.constant 0 : i32
    %dma_wait3A_77 = tpu.memref_slice %arg2[%dma_wait3A_75, %dma_wait3A_76] : memref<10000x128xf32, #tpu.memory_space<hbm>> -> memref<10000x128xf32, #tpu.memory_space<hbm>>
    tpu.wait_indirect_dma semaphore(%arg11 : memref<!tpu.dma_semaphore, #tpu.memory_space<semaphore_mem>>) src(%dma_wait3A_77 : memref<10000x128xf32, #tpu.memory_space<hbm>>) dst(%dma_wait3A_72 : memref<80x128xf32, #tpu.memory_space<vmem>>)
    %run_scoped3A_78 = arith.constant 0 : i32
    %run_scoped3A_79 = arith.constant 122 : i32
    "tpu.region"() ({
      %run_scoped3A_119 = tpu.sem_alloc : memref<!tpu.dma_semaphore, #tpu.memory_space<semaphore_mem>>
      %dma_start3A_120 = arith.constant 0 : i32
      %dma_start3A_121 = arith.constant 0 : i32
      %dma_start3A_122 = tpu.memref_slice %arg9[%run_scoped3A_78, %dma_start3A_120, %dma_start3A_121] : memref<2x80x128xf32, #tpu.memory_space<vmem>> -> memref<1x80x128xf32, #tpu.memory_space<vmem>>
      %dma_start3A_123 = tpu.memref_squeeze %dma_start3A_122 : memref<1x80x128xf32, #tpu.memory_space<vmem>> -> memref<80x128xf32, #tpu.memory_space<vmem>>
      %dma_start3A_124 = arith.constant 0 : i32
      %dma_start3A_125 = tpu.memref_slice %arg8[%run_scoped3A_79, %dma_start3A_124] : memref<125x80xi32, #tpu.memory_space<vmem>> -> memref<1x80xi32, #tpu.memory_space<vmem>>
      %dma_start3A_126 = tpu.memref_squeeze %dma_start3A_125 : memref<1x80xi32, #tpu.memory_space<vmem>> -> memref<80xi32, #tpu.memory_space<vmem>>
      %dma_start3A_127 = arith.constant 0 : i32
      %dma_start3A_128 = arith.constant 0 : i32
      %dma_start3A_129 = tpu.memref_slice %arg10[%dma_start3A_127, %dma_start3A_128] : memref<10240x128xf32, #tpu.memory_space<vmem_shared>> -> memref<10240x128xf32, #tpu.memory_space<vmem_shared>>
      tpu.enqueue_indirect_dma source(%dma_start3A_123 : memref<80x128xf32, #tpu.memory_space<vmem>>) target(%dma_start3A_129 : memref<10240x128xf32, #tpu.memory_space<vmem_shared>>) offsets(%dma_start3A_126 : memref<80xi32, #tpu.memory_space<vmem>>) semaphore(%run_scoped3A_119 : memref<!tpu.dma_semaphore, #tpu.memory_space<semaphore_mem>>) {add = true}
      %dma_wait3A_130 = arith.constant 0 : i32
      %dma_wait3A_131 = arith.constant 0 : i32
      %dma_wait3A_132 = tpu.memref_slice %arg9[%run_scoped3A_78, %dma_wait3A_130, %dma_wait3A_131] : memref<2x80x128xf32, #tpu.memory_space<vmem>> -> memref<1x80x128xf32, #tpu.memory_space<vmem>>
      %dma_wait3A_133 = tpu.memref_squeeze %dma_wait3A_132 : memref<1x80x128xf32, #tpu.memory_space<vmem>> -> memref<80x128xf32, #tpu.memory_space<vmem>>
      %dma_wait3A_134 = arith.constant 0 : i32
      %dma_wait3A_135 = tpu.memref_slice %arg8[%run_scoped3A_79, %dma_wait3A_134] : memref<125x80xi32, #tpu.memory_space<vmem>> -> memref<1x80xi32, #tpu.memory_space<vmem>>
      %dma_wait3A_136 = tpu.memref_squeeze %dma_wait3A_135 : memref<1x80xi32, #tpu.memory_space<vmem>> -> memref<80xi32, #tpu.memory_space<vmem>>
      %dma_wait3A_137 = arith.constant 0 : i32
      %dma_wait3A_138 = arith.constant 0 : i32
      %dma_wait3A_139 = tpu.memref_slice %arg10[%dma_wait3A_137, %dma_wait3A_138] : memref<10240x128xf32, #tpu.memory_space<vmem_shared>> -> memref<10240x128xf32, #tpu.memory_space<vmem_shared>>
      tpu.wait_indirect_dma semaphore(%run_scoped3A_119 : memref<!tpu.dma_semaphore, #tpu.memory_space<semaphore_mem>>) src(%dma_wait3A_133 : memref<80x128xf32, #tpu.memory_space<vmem>>) dst(%dma_wait3A_139 : memref<10240x128xf32, #tpu.memory_space<vmem_shared>>)
      tpu.yield
    }) : () -> ()
    %dma_start3A_80 = arith.constant 0 : i32
    %dma_start3A_81 = arith.constant 0 : i32
    %dma_start3A_82 = arith.constant 0 : i32
    %dma_start3A_83 = tpu.memref_slice %arg9[%dma_start3A_80, %dma_start3A_81, %dma_start3A_82] : memref<2x80x128xf32, #tpu.memory_space<vmem>> -> memref<1x80x128xf32, #tpu.memory_space<vmem>>
    %dma_start3A_84 = tpu.memref_squeeze %dma_start3A_83 : memref<1x80x128xf32, #tpu.memory_space<vmem>> -> memref<80x128xf32, #tpu.memory_space<vmem>>
    %dma_start3A_85 = arith.constant 9920 : i32
    %dma_start3A_86 = tpu.memref_slice %arg7[%dma_start3A_85] : memref<10000xi32, #tpu.memory_space<vmem>> -> memref<80xi32, #tpu.memory_space<vmem>>
    %dma_start3A_87 = arith.constant 0 : i32
    %dma_start3A_88 = arith.constant 0 : i32
    %dma_start3A_89 = tpu.memref_slice %arg2[%dma_start3A_87, %dma_start3A_88] : memref<10000x128xf32, #tpu.memory_space<hbm>> -> memref<10000x128xf32, #tpu.memory_space<hbm>>
    tpu.enqueue_indirect_dma source(%dma_start3A_89 : memref<10000x128xf32, #tpu.memory_space<hbm>>) target(%dma_start3A_84 : memref<80x128xf32, #tpu.memory_space<vmem>>) offsets(%dma_start3A_86 : memref<80xi32, #tpu.memory_space<vmem>>) semaphore(%arg11 : memref<!tpu.dma_semaphore, #tpu.memory_space<semaphore_mem>>)
    %dma_wait3A_90 = arith.constant 1 : i32
    %dma_wait3A_91 = arith.constant 0 : i32
    %dma_wait3A_92 = arith.constant 0 : i32
    %dma_wait3A_93 = tpu.memref_slice %arg9[%dma_wait3A_90, %dma_wait3A_91, %dma_wait3A_92] : memref<2x80x128xf32, #tpu.memory_space<vmem>> -> memref<1x80x128xf32, #tpu.memory_space<vmem>>
    %dma_wait3A_94 = tpu.memref_squeeze %dma_wait3A_93 : memref<1x80x128xf32, #tpu.memory_space<vmem>> -> memref<80x128xf32, #tpu.memory_space<vmem>>
    %dma_wait3A_95 = arith.constant 0 : i32
    %dma_wait3A_96 = tpu.memref_slice %arg7[%dma_wait3A_95] : memref<10000xi32, #tpu.memory_space<vmem>> -> memref<80xi32, #tpu.memory_space<vmem>>
    %dma_wait3A_97 = arith.constant 0 : i32
    %dma_wait3A_98 = arith.constant 0 : i32
    %dma_wait3A_99 = tpu.memref_slice %arg2[%dma_wait3A_97, %dma_wait3A_98] : memref<10000x128xf32, #tpu.memory_space<hbm>> -> memref<10000x128xf32, #tpu.memory_space<hbm>>
    tpu.wait_indirect_dma semaphore(%arg12 : memref<!tpu.dma_semaphore, #tpu.memory_space<semaphore_mem>>) src(%dma_wait3A_99 : memref<10000x128xf32, #tpu.memory_space<hbm>>) dst(%dma_wait3A_94 : memref<80x128xf32, #tpu.memory_space<vmem>>)
    %run_scoped3A_100 = arith.constant 1 : i32
    %run_scoped3A_101 = arith.constant 123 : i32
    "tpu.region"() ({
      %run_scoped3A_119 = tpu.sem_alloc : memref<!tpu.dma_semaphore, #tpu.memory_space<semaphore_mem>>
      %dma_start3A_120 = arith.constant 0 : i32
      %dma_start3A_121 = arith.constant 0 : i32
      %dma_start3A_122 = tpu.memref_slice %arg9[%run_scoped3A_100, %dma_start3A_120, %dma_start3A_121] : memref<2x80x128xf32, #tpu.memory_space<vmem>> -> memref<1x80x128xf32, #tpu.memory_space<vmem>>
      %dma_start3A_123 = tpu.memref_squeeze %dma_start3A_122 : memref<1x80x128xf32, #tpu.memory_space<vmem>> -> memref<80x128xf32, #tpu.memory_space<vmem>>
      %dma_start3A_124 = arith.constant 0 : i32
      %dma_start3A_125 = tpu.memref_slice %arg8[%run_scoped3A_101, %dma_start3A_124] : memref<125x80xi32, #tpu.memory_space<vmem>> -> memref<1x80xi32, #tpu.memory_space<vmem>>
      %dma_start3A_126 = tpu.memref_squeeze %dma_start3A_125 : memref<1x80xi32, #tpu.memory_space<vmem>> -> memref<80xi32, #tpu.memory_space<vmem>>
      %dma_start3A_127 = arith.constant 0 : i32
      %dma_start3A_128 = arith.constant 0 : i32
      %dma_start3A_129 = tpu.memref_slice %arg10[%dma_start3A_127, %dma_start3A_128] : memref<10240x128xf32, #tpu.memory_space<vmem_shared>> -> memref<10240x128xf32, #tpu.memory_space<vmem_shared>>
      tpu.enqueue_indirect_dma source(%dma_start3A_123 : memref<80x128xf32, #tpu.memory_space<vmem>>) target(%dma_start3A_129 : memref<10240x128xf32, #tpu.memory_space<vmem_shared>>) offsets(%dma_start3A_126 : memref<80xi32, #tpu.memory_space<vmem>>) semaphore(%run_scoped3A_119 : memref<!tpu.dma_semaphore, #tpu.memory_space<semaphore_mem>>) {add = true}
      %dma_wait3A_130 = arith.constant 0 : i32
      %dma_wait3A_131 = arith.constant 0 : i32
      %dma_wait3A_132 = tpu.memref_slice %arg9[%run_scoped3A_100, %dma_wait3A_130, %dma_wait3A_131] : memref<2x80x128xf32, #tpu.memory_space<vmem>> -> memref<1x80x128xf32, #tpu.memory_space<vmem>>
      %dma_wait3A_133 = tpu.memref_squeeze %dma_wait3A_132 : memref<1x80x128xf32, #tpu.memory_space<vmem>> -> memref<80x128xf32, #tpu.memory_space<vmem>>
      %dma_wait3A_134 = arith.constant 0 : i32
      %dma_wait3A_135 = tpu.memref_slice %arg8[%run_scoped3A_101, %dma_wait3A_134] : memref<125x80xi32, #tpu.memory_space<vmem>> -> memref<1x80xi32, #tpu.memory_space<vmem>>
      %dma_wait3A_136 = tpu.memref_squeeze %dma_wait3A_135 : memref<1x80xi32, #tpu.memory_space<vmem>> -> memref<80xi32, #tpu.memory_space<vmem>>
      %dma_wait3A_137 = arith.constant 0 : i32
      %dma_wait3A_138 = arith.constant 0 : i32
      %dma_wait3A_139 = tpu.memref_slice %arg10[%dma_wait3A_137, %dma_wait3A_138] : memref<10240x128xf32, #tpu.memory_space<vmem_shared>> -> memref<10240x128xf32, #tpu.memory_space<vmem_shared>>
      tpu.wait_indirect_dma semaphore(%run_scoped3A_119 : memref<!tpu.dma_semaphore, #tpu.memory_space<semaphore_mem>>) src(%dma_wait3A_133 : memref<80x128xf32, #tpu.memory_space<vmem>>) dst(%dma_wait3A_139 : memref<10240x128xf32, #tpu.memory_space<vmem_shared>>)
      tpu.yield
    }) : () -> ()
    %dma_wait3A_102 = arith.constant 0 : i32
    %dma_wait3A_103 = arith.constant 0 : i32
    %dma_wait3A_104 = arith.constant 0 : i32
    %dma_wait3A_105 = tpu.memref_slice %arg9[%dma_wait3A_102, %dma_wait3A_103, %dma_wait3A_104] : memref<2x80x128xf32, #tpu.memory_space<vmem>> -> memref<1x80x128xf32, #tpu.memory_space<vmem>>
    %dma_wait3A_106 = tpu.memref_squeeze %dma_wait3A_105 : memref<1x80x128xf32, #tpu.memory_space<vmem>> -> memref<80x128xf32, #tpu.memory_space<vmem>>
    %dma_wait3A_107 = arith.constant 0 : i32
    %dma_wait3A_108 = tpu.memref_slice %arg7[%dma_wait3A_107] : memref<10000xi32, #tpu.memory_space<vmem>> -> memref<80xi32, #tpu.memory_space<vmem>>
    %dma_wait3A_109 = arith.constant 0 : i32
    %dma_wait3A_110 = arith.constant 0 : i32
    %dma_wait3A_111 = tpu.memref_slice %arg2[%dma_wait3A_109, %dma_wait3A_110] : memref<10000x128xf32, #tpu.memory_space<hbm>> -> memref<10000x128xf32, #tpu.memory_space<hbm>>
    tpu.wait_indirect_dma semaphore(%arg11 : memref<!tpu.dma_semaphore, #tpu.memory_space<semaphore_mem>>) src(%dma_wait3A_111 : memref<10000x128xf32, #tpu.memory_space<hbm>>) dst(%dma_wait3A_106 : memref<80x128xf32, #tpu.memory_space<vmem>>)
    %run_scoped3A_112 = arith.constant 0 : i32
    %run_scoped3A_113 = arith.constant 124 : i32
    "tpu.region"() ({
      %run_scoped3A_119 = tpu.sem_alloc : memref<!tpu.dma_semaphore, #tpu.memory_space<semaphore_mem>>
      %dma_start3A_120 = arith.constant 0 : i32
      %dma_start3A_121 = arith.constant 0 : i32
      %dma_start3A_122 = tpu.memref_slice %arg9[%run_scoped3A_112, %dma_start3A_120, %dma_start3A_121] : memref<2x80x128xf32, #tpu.memory_space<vmem>> -> memref<1x80x128xf32, #tpu.memory_space<vmem>>
      %dma_start3A_123 = tpu.memref_squeeze %dma_start3A_122 : memref<1x80x128xf32, #tpu.memory_space<vmem>> -> memref<80x128xf32, #tpu.memory_space<vmem>>
      %dma_start3A_124 = arith.constant 0 : i32
      %dma_start3A_125 = tpu.memref_slice %arg8[%run_scoped3A_113, %dma_start3A_124] : memref<125x80xi32, #tpu.memory_space<vmem>> -> memref<1x80xi32, #tpu.memory_space<vmem>>
      %dma_start3A_126 = tpu.memref_squeeze %dma_start3A_125 : memref<1x80xi32, #tpu.memory_space<vmem>> -> memref<80xi32, #tpu.memory_space<vmem>>
      %dma_start3A_127 = arith.constant 0 : i32
      %dma_start3A_128 = arith.constant 0 : i32
      %dma_start3A_129 = tpu.memref_slice %arg10[%dma_start3A_127, %dma_start3A_128] : memref<10240x128xf32, #tpu.memory_space<vmem_shared>> -> memref<10240x128xf32, #tpu.memory_space<vmem_shared>>
      tpu.enqueue_indirect_dma source(%dma_start3A_123 : memref<80x128xf32, #tpu.memory_space<vmem>>) target(%dma_start3A_129 : memref<10240x128xf32, #tpu.memory_space<vmem_shared>>) offsets(%dma_start3A_126 : memref<80xi32, #tpu.memory_space<vmem>>) semaphore(%run_scoped3A_119 : memref<!tpu.dma_semaphore, #tpu.memory_space<semaphore_mem>>) {add = true}
      %dma_wait3A_130 = arith.constant 0 : i32
      %dma_wait3A_131 = arith.constant 0 : i32
      %dma_wait3A_132 = tpu.memref_slice %arg9[%run_scoped3A_112, %dma_wait3A_130, %dma_wait3A_131] : memref<2x80x128xf32, #tpu.memory_space<vmem>> -> memref<1x80x128xf32, #tpu.memory_space<vmem>>
      %dma_wait3A_133 = tpu.memref_squeeze %dma_wait3A_132 : memref<1x80x128xf32, #tpu.memory_space<vmem>> -> memref<80x128xf32, #tpu.memory_space<vmem>>
      %dma_wait3A_134 = arith.constant 0 : i32
      %dma_wait3A_135 = tpu.memref_slice %arg8[%run_scoped3A_113, %dma_wait3A_134] : memref<125x80xi32, #tpu.memory_space<vmem>> -> memref<1x80xi32, #tpu.memory_space<vmem>>
      %dma_wait3A_136 = tpu.memref_squeeze %dma_wait3A_135 : memref<1x80xi32, #tpu.memory_space<vmem>> -> memref<80xi32, #tpu.memory_space<vmem>>
      %dma_wait3A_137 = arith.constant 0 : i32
      %dma_wait3A_138 = arith.constant 0 : i32
      %dma_wait3A_139 = tpu.memref_slice %arg10[%dma_wait3A_137, %dma_wait3A_138] : memref<10240x128xf32, #tpu.memory_space<vmem_shared>> -> memref<10240x128xf32, #tpu.memory_space<vmem_shared>>
      tpu.wait_indirect_dma semaphore(%run_scoped3A_119 : memref<!tpu.dma_semaphore, #tpu.memory_space<semaphore_mem>>) src(%dma_wait3A_133 : memref<80x128xf32, #tpu.memory_space<vmem>>) dst(%dma_wait3A_139 : memref<10240x128xf32, #tpu.memory_space<vmem_shared>>)
      tpu.yield
    }) : () -> ()
    %barrier3A_114 = arith.constant 0 : index
    tpu.barrier barrier_id(%barrier3A_114)
    %mul3A_115 = arith.constant 640 : i32
    %mul3A_116 = arith.muli %arg1, %mul3A_115 : i32
    %mul3A_117 = arith.constant 640 : i32
    %mul3A_118 = arith.muli %arg1, %mul3A_117 : i32
    "tpu.region"() ({
      %run_scoped3A_119 = tpu.sem_alloc : memref<!tpu.dma_semaphore, #tpu.memory_space<semaphore_mem>>
      %dma_start3A_120 = arith.constant 0 : i32
      %dma_start3A_121 = arith.constant 0 : i32
      %dma_start3A_122 = tpu.memref_slice %arg6[%arg0, %dma_start3A_120, %dma_start3A_121] : memref<2x10240x128xf32, #tpu.memory_space<hbm>> -> memref<1x10240x128xf32, #tpu.memory_space<hbm>>
      %dma_start3A_123 = tpu.memref_squeeze %dma_start3A_122 : memref<1x10240x128xf32, #tpu.memory_space<hbm>> -> memref<10240x128xf32, #tpu.memory_space<hbm>>
      %dma_start3A_124 = arith.constant 0 : i32
      %dma_start3A_125 = tpu.memref_slice %dma_start3A_123[%mul3A_118, %dma_start3A_124] : memref<10240x128xf32, #tpu.memory_space<hbm>> -> memref<640x128xf32, #tpu.memory_space<hbm>>
      %dma_start3A_126 = arith.constant 0 : i32
      %dma_start3A_127 = tpu.memref_slice %arg10[%mul3A_116, %dma_start3A_126] : memref<10240x128xf32, #tpu.memory_space<vmem_shared>> -> memref<640x128xf32, #tpu.memory_space<vmem_shared>>
      tpu.enqueue_dma source(%dma_start3A_127 : memref<640x128xf32, #tpu.memory_space<vmem_shared>>) target(%dma_start3A_125 : memref<640x128xf32, #tpu.memory_space<hbm>>) target_semaphore(%run_scoped3A_119 : memref<!tpu.dma_semaphore, #tpu.memory_space<semaphore_mem>>)
      %dma_wait3A_128 = arith.constant 0 : i32
      %dma_wait3A_129 = arith.constant 0 : i32
      %dma_wait3A_130 = tpu.memref_slice %arg6[%arg0, %dma_wait3A_128, %dma_wait3A_129] : memref<2x10240x128xf32, #tpu.memory_space<hbm>> -> memref<1x10240x128xf32, #tpu.memory_space<hbm>>
      %dma_wait3A_131 = tpu.memref_squeeze %dma_wait3A_130 : memref<1x10240x128xf32, #tpu.memory_space<hbm>> -> memref<10240x128xf32, #tpu.memory_space<hbm>>
      %dma_wait3A_132 = arith.constant 0 : i32
      %dma_wait3A_133 = tpu.memref_slice %dma_wait3A_131[%mul3A_118, %dma_wait3A_132] : memref<10240x128xf32, #tpu.memory_space<hbm>> -> memref<640x128xf32, #tpu.memory_space<hbm>>
      %dma_wait3A_134 = arith.constant 0 : i32
      %dma_wait3A_135 = tpu.memref_slice %arg10[%mul3A_116, %dma_wait3A_134] : memref<10240x128xf32, #tpu.memory_space<vmem_shared>> -> memref<640x128xf32, #tpu.memory_space<vmem_shared>>
      tpu.wait_dma2 semaphore(%run_scoped3A_119 : memref<!tpu.dma_semaphore, #tpu.memory_space<semaphore_mem>>) src(%dma_wait3A_135 : memref<640x128xf32, #tpu.memory_space<vmem_shared>>) dst(%dma_wait3A_133 : memref<640x128xf32, #tpu.memory_space<hbm>>)
      tpu.yield
    }) : () -> ()
    return
  }
}

#map = affine_map<(d0, d1) -> (0, 0)>
#map1 = affine_map<(d0, d1) -> (0, 0, 0)>
module attributes {stable_mosaic.version = 14 : i64} {
  func.func @_propagate(%arg0: i32, %arg1: i32, %arg2: memref<10000x128xf32, #tpu.memory_space<hbm>>, %arg3: memref<32x10000xi32, #tpu.memory_space<hbm>>, %arg4: memref<32x125x80xi32, #tpu.memory_space<hbm>>, %arg5: memref<640x128xf32, #tpu.memory_space<hbm>>, %arg6: memref<2x10240x128xf32, #tpu.memory_space<hbm>>, %arg7: memref<10000xi32, #tpu.memory_space<vmem>>, %arg8: memref<125x80xi32, #tpu.memory_space<vmem>>, %arg9: memref<2x80x128xf32, #tpu.memory_space<vmem>>, %arg10: memref<10240x128xf32, #tpu.memory_space<vmem_shared>>, %arg11: memref<!tpu.dma_semaphore, #tpu.memory_space<semaphore_mem>>, %arg12: memref<!tpu.dma_semaphore, #tpu.memory_space<semaphore_mem>>) attributes {dimension_semantics = [#tpu.dimension_semantics<core_parallel>, #tpu.dimension_semantics<subcore_parallel>], iteration_bounds = array<i64: 2, 16>, scalar_prefetch = 0 : i64, scratch_operands = 6 : i64, tpu.core_type = #tpu.core_type<sc_vector_subcore>, window_params = [{transform_indices = #map}, {transform_indices = #map}, {transform_indices = #map1}, {transform_indices = #map}, {transform_indices = #map1}]} {
    %mul3A = arith.constant 16 : i32
    %mul3A_0 = arith.muli %arg0, %mul3A : i32
    %add3A = arith.addi %mul3A_0, %arg1 : i32
    "tpu.region"() ({
      %run_scoped3A_119 = tpu.sem_alloc : memref<!tpu.dma_semaphore, #tpu.memory_space<semaphore_mem>>
      %dma_start3A_120 = arith.constant 0 : i32
      %dma_start3A_121 = tpu.memref_slice %arg3[%add3A, %dma_start3A_120] : memref<32x10000xi32, #tpu.memory_space<hbm>> -> memref<1x10000xi32, #tpu.memory_space<hbm>>
      %dma_start3A_122 = tpu.memref_squeeze %dma_start3A_121 : memref<1x10000xi32, #tpu.memory_space<hbm>> -> memref<10000xi32, #tpu.memory_space<hbm>>
      %dma_start3A_123 = arith.constant 0 : i32
      %dma_start3A_124 = tpu.memref_slice %arg3[%add3A, %dma_start3A_123] : memref<32x10000xi32, #tpu.memory_space<hbm>> -> memref<1x10000xi32, #tpu.memory_space<hbm>>
      %dma_start3A_125 = tpu.memref_squeeze %dma_start3A_124 : memref<1x10000xi32, #tpu.memory_space<hbm>> -> memref<10000xi32, #tpu.memory_space<hbm>>
      tpu.enqueue_dma source(%dma_start3A_125 : memref<10000xi32, #tpu.memory_space<hbm>>) target(%arg7 : memref<10000xi32, #tpu.memory_space<vmem>>) target_semaphore(%run_scoped3A_119 : memref<!tpu.dma_semaphore, #tpu.memory_space<semaphore_mem>>)
      %dma_wait3A_126 = arith.constant 0 : i32
      %dma_wait3A_127 = tpu.memref_slice %arg3[%add3A, %dma_wait3A_126] : memref<32x10000xi32, #tpu.memory_space<hbm>> -> memref<1x10000xi32, #tpu.memory_space<hbm>>
      %dma_wait3A_128 = tpu.memref_squeeze %dma_wait3A_127 : memref<1x10000xi32, #tpu.memory_space<hbm>> -> memref<10000xi32, #tpu.memory_space<hbm>>
      %dma_wait3A_129 = arith.constant 0 : i32
      %dma_wait3A_130 = tpu.memref_slice %arg3[%add3A, %dma_wait3A_129] : memref<32x10000xi32, #tpu.memory_space<hbm>> -> memref<1x10000xi32, #tpu.memory_space<hbm>>
      %dma_wait3A_131 = tpu.memref_squeeze %dma_wait3A_130 : memref<1x10000xi32, #tpu.memory_space<hbm>> -> memref<10000xi32, #tpu.memory_space<hbm>>
      tpu.wait_dma2 semaphore(%run_scoped3A_119 : memref<!tpu.dma_semaphore, #tpu.memory_space<semaphore_mem>>) src(%dma_wait3A_131 : memref<10000xi32, #tpu.memory_space<hbm>>) dst(%arg7 : memref<10000xi32, #tpu.memory_space<vmem>>)
      tpu.yield
    }) : () -> ()
    "tpu.region"() ({
      %run_scoped3A_119 = tpu.sem_alloc : memref<!tpu.dma_semaphore, #tpu.memory_space<semaphore_mem>>
      %dma_start3A_120 = arith.constant 0 : i32
      %dma_start3A_121 = arith.constant 0 : i32
      %dma_start3A_122 = tpu.memref_slice %arg4[%add3A, %dma_start3A_120, %dma_start3A_121] : memref<32x125x80xi32, #tpu.memory_space<hbm>> -> memref<1x125x80xi32, #tpu.memory_space<hbm>>
      %dma_start3A_123 = tpu.memref_squeeze %dma_start3A_122 : memref<1x125x80xi32, #tpu.memory_space<hbm>> -> memref<125x80xi32, #tpu.memory_space<hbm>>
      %dma_start3A_124 = arith.constant 0 : i32
      %dma_start3A_125 = arith.constant 0 : i32
      %dma_start3A_126 = tpu.memref_slice %arg4[%add3A, %dma_start3A_124, %dma_start3A_125] : memref<32x125x80xi32, #tpu.memory_space<hbm>> -> memref<1x125x80xi32, #tpu.memory_space<hbm>>
      %dma_start3A_127 = tpu.memref_squeeze %dma_start3A_126 : memref<1x125x80xi32, #tpu.memory_space<hbm>> -> memref<125x80xi32, #tpu.memory_space<hbm>>
      tpu.enqueue_dma source(%dma_start3A_127 : memref<125x80xi32, #tpu.memory_space<hbm>>) target(%arg8 : memref<125x80xi32, #tpu.memory_space<vmem>>) target_semaphore(%run_scoped3A_119 : memref<!tpu.dma_semaphore, #tpu.memory_space<semaphore_mem>>)
      %dma_wait3A_128 = arith.constant 0 : i32
      %dma_wait3A_129 = arith.constant 0 : i32
      %dma_wait3A_130 = tpu.memref_slice %arg4[%add3A, %dma_wait3A_128, %dma_wait3A_129] : memref<32x125x80xi32, #tpu.memory_space<hbm>> -> memref<1x125x80xi32, #tpu.memory_space<hbm>>
      %dma_wait3A_131 = tpu.memref_squeeze %dma_wait3A_130 : memref<1x125x80xi32, #tpu.memory_space<hbm>> -> memref<125x80xi32, #tpu.memory_space<hbm>>
      %dma_wait3A_132 = arith.constant 0 : i32
      %dma_wait3A_133 = arith.constant 0 : i32
      %dma_wait3A_134 = tpu.memref_slice %arg4[%add3A, %dma_wait3A_132, %dma_wait3A_133] : memref<32x125x80xi32, #tpu.memory_space<hbm>> -> memref<1x125x80xi32, #tpu.memory_space<hbm>>
      %dma_wait3A_135 = tpu.memref_squeeze %dma_wait3A_134 : memref<1x125x80xi32, #tpu.memory_space<hbm>> -> memref<125x80xi32, #tpu.memory_space<hbm>>
      tpu.wait_dma2 semaphore(%run_scoped3A_119 : memref<!tpu.dma_semaphore, #tpu.memory_space<semaphore_mem>>) src(%dma_wait3A_135 : memref<125x80xi32, #tpu.memory_space<hbm>>) dst(%arg8 : memref<125x80xi32, #tpu.memory_space<vmem>>)
      tpu.yield
    }) : () -> ()
    %mul3A_1 = arith.constant 640 : i32
    %mul3A_2 = arith.muli %arg1, %mul3A_1 : i32
    "tpu.region"() ({
      %run_scoped3A_119 = tpu.sem_alloc : memref<!tpu.dma_semaphore, #tpu.memory_space<semaphore_mem>>
      %dma_start3A_120 = arith.constant 0 : i32
      %dma_start3A_121 = tpu.memref_slice %arg10[%mul3A_2, %dma_start3A_120] : memref<10240x128xf32, #tpu.memory_space<vmem_shared>> -> memref<640x128xf32, #tpu.memory_space<vmem_shared>>
      tpu.enqueue_dma source(%arg5 : memref<640x128xf32, #tpu.memory_space<hbm>>) target(%dma_start3A_121 : memref<640x128xf32, #tpu.memory_space<vmem_shared>>) target_semaphore(%run_scoped3A_119 : memref<!tpu.dma_semaphore, #tpu.memory_space<semaphore_mem>>)
      %dma_wait3A_122 = arith.constant 0 : i32
      %dma_wait3A_123 = tpu.memref_slice %arg10[%mul3A_2, %dma_wait3A_122] : memref<10240x128xf32, #tpu.memory_space<vmem_shared>> -> memref<640x128xf32, #tpu.memory_space<vmem_shared>>
      tpu.wait_dma2 semaphore(%run_scoped3A_119 : memref<!tpu.dma_semaphore, #tpu.memory_space<semaphore_mem>>) src(%arg5 : memref<640x128xf32, #tpu.memory_space<hbm>>) dst(%dma_wait3A_123 : memref<640x128xf32, #tpu.memory_space<vmem_shared>>)
      tpu.yield
    }) : () -> ()
    %barrier3A = arith.constant 0 : index
    tpu.barrier barrier_id(%barrier3A)
    %dma_start3A = arith.constant 0 : i32
    %dma_start3A_3 = arith.constant 0 : i32
    %dma_start3A_4 = arith.constant 0 : i32
    %dma_start3A_5 = tpu.memref_slice %arg9[%dma_start3A, %dma_start3A_3, %dma_start3A_4] : memref<2x80x128xf32, #tpu.memory_space<vmem>> -> memref<1x80x128xf32, #tpu.memory_space<vmem>>
    %dma_start3A_6 = tpu.memref_squeeze %dma_start3A_5 : memref<1x80x128xf32, #tpu.memory_space<vmem>> -> memref<80x128xf32, #tpu.memory_space<vmem>>
    %dma_start3A_7 = arith.constant 0 : i32
    %dma_start3A_8 = tpu.memref_slice %arg7[%dma_start3A_7] : memref<10000xi32, #tpu.memory_space<vmem>> -> memref<80xi32, #tpu.memory_space<vmem>>
    %dma_start3A_9 = arith.constant 0 : i32
    %dma_start3A_10 = arith.constant 0 : i32
    %dma_start3A_11 = tpu.memref_slice %arg2[%dma_start3A_9, %dma_start3A_10] : memref<10000x128xf32, #tpu.memory_space<hbm>> -> memref<10000x128xf32, #tpu.memory_space<hbm>>
    tpu.enqueue_indirect_dma source(%dma_start3A_11 : memref<10000x128xf32, #tpu.memory_space<hbm>>) target(%dma_start3A_6 : memref<80x128xf32, #tpu.memory_space<vmem>>) offsets(%dma_start3A_8 : memref<80xi32, #tpu.memory_space<vmem>>) semaphore(%arg11 : memref<!tpu.dma_semaphore, #tpu.memory_space<semaphore_mem>>)
    %dma_start3A_12 = arith.constant 1 : i32
    %dma_start3A_13 = arith.constant 0 : i32
    %dma_start3A_14 = arith.constant 0 : i32
    %dma_start3A_15 = tpu.memref_slice %arg9[%dma_start3A_12, %dma_start3A_13, %dma_start3A_14] : memref<2x80x128xf32, #tpu.memory_space<vmem>> -> memref<1x80x128xf32, #tpu.memory_space<vmem>>
    %dma_start3A_16 = tpu.memref_squeeze %dma_start3A_15 : memref<1x80x128xf32, #tpu.memory_space<vmem>> -> memref<80x128xf32, #tpu.memory_space<vmem>>
    %dma_start3A_17 = arith.constant 80 : i32
    %dma_start3A_18 = tpu.memref_slice %arg7[%dma_start3A_17] : memref<10000xi32, #tpu.memory_space<vmem>> -> memref<80xi32, #tpu.memory_space<vmem>>
    %dma_start3A_19 = arith.constant 0 : i32
    %dma_start3A_20 = arith.constant 0 : i32
    %dma_start3A_21 = tpu.memref_slice %arg2[%dma_start3A_19, %dma_start3A_20] : memref<10000x128xf32, #tpu.memory_space<hbm>> -> memref<10000x128xf32, #tpu.memory_space<hbm>>
    tpu.enqueue_indirect_dma source(%dma_start3A_21 : memref<10000x128xf32, #tpu.memory_space<hbm>>) target(%dma_start3A_16 : memref<80x128xf32, #tpu.memory_space<vmem>>) offsets(%dma_start3A_18 : memref<80xi32, #tpu.memory_space<vmem>>) semaphore(%arg12 : memref<!tpu.dma_semaphore, #tpu.memory_space<semaphore_mem>>)
    %scan3A = arith.constant 0 : i32
    %scan3A_22 = arith.constant 30 : i32
    %scan3A_23 = arith.addi %scan3A, %scan3A_22 : i32
    %scan3A_24 = arith.constant 1 : i32
    scf.for %scan3A_119 = %scan3A to %scan3A_23 step %scan3A_24  : i32 {
      %mul3A_120 = arith.constant 4 : i32
      %mul3A_121 = arith.muli %scan3A_119, %mul3A_120 : i32
      %add3A_122 = arith.constant 0 : i32
      %add3A_123 = arith.addi %add3A_122, %mul3A_121 : i32
      %dma_wait3A_124 = arith.constant 0 : i32
      %dma_wait3A_125 = arith.constant 0 : i32
      %dma_wait3A_126 = arith.constant 0 : i32
      %dma_wait3A_127 = tpu.memref_slice %arg9[%dma_wait3A_124, %dma_wait3A_125, %dma_wait3A_126] : memref<2x80x128xf32, #tpu.memory_space<vmem>> -> memref<1x80x128xf32, #tpu.memory_space<vmem>>
      %dma_wait3A_128 = tpu.memref_squeeze %dma_wait3A_127 : memref<1x80x128xf32, #tpu.memory_space<vmem>> -> memref<80x128xf32, #tpu.memory_space<vmem>>
      %dma_wait3A_129 = arith.constant 0 : i32
      %dma_wait3A_130 = tpu.memref_slice %arg7[%dma_wait3A_129] : memref<10000xi32, #tpu.memory_space<vmem>> -> memref<80xi32, #tpu.memory_space<vmem>>
      %dma_wait3A_131 = arith.constant 0 : i32
      %dma_wait3A_132 = arith.constant 0 : i32
      %dma_wait3A_133 = tpu.memref_slice %arg2[%dma_wait3A_131, %dma_wait3A_132] : memref<10000x128xf32, #tpu.memory_space<hbm>> -> memref<10000x128xf32, #tpu.memory_space<hbm>>
      tpu.wait_indirect_dma semaphore(%arg11 : memref<!tpu.dma_semaphore, #tpu.memory_space<semaphore_mem>>) src(%dma_wait3A_133 : memref<10000x128xf32, #tpu.memory_space<hbm>>) dst(%dma_wait3A_128 : memref<80x128xf32, #tpu.memory_space<vmem>>)
      %run_scoped3A_134 = arith.constant 0 : i32
      "tpu.region"() ({
        %run_scoped3A_224 = tpu.sem_alloc : memref<!tpu.dma_semaphore, #tpu.memory_space<semaphore_mem>>
        %dma_start3A_225 = arith.constant 0 : i32
        %dma_start3A_226 = arith.constant 0 : i32
        %dma_start3A_227 = tpu.memref_slice %arg9[%run_scoped3A_134, %dma_start3A_225, %dma_start3A_226] : memref<2x80x128xf32, #tpu.memory_space<vmem>> -> memref<1x80x128xf32, #tpu.memory_space<vmem>>
        %dma_start3A_228 = tpu.memref_squeeze %dma_start3A_227 : memref<1x80x128xf32, #tpu.memory_space<vmem>> -> memref<80x128xf32, #tpu.memory_space<vmem>>
        %dma_start3A_229 = arith.constant 0 : i32
        %dma_start3A_230 = tpu.memref_slice %arg8[%add3A_123, %dma_start3A_229] : memref<125x80xi32, #tpu.memory_space<vmem>> -> memref<1x80xi32, #tpu.memory_space<vmem>>
        %dma_start3A_231 = tpu.memref_squeeze %dma_start3A_230 : memref<1x80xi32, #tpu.memory_space<vmem>> -> memref<80xi32, #tpu.memory_space<vmem>>
        %dma_start3A_232 = arith.constant 0 : i32
        %dma_start3A_233 = arith.constant 0 : i32
        %dma_start3A_234 = tpu.memref_slice %arg10[%dma_start3A_232, %dma_start3A_233] : memref<10240x128xf32, #tpu.memory_space<vmem_shared>> -> memref<10240x128xf32, #tpu.memory_space<vmem_shared>>
        tpu.enqueue_indirect_dma source(%dma_start3A_228 : memref<80x128xf32, #tpu.memory_space<vmem>>) target(%dma_start3A_234 : memref<10240x128xf32, #tpu.memory_space<vmem_shared>>) offsets(%dma_start3A_231 : memref<80xi32, #tpu.memory_space<vmem>>) semaphore(%run_scoped3A_224 : memref<!tpu.dma_semaphore, #tpu.memory_space<semaphore_mem>>) {add = true}
        %dma_wait3A_235 = arith.constant 0 : i32
        %dma_wait3A_236 = arith.constant 0 : i32
        %dma_wait3A_237 = tpu.memref_slice %arg9[%run_scoped3A_134, %dma_wait3A_235, %dma_wait3A_236] : memref<2x80x128xf32, #tpu.memory_space<vmem>> -> memref<1x80x128xf32, #tpu.memory_space<vmem>>
        %dma_wait3A_238 = tpu.memref_squeeze %dma_wait3A_237 : memref<1x80x128xf32, #tpu.memory_space<vmem>> -> memref<80x128xf32, #tpu.memory_space<vmem>>
        %dma_wait3A_239 = arith.constant 0 : i32
        %dma_wait3A_240 = tpu.memref_slice %arg8[%add3A_123, %dma_wait3A_239] : memref<125x80xi32, #tpu.memory_space<vmem>> -> memref<1x80xi32, #tpu.memory_space<vmem>>
        %dma_wait3A_241 = tpu.memref_squeeze %dma_wait3A_240 : memref<1x80xi32, #tpu.memory_space<vmem>> -> memref<80xi32, #tpu.memory_space<vmem>>
        %dma_wait3A_242 = arith.constant 0 : i32
        %dma_wait3A_243 = arith.constant 0 : i32
        %dma_wait3A_244 = tpu.memref_slice %arg10[%dma_wait3A_242, %dma_wait3A_243] : memref<10240x128xf32, #tpu.memory_space<vmem_shared>> -> memref<10240x128xf32, #tpu.memory_space<vmem_shared>>
        tpu.wait_indirect_dma semaphore(%run_scoped3A_224 : memref<!tpu.dma_semaphore, #tpu.memory_space<semaphore_mem>>) src(%dma_wait3A_238 : memref<80x128xf32, #tpu.memory_space<vmem>>) dst(%dma_wait3A_244 : memref<10240x128xf32, #tpu.memory_space<vmem_shared>>)
        tpu.yield
      }) : () -> ()
      %add3A_135 = arith.constant 2 : i32
      %add3A_136 = arith.addi %add3A_123, %add3A_135 : i32
      %mul3A_137 = arith.constant 80 : i32
      %mul3A_138 = arith.muli %add3A_136, %mul3A_137 : i32
      %dma_start3A_139 = arith.constant 0 : i32
      %dma_start3A_140 = arith.constant 0 : i32
      %dma_start3A_141 = arith.constant 0 : i32
      %dma_start3A_142 = tpu.memref_slice %arg9[%dma_start3A_139, %dma_start3A_140, %dma_start3A_141] : memref<2x80x128xf32, #tpu.memory_space<vmem>> -> memref<1x80x128xf32, #tpu.memory_space<vmem>>
      %dma_start3A_143 = tpu.memref_squeeze %dma_start3A_142 : memref<1x80x128xf32, #tpu.memory_space<vmem>> -> memref<80x128xf32, #tpu.memory_space<vmem>>
      %dma_start3A_144 = tpu.memref_slice %arg7[%mul3A_138] : memref<10000xi32, #tpu.memory_space<vmem>> -> memref<80xi32, #tpu.memory_space<vmem>>
      %dma_start3A_145 = arith.constant 0 : i32
      %dma_start3A_146 = arith.constant 0 : i32
      %dma_start3A_147 = tpu.memref_slice %arg2[%dma_start3A_145, %dma_start3A_146] : memref<10000x128xf32, #tpu.memory_space<hbm>> -> memref<10000x128xf32, #tpu.memory_space<hbm>>
      tpu.enqueue_indirect_dma source(%dma_start3A_147 : memref<10000x128xf32, #tpu.memory_space<hbm>>) target(%dma_start3A_143 : memref<80x128xf32, #tpu.memory_space<vmem>>) offsets(%dma_start3A_144 : memref<80xi32, #tpu.memory_space<vmem>>) semaphore(%arg11 : memref<!tpu.dma_semaphore, #tpu.memory_space<semaphore_mem>>)
      %dma_wait3A_148 = arith.constant 1 : i32
      %dma_wait3A_149 = arith.constant 0 : i32
      %dma_wait3A_150 = arith.constant 0 : i32
      %dma_wait3A_151 = tpu.memref_slice %arg9[%dma_wait3A_148, %dma_wait3A_149, %dma_wait3A_150] : memref<2x80x128xf32, #tpu.memory_space<vmem>> -> memref<1x80x128xf32, #tpu.memory_space<vmem>>
      %dma_wait3A_152 = tpu.memref_squeeze %dma_wait3A_151 : memref<1x80x128xf32, #tpu.memory_space<vmem>> -> memref<80x128xf32, #tpu.memory_space<vmem>>
      %dma_wait3A_153 = arith.constant 0 : i32
      %dma_wait3A_154 = tpu.memref_slice %arg7[%dma_wait3A_153] : memref<10000xi32, #tpu.memory_space<vmem>> -> memref<80xi32, #tpu.memory_space<vmem>>
      %dma_wait3A_155 = arith.constant 0 : i32
      %dma_wait3A_156 = arith.constant 0 : i32
      %dma_wait3A_157 = tpu.memref_slice %arg2[%dma_wait3A_155, %dma_wait3A_156] : memref<10000x128xf32, #tpu.memory_space<hbm>> -> memref<10000x128xf32, #tpu.memory_space<hbm>>
      tpu.wait_indirect_dma semaphore(%arg12 : memref<!tpu.dma_semaphore, #tpu.memory_space<semaphore_mem>>) src(%dma_wait3A_157 : memref<10000x128xf32, #tpu.memory_space<hbm>>) dst(%dma_wait3A_152 : memref<80x128xf32, #tpu.memory_space<vmem>>)
      %add3A_158 = arith.constant 1 : i32
      %add3A_159 = arith.addi %add3A_123, %add3A_158 : i32
      %run_scoped3A_160 = arith.constant 1 : i32
      "tpu.region"() ({
        %run_scoped3A_224 = tpu.sem_alloc : memref<!tpu.dma_semaphore, #tpu.memory_space<semaphore_mem>>
        %dma_start3A_225 = arith.constant 0 : i32
        %dma_start3A_226 = arith.constant 0 : i32
        %dma_start3A_227 = tpu.memref_slice %arg9[%run_scoped3A_160, %dma_start3A_225, %dma_start3A_226] : memref<2x80x128xf32, #tpu.memory_space<vmem>> -> memref<1x80x128xf32, #tpu.memory_space<vmem>>
        %dma_start3A_228 = tpu.memref_squeeze %dma_start3A_227 : memref<1x80x128xf32, #tpu.memory_space<vmem>> -> memref<80x128xf32, #tpu.memory_space<vmem>>
        %dma_start3A_229 = arith.constant 0 : i32
        %dma_start3A_230 = tpu.memref_slice %arg8[%add3A_159, %dma_start3A_229] : memref<125x80xi32, #tpu.memory_space<vmem>> -> memref<1x80xi32, #tpu.memory_space<vmem>>
        %dma_start3A_231 = tpu.memref_squeeze %dma_start3A_230 : memref<1x80xi32, #tpu.memory_space<vmem>> -> memref<80xi32, #tpu.memory_space<vmem>>
        %dma_start3A_232 = arith.constant 0 : i32
        %dma_start3A_233 = arith.constant 0 : i32
        %dma_start3A_234 = tpu.memref_slice %arg10[%dma_start3A_232, %dma_start3A_233] : memref<10240x128xf32, #tpu.memory_space<vmem_shared>> -> memref<10240x128xf32, #tpu.memory_space<vmem_shared>>
        tpu.enqueue_indirect_dma source(%dma_start3A_228 : memref<80x128xf32, #tpu.memory_space<vmem>>) target(%dma_start3A_234 : memref<10240x128xf32, #tpu.memory_space<vmem_shared>>) offsets(%dma_start3A_231 : memref<80xi32, #tpu.memory_space<vmem>>) semaphore(%run_scoped3A_224 : memref<!tpu.dma_semaphore, #tpu.memory_space<semaphore_mem>>) {add = true}
        %dma_wait3A_235 = arith.constant 0 : i32
        %dma_wait3A_236 = arith.constant 0 : i32
        %dma_wait3A_237 = tpu.memref_slice %arg9[%run_scoped3A_160, %dma_wait3A_235, %dma_wait3A_236] : memref<2x80x128xf32, #tpu.memory_space<vmem>> -> memref<1x80x128xf32, #tpu.memory_space<vmem>>
        %dma_wait3A_238 = tpu.memref_squeeze %dma_wait3A_237 : memref<1x80x128xf32, #tpu.memory_space<vmem>> -> memref<80x128xf32, #tpu.memory_space<vmem>>
        %dma_wait3A_239 = arith.constant 0 : i32
        %dma_wait3A_240 = tpu.memref_slice %arg8[%add3A_159, %dma_wait3A_239] : memref<125x80xi32, #tpu.memory_space<vmem>> -> memref<1x80xi32, #tpu.memory_space<vmem>>
        %dma_wait3A_241 = tpu.memref_squeeze %dma_wait3A_240 : memref<1x80xi32, #tpu.memory_space<vmem>> -> memref<80xi32, #tpu.memory_space<vmem>>
        %dma_wait3A_242 = arith.constant 0 : i32
        %dma_wait3A_243 = arith.constant 0 : i32
        %dma_wait3A_244 = tpu.memref_slice %arg10[%dma_wait3A_242, %dma_wait3A_243] : memref<10240x128xf32, #tpu.memory_space<vmem_shared>> -> memref<10240x128xf32, #tpu.memory_space<vmem_shared>>
        tpu.wait_indirect_dma semaphore(%run_scoped3A_224 : memref<!tpu.dma_semaphore, #tpu.memory_space<semaphore_mem>>) src(%dma_wait3A_238 : memref<80x128xf32, #tpu.memory_space<vmem>>) dst(%dma_wait3A_244 : memref<10240x128xf32, #tpu.memory_space<vmem_shared>>)
        tpu.yield
      }) : () -> ()
      %add3A_161 = arith.constant 3 : i32
      %add3A_162 = arith.addi %add3A_123, %add3A_161 : i32
      %mul3A_163 = arith.constant 80 : i32
      %mul3A_164 = arith.muli %add3A_162, %mul3A_163 : i32
      %dma_start3A_165 = arith.constant 1 : i32
      %dma_start3A_166 = arith.constant 0 : i32
      %dma_start3A_167 = arith.constant 0 : i32
      %dma_start3A_168 = tpu.memref_slice %arg9[%dma_start3A_165, %dma_start3A_166, %dma_start3A_167] : memref<2x80x128xf32, #tpu.memory_space<vmem>> -> memref<1x80x128xf32, #tpu.memory_space<vmem>>
      %dma_start3A_169 = tpu.memref_squeeze %dma_start3A_168 : memref<1x80x128xf32, #tpu.memory_space<vmem>> -> memref<80x128xf32, #tpu.memory_space<vmem>>
      %dma_start3A_170 = tpu.memref_slice %arg7[%mul3A_164] : memref<10000xi32, #tpu.memory_space<vmem>> -> memref<80xi32, #tpu.memory_space<vmem>>
      %dma_start3A_171 = arith.constant 0 : i32
      %dma_start3A_172 = arith.constant 0 : i32
      %dma_start3A_173 = tpu.memref_slice %arg2[%dma_start3A_171, %dma_start3A_172] : memref<10000x128xf32, #tpu.memory_space<hbm>> -> memref<10000x128xf32, #tpu.memory_space<hbm>>
      tpu.enqueue_indirect_dma source(%dma_start3A_173 : memref<10000x128xf32, #tpu.memory_space<hbm>>) target(%dma_start3A_169 : memref<80x128xf32, #tpu.memory_space<vmem>>) offsets(%dma_start3A_170 : memref<80xi32, #tpu.memory_space<vmem>>) semaphore(%arg12 : memref<!tpu.dma_semaphore, #tpu.memory_space<semaphore_mem>>)
      %dma_wait3A_174 = arith.constant 0 : i32
      %dma_wait3A_175 = arith.constant 0 : i32
      %dma_wait3A_176 = arith.constant 0 : i32
      %dma_wait3A_177 = tpu.memref_slice %arg9[%dma_wait3A_174, %dma_wait3A_175, %dma_wait3A_176] : memref<2x80x128xf32, #tpu.memory_space<vmem>> -> memref<1x80x128xf32, #tpu.memory_space<vmem>>
      %dma_wait3A_178 = tpu.memref_squeeze %dma_wait3A_177 : memref<1x80x128xf32, #tpu.memory_space<vmem>> -> memref<80x128xf32, #tpu.memory_space<vmem>>
      %dma_wait3A_179 = tpu.memref_slice %arg7[%mul3A_138] : memref<10000xi32, #tpu.memory_space<vmem>> -> memref<80xi32, #tpu.memory_space<vmem>>
      %dma_wait3A_180 = arith.constant 0 : i32
      %dma_wait3A_181 = arith.constant 0 : i32
      %dma_wait3A_182 = tpu.memref_slice %arg2[%dma_wait3A_180, %dma_wait3A_181] : memref<10000x128xf32, #tpu.memory_space<hbm>> -> memref<10000x128xf32, #tpu.memory_space<hbm>>
      tpu.wait_indirect_dma semaphore(%arg11 : memref<!tpu.dma_semaphore, #tpu.memory_space<semaphore_mem>>) src(%dma_wait3A_182 : memref<10000x128xf32, #tpu.memory_space<hbm>>) dst(%dma_wait3A_178 : memref<80x128xf32, #tpu.memory_space<vmem>>)
      %add3A_183 = arith.constant 2 : i32
      %add3A_184 = arith.addi %add3A_123, %add3A_183 : i32
      %run_scoped3A_185 = arith.constant 0 : i32
      "tpu.region"() ({
        %run_scoped3A_224 = tpu.sem_alloc : memref<!tpu.dma_semaphore, #tpu.memory_space<semaphore_mem>>
        %dma_start3A_225 = arith.constant 0 : i32
        %dma_start3A_226 = arith.constant 0 : i32
        %dma_start3A_227 = tpu.memref_slice %arg9[%run_scoped3A_185, %dma_start3A_225, %dma_start3A_226] : memref<2x80x128xf32, #tpu.memory_space<vmem>> -> memref<1x80x128xf32, #tpu.memory_space<vmem>>
        %dma_start3A_228 = tpu.memref_squeeze %dma_start3A_227 : memref<1x80x128xf32, #tpu.memory_space<vmem>> -> memref<80x128xf32, #tpu.memory_space<vmem>>
        %dma_start3A_229 = arith.constant 0 : i32
        %dma_start3A_230 = tpu.memref_slice %arg8[%add3A_184, %dma_start3A_229] : memref<125x80xi32, #tpu.memory_space<vmem>> -> memref<1x80xi32, #tpu.memory_space<vmem>>
        %dma_start3A_231 = tpu.memref_squeeze %dma_start3A_230 : memref<1x80xi32, #tpu.memory_space<vmem>> -> memref<80xi32, #tpu.memory_space<vmem>>
        %dma_start3A_232 = arith.constant 0 : i32
        %dma_start3A_233 = arith.constant 0 : i32
        %dma_start3A_234 = tpu.memref_slice %arg10[%dma_start3A_232, %dma_start3A_233] : memref<10240x128xf32, #tpu.memory_space<vmem_shared>> -> memref<10240x128xf32, #tpu.memory_space<vmem_shared>>
        tpu.enqueue_indirect_dma source(%dma_start3A_228 : memref<80x128xf32, #tpu.memory_space<vmem>>) target(%dma_start3A_234 : memref<10240x128xf32, #tpu.memory_space<vmem_shared>>) offsets(%dma_start3A_231 : memref<80xi32, #tpu.memory_space<vmem>>) semaphore(%run_scoped3A_224 : memref<!tpu.dma_semaphore, #tpu.memory_space<semaphore_mem>>) {add = true}
        %dma_wait3A_235 = arith.constant 0 : i32
        %dma_wait3A_236 = arith.constant 0 : i32
        %dma_wait3A_237 = tpu.memref_slice %arg9[%run_scoped3A_185, %dma_wait3A_235, %dma_wait3A_236] : memref<2x80x128xf32, #tpu.memory_space<vmem>> -> memref<1x80x128xf32, #tpu.memory_space<vmem>>
        %dma_wait3A_238 = tpu.memref_squeeze %dma_wait3A_237 : memref<1x80x128xf32, #tpu.memory_space<vmem>> -> memref<80x128xf32, #tpu.memory_space<vmem>>
        %dma_wait3A_239 = arith.constant 0 : i32
        %dma_wait3A_240 = tpu.memref_slice %arg8[%add3A_184, %dma_wait3A_239] : memref<125x80xi32, #tpu.memory_space<vmem>> -> memref<1x80xi32, #tpu.memory_space<vmem>>
        %dma_wait3A_241 = tpu.memref_squeeze %dma_wait3A_240 : memref<1x80xi32, #tpu.memory_space<vmem>> -> memref<80xi32, #tpu.memory_space<vmem>>
        %dma_wait3A_242 = arith.constant 0 : i32
        %dma_wait3A_243 = arith.constant 0 : i32
        %dma_wait3A_244 = tpu.memref_slice %arg10[%dma_wait3A_242, %dma_wait3A_243] : memref<10240x128xf32, #tpu.memory_space<vmem_shared>> -> memref<10240x128xf32, #tpu.memory_space<vmem_shared>>
        tpu.wait_indirect_dma semaphore(%run_scoped3A_224 : memref<!tpu.dma_semaphore, #tpu.memory_space<semaphore_mem>>) src(%dma_wait3A_238 : memref<80x128xf32, #tpu.memory_space<vmem>>) dst(%dma_wait3A_244 : memref<10240x128xf32, #tpu.memory_space<vmem_shared>>)
        tpu.yield
      }) : () -> ()
      %add3A_186 = arith.constant 4 : i32
      %add3A_187 = arith.addi %add3A_123, %add3A_186 : i32
      %mul3A_188 = arith.constant 80 : i32
      %mul3A_189 = arith.muli %add3A_187, %mul3A_188 : i32
      %dma_start3A_190 = arith.constant 0 : i32
      %dma_start3A_191 = arith.constant 0 : i32
      %dma_start3A_192 = arith.constant 0 : i32
      %dma_start3A_193 = tpu.memref_slice %arg9[%dma_start3A_190, %dma_start3A_191, %dma_start3A_192] : memref<2x80x128xf32, #tpu.memory_space<vmem>> -> memref<1x80x128xf32, #tpu.memory_space<vmem>>
      %dma_start3A_194 = tpu.memref_squeeze %dma_start3A_193 : memref<1x80x128xf32, #tpu.memory_space<vmem>> -> memref<80x128xf32, #tpu.memory_space<vmem>>
      %dma_start3A_195 = tpu.memref_slice %arg7[%mul3A_189] : memref<10000xi32, #tpu.memory_space<vmem>> -> memref<80xi32, #tpu.memory_space<vmem>>
      %dma_start3A_196 = arith.constant 0 : i32
      %dma_start3A_197 = arith.constant 0 : i32
      %dma_start3A_198 = tpu.memref_slice %arg2[%dma_start3A_196, %dma_start3A_197] : memref<10000x128xf32, #tpu.memory_space<hbm>> -> memref<10000x128xf32, #tpu.memory_space<hbm>>
      tpu.enqueue_indirect_dma source(%dma_start3A_198 : memref<10000x128xf32, #tpu.memory_space<hbm>>) target(%dma_start3A_194 : memref<80x128xf32, #tpu.memory_space<vmem>>) offsets(%dma_start3A_195 : memref<80xi32, #tpu.memory_space<vmem>>) semaphore(%arg11 : memref<!tpu.dma_semaphore, #tpu.memory_space<semaphore_mem>>)
      %dma_wait3A_199 = arith.constant 1 : i32
      %dma_wait3A_200 = arith.constant 0 : i32
      %dma_wait3A_201 = arith.constant 0 : i32
      %dma_wait3A_202 = tpu.memref_slice %arg9[%dma_wait3A_199, %dma_wait3A_200, %dma_wait3A_201] : memref<2x80x128xf32, #tpu.memory_space<vmem>> -> memref<1x80x128xf32, #tpu.memory_space<vmem>>
      %dma_wait3A_203 = tpu.memref_squeeze %dma_wait3A_202 : memref<1x80x128xf32, #tpu.memory_space<vmem>> -> memref<80x128xf32, #tpu.memory_space<vmem>>
      %dma_wait3A_204 = tpu.memref_slice %arg7[%mul3A_164] : memref<10000xi32, #tpu.memory_space<vmem>> -> memref<80xi32, #tpu.memory_space<vmem>>
      %dma_wait3A_205 = arith.constant 0 : i32
      %dma_wait3A_206 = arith.constant 0 : i32
      %dma_wait3A_207 = tpu.memref_slice %arg2[%dma_wait3A_205, %dma_wait3A_206] : memref<10000x128xf32, #tpu.memory_space<hbm>> -> memref<10000x128xf32, #tpu.memory_space<hbm>>
      tpu.wait_indirect_dma semaphore(%arg12 : memref<!tpu.dma_semaphore, #tpu.memory_space<semaphore_mem>>) src(%dma_wait3A_207 : memref<10000x128xf32, #tpu.memory_space<hbm>>) dst(%dma_wait3A_203 : memref<80x128xf32, #tpu.memory_space<vmem>>)
      %add3A_208 = arith.constant 3 : i32
      %add3A_209 = arith.addi %add3A_123, %add3A_208 : i32
      %run_scoped3A_210 = arith.constant 1 : i32
      "tpu.region"() ({
        %run_scoped3A_224 = tpu.sem_alloc : memref<!tpu.dma_semaphore, #tpu.memory_space<semaphore_mem>>
        %dma_start3A_225 = arith.constant 0 : i32
        %dma_start3A_226 = arith.constant 0 : i32
        %dma_start3A_227 = tpu.memref_slice %arg9[%run_scoped3A_210, %dma_start3A_225, %dma_start3A_226] : memref<2x80x128xf32, #tpu.memory_space<vmem>> -> memref<1x80x128xf32, #tpu.memory_space<vmem>>
        %dma_start3A_228 = tpu.memref_squeeze %dma_start3A_227 : memref<1x80x128xf32, #tpu.memory_space<vmem>> -> memref<80x128xf32, #tpu.memory_space<vmem>>
        %dma_start3A_229 = arith.constant 0 : i32
        %dma_start3A_230 = tpu.memref_slice %arg8[%add3A_209, %dma_start3A_229] : memref<125x80xi32, #tpu.memory_space<vmem>> -> memref<1x80xi32, #tpu.memory_space<vmem>>
        %dma_start3A_231 = tpu.memref_squeeze %dma_start3A_230 : memref<1x80xi32, #tpu.memory_space<vmem>> -> memref<80xi32, #tpu.memory_space<vmem>>
        %dma_start3A_232 = arith.constant 0 : i32
        %dma_start3A_233 = arith.constant 0 : i32
        %dma_start3A_234 = tpu.memref_slice %arg10[%dma_start3A_232, %dma_start3A_233] : memref<10240x128xf32, #tpu.memory_space<vmem_shared>> -> memref<10240x128xf32, #tpu.memory_space<vmem_shared>>
        tpu.enqueue_indirect_dma source(%dma_start3A_228 : memref<80x128xf32, #tpu.memory_space<vmem>>) target(%dma_start3A_234 : memref<10240x128xf32, #tpu.memory_space<vmem_shared>>) offsets(%dma_start3A_231 : memref<80xi32, #tpu.memory_space<vmem>>) semaphore(%run_scoped3A_224 : memref<!tpu.dma_semaphore, #tpu.memory_space<semaphore_mem>>) {add = true}
        %dma_wait3A_235 = arith.constant 0 : i32
        %dma_wait3A_236 = arith.constant 0 : i32
        %dma_wait3A_237 = tpu.memref_slice %arg9[%run_scoped3A_210, %dma_wait3A_235, %dma_wait3A_236] : memref<2x80x128xf32, #tpu.memory_space<vmem>> -> memref<1x80x128xf32, #tpu.memory_space<vmem>>
        %dma_wait3A_238 = tpu.memref_squeeze %dma_wait3A_237 : memref<1x80x128xf32, #tpu.memory_space<vmem>> -> memref<80x128xf32, #tpu.memory_space<vmem>>
        %dma_wait3A_239 = arith.constant 0 : i32
        %dma_wait3A_240 = tpu.memref_slice %arg8[%add3A_209, %dma_wait3A_239] : memref<125x80xi32, #tpu.memory_space<vmem>> -> memref<1x80xi32, #tpu.memory_space<vmem>>
        %dma_wait3A_241 = tpu.memref_squeeze %dma_wait3A_240 : memref<1x80xi32, #tpu.memory_space<vmem>> -> memref<80xi32, #tpu.memory_space<vmem>>
        %dma_wait3A_242 = arith.constant 0 : i32
        %dma_wait3A_243 = arith.constant 0 : i32
        %dma_wait3A_244 = tpu.memref_slice %arg10[%dma_wait3A_242, %dma_wait3A_243] : memref<10240x128xf32, #tpu.memory_space<vmem_shared>> -> memref<10240x128xf32, #tpu.memory_space<vmem_shared>>
        tpu.wait_indirect_dma semaphore(%run_scoped3A_224 : memref<!tpu.dma_semaphore, #tpu.memory_space<semaphore_mem>>) src(%dma_wait3A_238 : memref<80x128xf32, #tpu.memory_space<vmem>>) dst(%dma_wait3A_244 : memref<10240x128xf32, #tpu.memory_space<vmem_shared>>)
        tpu.yield
      }) : () -> ()
      %add3A_211 = arith.constant 5 : i32
      %add3A_212 = arith.addi %add3A_123, %add3A_211 : i32
      %mul3A_213 = arith.constant 80 : i32
      %mul3A_214 = arith.muli %add3A_212, %mul3A_213 : i32
      %dma_start3A_215 = arith.constant 1 : i32
      %dma_start3A_216 = arith.constant 0 : i32
      %dma_start3A_217 = arith.constant 0 : i32
      %dma_start3A_218 = tpu.memref_slice %arg9[%dma_start3A_215, %dma_start3A_216, %dma_start3A_217] : memref<2x80x128xf32, #tpu.memory_space<vmem>> -> memref<1x80x128xf32, #tpu.memory_space<vmem>>
      %dma_start3A_219 = tpu.memref_squeeze %dma_start3A_218 : memref<1x80x128xf32, #tpu.memory_space<vmem>> -> memref<80x128xf32, #tpu.memory_space<vmem>>
      %dma_start3A_220 = tpu.memref_slice %arg7[%mul3A_214] : memref<10000xi32, #tpu.memory_space<vmem>> -> memref<80xi32, #tpu.memory_space<vmem>>
      %dma_start3A_221 = arith.constant 0 : i32
      %dma_start3A_222 = arith.constant 0 : i32
      %dma_start3A_223 = tpu.memref_slice %arg2[%dma_start3A_221, %dma_start3A_222] : memref<10000x128xf32, #tpu.memory_space<hbm>> -> memref<10000x128xf32, #tpu.memory_space<hbm>>
      tpu.enqueue_indirect_dma source(%dma_start3A_223 : memref<10000x128xf32, #tpu.memory_space<hbm>>) target(%dma_start3A_219 : memref<80x128xf32, #tpu.memory_space<vmem>>) offsets(%dma_start3A_220 : memref<80xi32, #tpu.memory_space<vmem>>) semaphore(%arg12 : memref<!tpu.dma_semaphore, #tpu.memory_space<semaphore_mem>>)
    }
    %scan3A_25 = arith.constant 30 : i32
    %dma_wait3A = arith.constant 0 : i32
    %dma_wait3A_26 = arith.constant 0 : i32
    %dma_wait3A_27 = arith.constant 0 : i32
    %dma_wait3A_28 = tpu.memref_slice %arg9[%dma_wait3A, %dma_wait3A_26, %dma_wait3A_27] : memref<2x80x128xf32, #tpu.memory_space<vmem>> -> memref<1x80x128xf32, #tpu.memory_space<vmem>>
    %dma_wait3A_29 = tpu.memref_squeeze %dma_wait3A_28 : memref<1x80x128xf32, #tpu.memory_space<vmem>> -> memref<80x128xf32, #tpu.memory_space<vmem>>
    %dma_wait3A_30 = arith.constant 0 : i32
    %dma_wait3A_31 = tpu.memref_slice %arg7[%dma_wait3A_30] : memref<10000xi32, #tpu.memory_space<vmem>> -> memref<80xi32, #tpu.memory_space<vmem>>
    %dma_wait3A_32 = arith.constant 0 : i32
    %dma_wait3A_33 = arith.constant 0 : i32
    %dma_wait3A_34 = tpu.memref_slice %arg2[%dma_wait3A_32, %dma_wait3A_33] : memref<10000x128xf32, #tpu.memory_space<hbm>> -> memref<10000x128xf32, #tpu.memory_space<hbm>>
    tpu.wait_indirect_dma semaphore(%arg11 : memref<!tpu.dma_semaphore, #tpu.memory_space<semaphore_mem>>) src(%dma_wait3A_34 : memref<10000x128xf32, #tpu.memory_space<hbm>>) dst(%dma_wait3A_29 : memref<80x128xf32, #tpu.memory_space<vmem>>)
    %run_scoped3A = arith.constant 0 : i32
    %run_scoped3A_35 = arith.constant 120 : i32
    "tpu.region"() ({
      %run_scoped3A_119 = tpu.sem_alloc : memref<!tpu.dma_semaphore, #tpu.memory_space<semaphore_mem>>
      %dma_start3A_120 = arith.constant 0 : i32
      %dma_start3A_121 = arith.constant 0 : i32
      %dma_start3A_122 = tpu.memref_slice %arg9[%run_scoped3A, %dma_start3A_120, %dma_start3A_121] : memref<2x80x128xf32, #tpu.memory_space<vmem>> -> memref<1x80x128xf32, #tpu.memory_space<vmem>>
      %dma_start3A_123 = tpu.memref_squeeze %dma_start3A_122 : memref<1x80x128xf32, #tpu.memory_space<vmem>> -> memref<80x128xf32, #tpu.memory_space<vmem>>
      %dma_start3A_124 = arith.constant 0 : i32
      %dma_start3A_125 = tpu.memref_slice %arg8[%run_scoped3A_35, %dma_start3A_124] : memref<125x80xi32, #tpu.memory_space<vmem>> -> memref<1x80xi32, #tpu.memory_space<vmem>>
      %dma_start3A_126 = tpu.memref_squeeze %dma_start3A_125 : memref<1x80xi32, #tpu.memory_space<vmem>> -> memref<80xi32, #tpu.memory_space<vmem>>
      %dma_start3A_127 = arith.constant 0 : i32
      %dma_start3A_128 = arith.constant 0 : i32
      %dma_start3A_129 = tpu.memref_slice %arg10[%dma_start3A_127, %dma_start3A_128] : memref<10240x128xf32, #tpu.memory_space<vmem_shared>> -> memref<10240x128xf32, #tpu.memory_space<vmem_shared>>
      tpu.enqueue_indirect_dma source(%dma_start3A_123 : memref<80x128xf32, #tpu.memory_space<vmem>>) target(%dma_start3A_129 : memref<10240x128xf32, #tpu.memory_space<vmem_shared>>) offsets(%dma_start3A_126 : memref<80xi32, #tpu.memory_space<vmem>>) semaphore(%run_scoped3A_119 : memref<!tpu.dma_semaphore, #tpu.memory_space<semaphore_mem>>) {add = true}
      %dma_wait3A_130 = arith.constant 0 : i32
      %dma_wait3A_131 = arith.constant 0 : i32
      %dma_wait3A_132 = tpu.memref_slice %arg9[%run_scoped3A, %dma_wait3A_130, %dma_wait3A_131] : memref<2x80x128xf32, #tpu.memory_space<vmem>> -> memref<1x80x128xf32, #tpu.memory_space<vmem>>
      %dma_wait3A_133 = tpu.memref_squeeze %dma_wait3A_132 : memref<1x80x128xf32, #tpu.memory_space<vmem>> -> memref<80x128xf32, #tpu.memory_space<vmem>>
      %dma_wait3A_134 = arith.constant 0 : i32
      %dma_wait3A_135 = tpu.memref_slice %arg8[%run_scoped3A_35, %dma_wait3A_134] : memref<125x80xi32, #tpu.memory_space<vmem>> -> memref<1x80xi32, #tpu.memory_space<vmem>>
      %dma_wait3A_136 = tpu.memref_squeeze %dma_wait3A_135 : memref<1x80xi32, #tpu.memory_space<vmem>> -> memref<80xi32, #tpu.memory_space<vmem>>
      %dma_wait3A_137 = arith.constant 0 : i32
      %dma_wait3A_138 = arith.constant 0 : i32
      %dma_wait3A_139 = tpu.memref_slice %arg10[%dma_wait3A_137, %dma_wait3A_138] : memref<10240x128xf32, #tpu.memory_space<vmem_shared>> -> memref<10240x128xf32, #tpu.memory_space<vmem_shared>>
      tpu.wait_indirect_dma semaphore(%run_scoped3A_119 : memref<!tpu.dma_semaphore, #tpu.memory_space<semaphore_mem>>) src(%dma_wait3A_133 : memref<80x128xf32, #tpu.memory_space<vmem>>) dst(%dma_wait3A_139 : memref<10240x128xf32, #tpu.memory_space<vmem_shared>>)
      tpu.yield
    }) : () -> ()
    %dma_start3A_36 = arith.constant 0 : i32
    %dma_start3A_37 = arith.constant 0 : i32
    %dma_start3A_38 = arith.constant 0 : i32
    %dma_start3A_39 = tpu.memref_slice %arg9[%dma_start3A_36, %dma_start3A_37, %dma_start3A_38] : memref<2x80x128xf32, #tpu.memory_space<vmem>> -> memref<1x80x128xf32, #tpu.memory_space<vmem>>
    %dma_start3A_40 = tpu.memref_squeeze %dma_start3A_39 : memref<1x80x128xf32, #tpu.memory_space<vmem>> -> memref<80x128xf32, #tpu.memory_space<vmem>>
    %dma_start3A_41 = arith.constant 9760 : i32
    %dma_start3A_42 = tpu.memref_slice %arg7[%dma_start3A_41] : memref<10000xi32, #tpu.memory_space<vmem>> -> memref<80xi32, #tpu.memory_space<vmem>>
    %dma_start3A_43 = arith.constant 0 : i32
    %dma_start3A_44 = arith.constant 0 : i32
    %dma_start3A_45 = tpu.memref_slice %arg2[%dma_start3A_43, %dma_start3A_44] : memref<10000x128xf32, #tpu.memory_space<hbm>> -> memref<10000x128xf32, #tpu.memory_space<hbm>>
    tpu.enqueue_indirect_dma source(%dma_start3A_45 : memref<10000x128xf32, #tpu.memory_space<hbm>>) target(%dma_start3A_40 : memref<80x128xf32, #tpu.memory_space<vmem>>) offsets(%dma_start3A_42 : memref<80xi32, #tpu.memory_space<vmem>>) semaphore(%arg11 : memref<!tpu.dma_semaphore, #tpu.memory_space<semaphore_mem>>)
    %dma_wait3A_46 = arith.constant 1 : i32
    %dma_wait3A_47 = arith.constant 0 : i32
    %dma_wait3A_48 = arith.constant 0 : i32
    %dma_wait3A_49 = tpu.memref_slice %arg9[%dma_wait3A_46, %dma_wait3A_47, %dma_wait3A_48] : memref<2x80x128xf32, #tpu.memory_space<vmem>> -> memref<1x80x128xf32, #tpu.memory_space<vmem>>
    %dma_wait3A_50 = tpu.memref_squeeze %dma_wait3A_49 : memref<1x80x128xf32, #tpu.memory_space<vmem>> -> memref<80x128xf32, #tpu.memory_space<vmem>>
    %dma_wait3A_51 = arith.constant 0 : i32
    %dma_wait3A_52 = tpu.memref_slice %arg7[%dma_wait3A_51] : memref<10000xi32, #tpu.memory_space<vmem>> -> memref<80xi32, #tpu.memory_space<vmem>>
    %dma_wait3A_53 = arith.constant 0 : i32
    %dma_wait3A_54 = arith.constant 0 : i32
    %dma_wait3A_55 = tpu.memref_slice %arg2[%dma_wait3A_53, %dma_wait3A_54] : memref<10000x128xf32, #tpu.memory_space<hbm>> -> memref<10000x128xf32, #tpu.memory_space<hbm>>
    tpu.wait_indirect_dma semaphore(%arg12 : memref<!tpu.dma_semaphore, #tpu.memory_space<semaphore_mem>>) src(%dma_wait3A_55 : memref<10000x128xf32, #tpu.memory_space<hbm>>) dst(%dma_wait3A_50 : memref<80x128xf32, #tpu.memory_space<vmem>>)
    %run_scoped3A_56 = arith.constant 1 : i32
    %run_scoped3A_57 = arith.constant 121 : i32
    "tpu.region"() ({
      %run_scoped3A_119 = tpu.sem_alloc : memref<!tpu.dma_semaphore, #tpu.memory_space<semaphore_mem>>
      %dma_start3A_120 = arith.constant 0 : i32
      %dma_start3A_121 = arith.constant 0 : i32
      %dma_start3A_122 = tpu.memref_slice %arg9[%run_scoped3A_56, %dma_start3A_120, %dma_start3A_121] : memref<2x80x128xf32, #tpu.memory_space<vmem>> -> memref<1x80x128xf32, #tpu.memory_space<vmem>>
      %dma_start3A_123 = tpu.memref_squeeze %dma_start3A_122 : memref<1x80x128xf32, #tpu.memory_space<vmem>> -> memref<80x128xf32, #tpu.memory_space<vmem>>
      %dma_start3A_124 = arith.constant 0 : i32
      %dma_start3A_125 = tpu.memref_slice %arg8[%run_scoped3A_57, %dma_start3A_124] : memref<125x80xi32, #tpu.memory_space<vmem>> -> memref<1x80xi32, #tpu.memory_space<vmem>>
      %dma_start3A_126 = tpu.memref_squeeze %dma_start3A_125 : memref<1x80xi32, #tpu.memory_space<vmem>> -> memref<80xi32, #tpu.memory_space<vmem>>
      %dma_start3A_127 = arith.constant 0 : i32
      %dma_start3A_128 = arith.constant 0 : i32
      %dma_start3A_129 = tpu.memref_slice %arg10[%dma_start3A_127, %dma_start3A_128] : memref<10240x128xf32, #tpu.memory_space<vmem_shared>> -> memref<10240x128xf32, #tpu.memory_space<vmem_shared>>
      tpu.enqueue_indirect_dma source(%dma_start3A_123 : memref<80x128xf32, #tpu.memory_space<vmem>>) target(%dma_start3A_129 : memref<10240x128xf32, #tpu.memory_space<vmem_shared>>) offsets(%dma_start3A_126 : memref<80xi32, #tpu.memory_space<vmem>>) semaphore(%run_scoped3A_119 : memref<!tpu.dma_semaphore, #tpu.memory_space<semaphore_mem>>) {add = true}
      %dma_wait3A_130 = arith.constant 0 : i32
      %dma_wait3A_131 = arith.constant 0 : i32
      %dma_wait3A_132 = tpu.memref_slice %arg9[%run_scoped3A_56, %dma_wait3A_130, %dma_wait3A_131] : memref<2x80x128xf32, #tpu.memory_space<vmem>> -> memref<1x80x128xf32, #tpu.memory_space<vmem>>
      %dma_wait3A_133 = tpu.memref_squeeze %dma_wait3A_132 : memref<1x80x128xf32, #tpu.memory_space<vmem>> -> memref<80x128xf32, #tpu.memory_space<vmem>>
      %dma_wait3A_134 = arith.constant 0 : i32
      %dma_wait3A_135 = tpu.memref_slice %arg8[%run_scoped3A_57, %dma_wait3A_134] : memref<125x80xi32, #tpu.memory_space<vmem>> -> memref<1x80xi32, #tpu.memory_space<vmem>>
      %dma_wait3A_136 = tpu.memref_squeeze %dma_wait3A_135 : memref<1x80xi32, #tpu.memory_space<vmem>> -> memref<80xi32, #tpu.memory_space<vmem>>
      %dma_wait3A_137 = arith.constant 0 : i32
      %dma_wait3A_138 = arith.constant 0 : i32
      %dma_wait3A_139 = tpu.memref_slice %arg10[%dma_wait3A_137, %dma_wait3A_138] : memref<10240x128xf32, #tpu.memory_space<vmem_shared>> -> memref<10240x128xf32, #tpu.memory_space<vmem_shared>>
      tpu.wait_indirect_dma semaphore(%run_scoped3A_119 : memref<!tpu.dma_semaphore, #tpu.memory_space<semaphore_mem>>) src(%dma_wait3A_133 : memref<80x128xf32, #tpu.memory_space<vmem>>) dst(%dma_wait3A_139 : memref<10240x128xf32, #tpu.memory_space<vmem_shared>>)
      tpu.yield
    }) : () -> ()
    %dma_start3A_58 = arith.constant 1 : i32
    %dma_start3A_59 = arith.constant 0 : i32
    %dma_start3A_60 = arith.constant 0 : i32
    %dma_start3A_61 = tpu.memref_slice %arg9[%dma_start3A_58, %dma_start3A_59, %dma_start3A_60] : memref<2x80x128xf32, #tpu.memory_space<vmem>> -> memref<1x80x128xf32, #tpu.memory_space<vmem>>
    %dma_start3A_62 = tpu.memref_squeeze %dma_start3A_61 : memref<1x80x128xf32, #tpu.memory_space<vmem>> -> memref<80x128xf32, #tpu.memory_space<vmem>>
    %dma_start3A_63 = arith.constant 9840 : i32
    %dma_start3A_64 = tpu.memref_slice %arg7[%dma_start3A_63] : memref<10000xi32, #tpu.memory_space<vmem>> -> memref<80xi32, #tpu.memory_space<vmem>>
    %dma_start3A_65 = arith.constant 0 : i32
    %dma_start3A_66 = arith.constant 0 : i32
    %dma_start3A_67 = tpu.memref_slice %arg2[%dma_start3A_65, %dma_start3A_66] : memref<10000x128xf32, #tpu.memory_space<hbm>> -> memref<10000x128xf32, #tpu.memory_space<hbm>>
    tpu.enqueue_indirect_dma source(%dma_start3A_67 : memref<10000x128xf32, #tpu.memory_space<hbm>>) target(%dma_start3A_62 : memref<80x128xf32, #tpu.memory_space<vmem>>) offsets(%dma_start3A_64 : memref<80xi32, #tpu.memory_space<vmem>>) semaphore(%arg12 : memref<!tpu.dma_semaphore, #tpu.memory_space<semaphore_mem>>)
    %dma_wait3A_68 = arith.constant 0 : i32
    %dma_wait3A_69 = arith.constant 0 : i32
    %dma_wait3A_70 = arith.constant 0 : i32
    %dma_wait3A_71 = tpu.memref_slice %arg9[%dma_wait3A_68, %dma_wait3A_69, %dma_wait3A_70] : memref<2x80x128xf32, #tpu.memory_space<vmem>> -> memref<1x80x128xf32, #tpu.memory_space<vmem>>
    %dma_wait3A_72 = tpu.memref_squeeze %dma_wait3A_71 : memref<1x80x128xf32, #tpu.memory_space<vmem>> -> memref<80x128xf32, #tpu.memory_space<vmem>>
    %dma_wait3A_73 = arith.constant 0 : i32
    %dma_wait3A_74 = tpu.memref_slice %arg7[%dma_wait3A_73] : memref<10000xi32, #tpu.memory_space<vmem>> -> memref<80xi32, #tpu.memory_space<vmem>>
    %dma_wait3A_75 = arith.constant 0 : i32
    %dma_wait3A_76 = arith.constant 0 : i32
    %dma_wait3A_77 = tpu.memref_slice %arg2[%dma_wait3A_75, %dma_wait3A_76] : memref<10000x128xf32, #tpu.memory_space<hbm>> -> memref<10000x128xf32, #tpu.memory_space<hbm>>
    tpu.wait_indirect_dma semaphore(%arg11 : memref<!tpu.dma_semaphore, #tpu.memory_space<semaphore_mem>>) src(%dma_wait3A_77 : memref<10000x128xf32, #tpu.memory_space<hbm>>) dst(%dma_wait3A_72 : memref<80x128xf32, #tpu.memory_space<vmem>>)
    %run_scoped3A_78 = arith.constant 0 : i32
    %run_scoped3A_79 = arith.constant 122 : i32
    "tpu.region"() ({
      %run_scoped3A_119 = tpu.sem_alloc : memref<!tpu.dma_semaphore, #tpu.memory_space<semaphore_mem>>
      %dma_start3A_120 = arith.constant 0 : i32
      %dma_start3A_121 = arith.constant 0 : i32
      %dma_start3A_122 = tpu.memref_slice %arg9[%run_scoped3A_78, %dma_start3A_120, %dma_start3A_121] : memref<2x80x128xf32, #tpu.memory_space<vmem>> -> memref<1x80x128xf32, #tpu.memory_space<vmem>>
      %dma_start3A_123 = tpu.memref_squeeze %dma_start3A_122 : memref<1x80x128xf32, #tpu.memory_space<vmem>> -> memref<80x128xf32, #tpu.memory_space<vmem>>
      %dma_start3A_124 = arith.constant 0 : i32
      %dma_start3A_125 = tpu.memref_slice %arg8[%run_scoped3A_79, %dma_start3A_124] : memref<125x80xi32, #tpu.memory_space<vmem>> -> memref<1x80xi32, #tpu.memory_space<vmem>>
      %dma_start3A_126 = tpu.memref_squeeze %dma_start3A_125 : memref<1x80xi32, #tpu.memory_space<vmem>> -> memref<80xi32, #tpu.memory_space<vmem>>
      %dma_start3A_127 = arith.constant 0 : i32
      %dma_start3A_128 = arith.constant 0 : i32
      %dma_start3A_129 = tpu.memref_slice %arg10[%dma_start3A_127, %dma_start3A_128] : memref<10240x128xf32, #tpu.memory_space<vmem_shared>> -> memref<10240x128xf32, #tpu.memory_space<vmem_shared>>
      tpu.enqueue_indirect_dma source(%dma_start3A_123 : memref<80x128xf32, #tpu.memory_space<vmem>>) target(%dma_start3A_129 : memref<10240x128xf32, #tpu.memory_space<vmem_shared>>) offsets(%dma_start3A_126 : memref<80xi32, #tpu.memory_space<vmem>>) semaphore(%run_scoped3A_119 : memref<!tpu.dma_semaphore, #tpu.memory_space<semaphore_mem>>) {add = true}
      %dma_wait3A_130 = arith.constant 0 : i32
      %dma_wait3A_131 = arith.constant 0 : i32
      %dma_wait3A_132 = tpu.memref_slice %arg9[%run_scoped3A_78, %dma_wait3A_130, %dma_wait3A_131] : memref<2x80x128xf32, #tpu.memory_space<vmem>> -> memref<1x80x128xf32, #tpu.memory_space<vmem>>
      %dma_wait3A_133 = tpu.memref_squeeze %dma_wait3A_132 : memref<1x80x128xf32, #tpu.memory_space<vmem>> -> memref<80x128xf32, #tpu.memory_space<vmem>>
      %dma_wait3A_134 = arith.constant 0 : i32
      %dma_wait3A_135 = tpu.memref_slice %arg8[%run_scoped3A_79, %dma_wait3A_134] : memref<125x80xi32, #tpu.memory_space<vmem>> -> memref<1x80xi32, #tpu.memory_space<vmem>>
      %dma_wait3A_136 = tpu.memref_squeeze %dma_wait3A_135 : memref<1x80xi32, #tpu.memory_space<vmem>> -> memref<80xi32, #tpu.memory_space<vmem>>
      %dma_wait3A_137 = arith.constant 0 : i32
      %dma_wait3A_138 = arith.constant 0 : i32
      %dma_wait3A_139 = tpu.memref_slice %arg10[%dma_wait3A_137, %dma_wait3A_138] : memref<10240x128xf32, #tpu.memory_space<vmem_shared>> -> memref<10240x128xf32, #tpu.memory_space<vmem_shared>>
      tpu.wait_indirect_dma semaphore(%run_scoped3A_119 : memref<!tpu.dma_semaphore, #tpu.memory_space<semaphore_mem>>) src(%dma_wait3A_133 : memref<80x128xf32, #tpu.memory_space<vmem>>) dst(%dma_wait3A_139 : memref<10240x128xf32, #tpu.memory_space<vmem_shared>>)
      tpu.yield
    }) : () -> ()
    %dma_start3A_80 = arith.constant 0 : i32
    %dma_start3A_81 = arith.constant 0 : i32
    %dma_start3A_82 = arith.constant 0 : i32
    %dma_start3A_83 = tpu.memref_slice %arg9[%dma_start3A_80, %dma_start3A_81, %dma_start3A_82] : memref<2x80x128xf32, #tpu.memory_space<vmem>> -> memref<1x80x128xf32, #tpu.memory_space<vmem>>
    %dma_start3A_84 = tpu.memref_squeeze %dma_start3A_83 : memref<1x80x128xf32, #tpu.memory_space<vmem>> -> memref<80x128xf32, #tpu.memory_space<vmem>>
    %dma_start3A_85 = arith.constant 9920 : i32
    %dma_start3A_86 = tpu.memref_slice %arg7[%dma_start3A_85] : memref<10000xi32, #tpu.memory_space<vmem>> -> memref<80xi32, #tpu.memory_space<vmem>>
    %dma_start3A_87 = arith.constant 0 : i32
    %dma_start3A_88 = arith.constant 0 : i32
    %dma_start3A_89 = tpu.memref_slice %arg2[%dma_start3A_87, %dma_start3A_88] : memref<10000x128xf32, #tpu.memory_space<hbm>> -> memref<10000x128xf32, #tpu.memory_space<hbm>>
    tpu.enqueue_indirect_dma source(%dma_start3A_89 : memref<10000x128xf32, #tpu.memory_space<hbm>>) target(%dma_start3A_84 : memref<80x128xf32, #tpu.memory_space<vmem>>) offsets(%dma_start3A_86 : memref<80xi32, #tpu.memory_space<vmem>>) semaphore(%arg11 : memref<!tpu.dma_semaphore, #tpu.memory_space<semaphore_mem>>)
    %dma_wait3A_90 = arith.constant 1 : i32
    %dma_wait3A_91 = arith.constant 0 : i32
    %dma_wait3A_92 = arith.constant 0 : i32
    %dma_wait3A_93 = tpu.memref_slice %arg9[%dma_wait3A_90, %dma_wait3A_91, %dma_wait3A_92] : memref<2x80x128xf32, #tpu.memory_space<vmem>> -> memref<1x80x128xf32, #tpu.memory_space<vmem>>
    %dma_wait3A_94 = tpu.memref_squeeze %dma_wait3A_93 : memref<1x80x128xf32, #tpu.memory_space<vmem>> -> memref<80x128xf32, #tpu.memory_space<vmem>>
    %dma_wait3A_95 = arith.constant 0 : i32
    %dma_wait3A_96 = tpu.memref_slice %arg7[%dma_wait3A_95] : memref<10000xi32, #tpu.memory_space<vmem>> -> memref<80xi32, #tpu.memory_space<vmem>>
    %dma_wait3A_97 = arith.constant 0 : i32
    %dma_wait3A_98 = arith.constant 0 : i32
    %dma_wait3A_99 = tpu.memref_slice %arg2[%dma_wait3A_97, %dma_wait3A_98] : memref<10000x128xf32, #tpu.memory_space<hbm>> -> memref<10000x128xf32, #tpu.memory_space<hbm>>
    tpu.wait_indirect_dma semaphore(%arg12 : memref<!tpu.dma_semaphore, #tpu.memory_space<semaphore_mem>>) src(%dma_wait3A_99 : memref<10000x128xf32, #tpu.memory_space<hbm>>) dst(%dma_wait3A_94 : memref<80x128xf32, #tpu.memory_space<vmem>>)
    %run_scoped3A_100 = arith.constant 1 : i32
    %run_scoped3A_101 = arith.constant 123 : i32
    "tpu.region"() ({
      %run_scoped3A_119 = tpu.sem_alloc : memref<!tpu.dma_semaphore, #tpu.memory_space<semaphore_mem>>
      %dma_start3A_120 = arith.constant 0 : i32
      %dma_start3A_121 = arith.constant 0 : i32
      %dma_start3A_122 = tpu.memref_slice %arg9[%run_scoped3A_100, %dma_start3A_120, %dma_start3A_121] : memref<2x80x128xf32, #tpu.memory_space<vmem>> -> memref<1x80x128xf32, #tpu.memory_space<vmem>>
      %dma_start3A_123 = tpu.memref_squeeze %dma_start3A_122 : memref<1x80x128xf32, #tpu.memory_space<vmem>> -> memref<80x128xf32, #tpu.memory_space<vmem>>
      %dma_start3A_124 = arith.constant 0 : i32
      %dma_start3A_125 = tpu.memref_slice %arg8[%run_scoped3A_101, %dma_start3A_124] : memref<125x80xi32, #tpu.memory_space<vmem>> -> memref<1x80xi32, #tpu.memory_space<vmem>>
      %dma_start3A_126 = tpu.memref_squeeze %dma_start3A_125 : memref<1x80xi32, #tpu.memory_space<vmem>> -> memref<80xi32, #tpu.memory_space<vmem>>
      %dma_start3A_127 = arith.constant 0 : i32
      %dma_start3A_128 = arith.constant 0 : i32
      %dma_start3A_129 = tpu.memref_slice %arg10[%dma_start3A_127, %dma_start3A_128] : memref<10240x128xf32, #tpu.memory_space<vmem_shared>> -> memref<10240x128xf32, #tpu.memory_space<vmem_shared>>
      tpu.enqueue_indirect_dma source(%dma_start3A_123 : memref<80x128xf32, #tpu.memory_space<vmem>>) target(%dma_start3A_129 : memref<10240x128xf32, #tpu.memory_space<vmem_shared>>) offsets(%dma_start3A_126 : memref<80xi32, #tpu.memory_space<vmem>>) semaphore(%run_scoped3A_119 : memref<!tpu.dma_semaphore, #tpu.memory_space<semaphore_mem>>) {add = true}
      %dma_wait3A_130 = arith.constant 0 : i32
      %dma_wait3A_131 = arith.constant 0 : i32
      %dma_wait3A_132 = tpu.memref_slice %arg9[%run_scoped3A_100, %dma_wait3A_130, %dma_wait3A_131] : memref<2x80x128xf32, #tpu.memory_space<vmem>> -> memref<1x80x128xf32, #tpu.memory_space<vmem>>
      %dma_wait3A_133 = tpu.memref_squeeze %dma_wait3A_132 : memref<1x80x128xf32, #tpu.memory_space<vmem>> -> memref<80x128xf32, #tpu.memory_space<vmem>>
      %dma_wait3A_134 = arith.constant 0 : i32
      %dma_wait3A_135 = tpu.memref_slice %arg8[%run_scoped3A_101, %dma_wait3A_134] : memref<125x80xi32, #tpu.memory_space<vmem>> -> memref<1x80xi32, #tpu.memory_space<vmem>>
      %dma_wait3A_136 = tpu.memref_squeeze %dma_wait3A_135 : memref<1x80xi32, #tpu.memory_space<vmem>> -> memref<80xi32, #tpu.memory_space<vmem>>
      %dma_wait3A_137 = arith.constant 0 : i32
      %dma_wait3A_138 = arith.constant 0 : i32
      %dma_wait3A_139 = tpu.memref_slice %arg10[%dma_wait3A_137, %dma_wait3A_138] : memref<10240x128xf32, #tpu.memory_space<vmem_shared>> -> memref<10240x128xf32, #tpu.memory_space<vmem_shared>>
      tpu.wait_indirect_dma semaphore(%run_scoped3A_119 : memref<!tpu.dma_semaphore, #tpu.memory_space<semaphore_mem>>) src(%dma_wait3A_133 : memref<80x128xf32, #tpu.memory_space<vmem>>) dst(%dma_wait3A_139 : memref<10240x128xf32, #tpu.memory_space<vmem_shared>>)
      tpu.yield
    }) : () -> ()
    %dma_wait3A_102 = arith.constant 0 : i32
    %dma_wait3A_103 = arith.constant 0 : i32
    %dma_wait3A_104 = arith.constant 0 : i32
    %dma_wait3A_105 = tpu.memref_slice %arg9[%dma_wait3A_102, %dma_wait3A_103, %dma_wait3A_104] : memref<2x80x128xf32, #tpu.memory_space<vmem>> -> memref<1x80x128xf32, #tpu.memory_space<vmem>>
    %dma_wait3A_106 = tpu.memref_squeeze %dma_wait3A_105 : memref<1x80x128xf32, #tpu.memory_space<vmem>> -> memref<80x128xf32, #tpu.memory_space<vmem>>
    %dma_wait3A_107 = arith.constant 0 : i32
    %dma_wait3A_108 = tpu.memref_slice %arg7[%dma_wait3A_107] : memref<10000xi32, #tpu.memory_space<vmem>> -> memref<80xi32, #tpu.memory_space<vmem>>
    %dma_wait3A_109 = arith.constant 0 : i32
    %dma_wait3A_110 = arith.constant 0 : i32
    %dma_wait3A_111 = tpu.memref_slice %arg2[%dma_wait3A_109, %dma_wait3A_110] : memref<10000x128xf32, #tpu.memory_space<hbm>> -> memref<10000x128xf32, #tpu.memory_space<hbm>>
    tpu.wait_indirect_dma semaphore(%arg11 : memref<!tpu.dma_semaphore, #tpu.memory_space<semaphore_mem>>) src(%dma_wait3A_111 : memref<10000x128xf32, #tpu.memory_space<hbm>>) dst(%dma_wait3A_106 : memref<80x128xf32, #tpu.memory_space<vmem>>)
    %run_scoped3A_112 = arith.constant 0 : i32
    %run_scoped3A_113 = arith.constant 124 : i32
    "tpu.region"() ({
      %run_scoped3A_119 = tpu.sem_alloc : memref<!tpu.dma_semaphore, #tpu.memory_space<semaphore_mem>>
      %dma_start3A_120 = arith.constant 0 : i32
      %dma_start3A_121 = arith.constant 0 : i32
      %dma_start3A_122 = tpu.memref_slice %arg9[%run_scoped3A_112, %dma_start3A_120, %dma_start3A_121] : memref<2x80x128xf32, #tpu.memory_space<vmem>> -> memref<1x80x128xf32, #tpu.memory_space<vmem>>
      %dma_start3A_123 = tpu.memref_squeeze %dma_start3A_122 : memref<1x80x128xf32, #tpu.memory_space<vmem>> -> memref<80x128xf32, #tpu.memory_space<vmem>>
      %dma_start3A_124 = arith.constant 0 : i32
      %dma_start3A_125 = tpu.memref_slice %arg8[%run_scoped3A_113, %dma_start3A_124] : memref<125x80xi32, #tpu.memory_space<vmem>> -> memref<1x80xi32, #tpu.memory_space<vmem>>
      %dma_start3A_126 = tpu.memref_squeeze %dma_start3A_125 : memref<1x80xi32, #tpu.memory_space<vmem>> -> memref<80xi32, #tpu.memory_space<vmem>>
      %dma_start3A_127 = arith.constant 0 : i32
      %dma_start3A_128 = arith.constant 0 : i32
      %dma_start3A_129 = tpu.memref_slice %arg10[%dma_start3A_127, %dma_start3A_128] : memref<10240x128xf32, #tpu.memory_space<vmem_shared>> -> memref<10240x128xf32, #tpu.memory_space<vmem_shared>>
      tpu.enqueue_indirect_dma source(%dma_start3A_123 : memref<80x128xf32, #tpu.memory_space<vmem>>) target(%dma_start3A_129 : memref<10240x128xf32, #tpu.memory_space<vmem_shared>>) offsets(%dma_start3A_126 : memref<80xi32, #tpu.memory_space<vmem>>) semaphore(%run_scoped3A_119 : memref<!tpu.dma_semaphore, #tpu.memory_space<semaphore_mem>>) {add = true}
      %dma_wait3A_130 = arith.constant 0 : i32
      %dma_wait3A_131 = arith.constant 0 : i32
      %dma_wait3A_132 = tpu.memref_slice %arg9[%run_scoped3A_112, %dma_wait3A_130, %dma_wait3A_131] : memref<2x80x128xf32, #tpu.memory_space<vmem>> -> memref<1x80x128xf32, #tpu.memory_space<vmem>>
      %dma_wait3A_133 = tpu.memref_squeeze %dma_wait3A_132 : memref<1x80x128xf32, #tpu.memory_space<vmem>> -> memref<80x128xf32, #tpu.memory_space<vmem>>
      %dma_wait3A_134 = arith.constant 0 : i32
      %dma_wait3A_135 = tpu.memref_slice %arg8[%run_scoped3A_113, %dma_wait3A_134] : memref<125x80xi32, #tpu.memory_space<vmem>> -> memref<1x80xi32, #tpu.memory_space<vmem>>
      %dma_wait3A_136 = tpu.memref_squeeze %dma_wait3A_135 : memref<1x80xi32, #tpu.memory_space<vmem>> -> memref<80xi32, #tpu.memory_space<vmem>>
      %dma_wait3A_137 = arith.constant 0 : i32
      %dma_wait3A_138 = arith.constant 0 : i32
      %dma_wait3A_139 = tpu.memref_slice %arg10[%dma_wait3A_137, %dma_wait3A_138] : memref<10240x128xf32, #tpu.memory_space<vmem_shared>> -> memref<10240x128xf32, #tpu.memory_space<vmem_shared>>
      tpu.wait_indirect_dma semaphore(%run_scoped3A_119 : memref<!tpu.dma_semaphore, #tpu.memory_space<semaphore_mem>>) src(%dma_wait3A_133 : memref<80x128xf32, #tpu.memory_space<vmem>>) dst(%dma_wait3A_139 : memref<10240x128xf32, #tpu.memory_space<vmem_shared>>)
      tpu.yield
    }) : () -> ()
    %barrier3A_114 = arith.constant 0 : index
    tpu.barrier barrier_id(%barrier3A_114)
    %mul3A_115 = arith.constant 640 : i32
    %mul3A_116 = arith.muli %arg1, %mul3A_115 : i32
    %mul3A_117 = arith.constant 640 : i32
    %mul3A_118 = arith.muli %arg1, %mul3A_117 : i32
    "tpu.region"() ({
      %run_scoped3A_119 = tpu.sem_alloc : memref<!tpu.dma_semaphore, #tpu.memory_space<semaphore_mem>>
      %dma_start3A_120 = arith.constant 0 : i32
      %dma_start3A_121 = arith.constant 0 : i32
      %dma_start3A_122 = tpu.memref_slice %arg6[%arg0, %dma_start3A_120, %dma_start3A_121] : memref<2x10240x128xf32, #tpu.memory_space<hbm>> -> memref<1x10240x128xf32, #tpu.memory_space<hbm>>
      %dma_start3A_123 = tpu.memref_squeeze %dma_start3A_122 : memref<1x10240x128xf32, #tpu.memory_space<hbm>> -> memref<10240x128xf32, #tpu.memory_space<hbm>>
      %dma_start3A_124 = arith.constant 0 : i32
      %dma_start3A_125 = tpu.memref_slice %dma_start3A_123[%mul3A_118, %dma_start3A_124] : memref<10240x128xf32, #tpu.memory_space<hbm>> -> memref<640x128xf32, #tpu.memory_space<hbm>>
      %dma_start3A_126 = arith.constant 0 : i32
      %dma_start3A_127 = tpu.memref_slice %arg10[%mul3A_116, %dma_start3A_126] : memref<10240x128xf32, #tpu.memory_space<vmem_shared>> -> memref<640x128xf32, #tpu.memory_space<vmem_shared>>
      tpu.enqueue_dma source(%dma_start3A_127 : memref<640x128xf32, #tpu.memory_space<vmem_shared>>) target(%dma_start3A_125 : memref<640x128xf32, #tpu.memory_space<hbm>>) target_semaphore(%run_scoped3A_119 : memref<!tpu.dma_semaphore, #tpu.memory_space<semaphore_mem>>)
      %dma_wait3A_128 = arith.constant 0 : i32
      %dma_wait3A_129 = arith.constant 0 : i32
      %dma_wait3A_130 = tpu.memref_slice %arg6[%arg0, %dma_wait3A_128, %dma_wait3A_129] : memref<2x10240x128xf32, #tpu.memory_space<hbm>> -> memref<1x10240x128xf32, #tpu.memory_space<hbm>>
      %dma_wait3A_131 = tpu.memref_squeeze %dma_wait3A_130 : memref<1x10240x128xf32, #tpu.memory_space<hbm>> -> memref<10240x128xf32, #tpu.memory_space<hbm>>
      %dma_wait3A_132 = arith.constant 0 : i32
      %dma_wait3A_133 = tpu.memref_slice %dma_wait3A_131[%mul3A_118, %dma_wait3A_132] : memref<10240x128xf32, #tpu.memory_space<hbm>> -> memref<640x128xf32, #tpu.memory_space<hbm>>
      %dma_wait3A_134 = arith.constant 0 : i32
      %dma_wait3A_135 = tpu.memref_slice %arg10[%mul3A_116, %dma_wait3A_134] : memref<10240x128xf32, #tpu.memory_space<vmem_shared>> -> memref<640x128xf32, #tpu.memory_space<vmem_shared>>
      tpu.wait_dma2 semaphore(%run_scoped3A_119 : memref<!tpu.dma_semaphore, #tpu.memory_space<semaphore_mem>>) src(%dma_wait3A_135 : memref<640x128xf32, #tpu.memory_space<vmem_shared>>) dst(%dma_wait3A_133 : memref<640x128xf32, #tpu.memory_space<hbm>>)
      tpu.yield
    }) : () -> ()
    return
  }
}

#map = affine_map<(d0, d1) -> (0, 0)>
#map1 = affine_map<(d0, d1) -> (0, 0, 0)>
module attributes {stable_mosaic.version = 14 : i64} {
  func.func @_propagate(%arg0: i32, %arg1: i32, %arg2: memref<10000x128xf32, #tpu.memory_space<hbm>>, %arg3: memref<32x10000xi32, #tpu.memory_space<hbm>>, %arg4: memref<32x125x80xi32, #tpu.memory_space<hbm>>, %arg5: memref<640x128xf32, #tpu.memory_space<hbm>>, %arg6: memref<2x10240x128xf32, #tpu.memory_space<hbm>>, %arg7: memref<10000xi32, #tpu.memory_space<vmem>>, %arg8: memref<125x80xi32, #tpu.memory_space<vmem>>, %arg9: memref<2x80x128xf32, #tpu.memory_space<vmem>>, %arg10: memref<10240x128xf32, #tpu.memory_space<vmem_shared>>, %arg11: memref<!tpu.dma_semaphore, #tpu.memory_space<semaphore_mem>>, %arg12: memref<!tpu.dma_semaphore, #tpu.memory_space<semaphore_mem>>) attributes {dimension_semantics = [#tpu.dimension_semantics<core_parallel>, #tpu.dimension_semantics<subcore_parallel>], iteration_bounds = array<i64: 2, 16>, scalar_prefetch = 0 : i64, scratch_operands = 6 : i64, tpu.core_type = #tpu.core_type<sc_vector_subcore>, window_params = [{transform_indices = #map}, {transform_indices = #map}, {transform_indices = #map1}, {transform_indices = #map}, {transform_indices = #map1}]} {
    %mul3A = arith.constant 16 : i32
    %mul3A_0 = arith.muli %arg0, %mul3A : i32
    %add3A = arith.addi %mul3A_0, %arg1 : i32
    "tpu.region"() ({
      %run_scoped3A_119 = tpu.sem_alloc : memref<!tpu.dma_semaphore, #tpu.memory_space<semaphore_mem>>
      %dma_start3A_120 = arith.constant 0 : i32
      %dma_start3A_121 = tpu.memref_slice %arg3[%add3A, %dma_start3A_120] : memref<32x10000xi32, #tpu.memory_space<hbm>> -> memref<1x10000xi32, #tpu.memory_space<hbm>>
      %dma_start3A_122 = tpu.memref_squeeze %dma_start3A_121 : memref<1x10000xi32, #tpu.memory_space<hbm>> -> memref<10000xi32, #tpu.memory_space<hbm>>
      %dma_start3A_123 = arith.constant 0 : i32
      %dma_start3A_124 = tpu.memref_slice %arg3[%add3A, %dma_start3A_123] : memref<32x10000xi32, #tpu.memory_space<hbm>> -> memref<1x10000xi32, #tpu.memory_space<hbm>>
      %dma_start3A_125 = tpu.memref_squeeze %dma_start3A_124 : memref<1x10000xi32, #tpu.memory_space<hbm>> -> memref<10000xi32, #tpu.memory_space<hbm>>
      tpu.enqueue_dma source(%dma_start3A_125 : memref<10000xi32, #tpu.memory_space<hbm>>) target(%arg7 : memref<10000xi32, #tpu.memory_space<vmem>>) target_semaphore(%run_scoped3A_119 : memref<!tpu.dma_semaphore, #tpu.memory_space<semaphore_mem>>)
      %dma_wait3A_126 = arith.constant 0 : i32
      %dma_wait3A_127 = tpu.memref_slice %arg3[%add3A, %dma_wait3A_126] : memref<32x10000xi32, #tpu.memory_space<hbm>> -> memref<1x10000xi32, #tpu.memory_space<hbm>>
      %dma_wait3A_128 = tpu.memref_squeeze %dma_wait3A_127 : memref<1x10000xi32, #tpu.memory_space<hbm>> -> memref<10000xi32, #tpu.memory_space<hbm>>
      %dma_wait3A_129 = arith.constant 0 : i32
      %dma_wait3A_130 = tpu.memref_slice %arg3[%add3A, %dma_wait3A_129] : memref<32x10000xi32, #tpu.memory_space<hbm>> -> memref<1x10000xi32, #tpu.memory_space<hbm>>
      %dma_wait3A_131 = tpu.memref_squeeze %dma_wait3A_130 : memref<1x10000xi32, #tpu.memory_space<hbm>> -> memref<10000xi32, #tpu.memory_space<hbm>>
      tpu.wait_dma2 semaphore(%run_scoped3A_119 : memref<!tpu.dma_semaphore, #tpu.memory_space<semaphore_mem>>) src(%dma_wait3A_131 : memref<10000xi32, #tpu.memory_space<hbm>>) dst(%arg7 : memref<10000xi32, #tpu.memory_space<vmem>>)
      tpu.yield
    }) : () -> ()
    "tpu.region"() ({
      %run_scoped3A_119 = tpu.sem_alloc : memref<!tpu.dma_semaphore, #tpu.memory_space<semaphore_mem>>
      %dma_start3A_120 = arith.constant 0 : i32
      %dma_start3A_121 = arith.constant 0 : i32
      %dma_start3A_122 = tpu.memref_slice %arg4[%add3A, %dma_start3A_120, %dma_start3A_121] : memref<32x125x80xi32, #tpu.memory_space<hbm>> -> memref<1x125x80xi32, #tpu.memory_space<hbm>>
      %dma_start3A_123 = tpu.memref_squeeze %dma_start3A_122 : memref<1x125x80xi32, #tpu.memory_space<hbm>> -> memref<125x80xi32, #tpu.memory_space<hbm>>
      %dma_start3A_124 = arith.constant 0 : i32
      %dma_start3A_125 = arith.constant 0 : i32
      %dma_start3A_126 = tpu.memref_slice %arg4[%add3A, %dma_start3A_124, %dma_start3A_125] : memref<32x125x80xi32, #tpu.memory_space<hbm>> -> memref<1x125x80xi32, #tpu.memory_space<hbm>>
      %dma_start3A_127 = tpu.memref_squeeze %dma_start3A_126 : memref<1x125x80xi32, #tpu.memory_space<hbm>> -> memref<125x80xi32, #tpu.memory_space<hbm>>
      tpu.enqueue_dma source(%dma_start3A_127 : memref<125x80xi32, #tpu.memory_space<hbm>>) target(%arg8 : memref<125x80xi32, #tpu.memory_space<vmem>>) target_semaphore(%run_scoped3A_119 : memref<!tpu.dma_semaphore, #tpu.memory_space<semaphore_mem>>)
      %dma_wait3A_128 = arith.constant 0 : i32
      %dma_wait3A_129 = arith.constant 0 : i32
      %dma_wait3A_130 = tpu.memref_slice %arg4[%add3A, %dma_wait3A_128, %dma_wait3A_129] : memref<32x125x80xi32, #tpu.memory_space<hbm>> -> memref<1x125x80xi32, #tpu.memory_space<hbm>>
      %dma_wait3A_131 = tpu.memref_squeeze %dma_wait3A_130 : memref<1x125x80xi32, #tpu.memory_space<hbm>> -> memref<125x80xi32, #tpu.memory_space<hbm>>
      %dma_wait3A_132 = arith.constant 0 : i32
      %dma_wait3A_133 = arith.constant 0 : i32
      %dma_wait3A_134 = tpu.memref_slice %arg4[%add3A, %dma_wait3A_132, %dma_wait3A_133] : memref<32x125x80xi32, #tpu.memory_space<hbm>> -> memref<1x125x80xi32, #tpu.memory_space<hbm>>
      %dma_wait3A_135 = tpu.memref_squeeze %dma_wait3A_134 : memref<1x125x80xi32, #tpu.memory_space<hbm>> -> memref<125x80xi32, #tpu.memory_space<hbm>>
      tpu.wait_dma2 semaphore(%run_scoped3A_119 : memref<!tpu.dma_semaphore, #tpu.memory_space<semaphore_mem>>) src(%dma_wait3A_135 : memref<125x80xi32, #tpu.memory_space<hbm>>) dst(%arg8 : memref<125x80xi32, #tpu.memory_space<vmem>>)
      tpu.yield
    }) : () -> ()
    %mul3A_1 = arith.constant 640 : i32
    %mul3A_2 = arith.muli %arg1, %mul3A_1 : i32
    "tpu.region"() ({
      %run_scoped3A_119 = tpu.sem_alloc : memref<!tpu.dma_semaphore, #tpu.memory_space<semaphore_mem>>
      %dma_start3A_120 = arith.constant 0 : i32
      %dma_start3A_121 = tpu.memref_slice %arg10[%mul3A_2, %dma_start3A_120] : memref<10240x128xf32, #tpu.memory_space<vmem_shared>> -> memref<640x128xf32, #tpu.memory_space<vmem_shared>>
      tpu.enqueue_dma source(%arg5 : memref<640x128xf32, #tpu.memory_space<hbm>>) target(%dma_start3A_121 : memref<640x128xf32, #tpu.memory_space<vmem_shared>>) target_semaphore(%run_scoped3A_119 : memref<!tpu.dma_semaphore, #tpu.memory_space<semaphore_mem>>)
      %dma_wait3A_122 = arith.constant 0 : i32
      %dma_wait3A_123 = tpu.memref_slice %arg10[%mul3A_2, %dma_wait3A_122] : memref<10240x128xf32, #tpu.memory_space<vmem_shared>> -> memref<640x128xf32, #tpu.memory_space<vmem_shared>>
      tpu.wait_dma2 semaphore(%run_scoped3A_119 : memref<!tpu.dma_semaphore, #tpu.memory_space<semaphore_mem>>) src(%arg5 : memref<640x128xf32, #tpu.memory_space<hbm>>) dst(%dma_wait3A_123 : memref<640x128xf32, #tpu.memory_space<vmem_shared>>)
      tpu.yield
    }) : () -> ()
    %barrier3A = arith.constant 0 : index
    tpu.barrier barrier_id(%barrier3A)
    %dma_start3A = arith.constant 0 : i32
    %dma_start3A_3 = arith.constant 0 : i32
    %dma_start3A_4 = arith.constant 0 : i32
    %dma_start3A_5 = tpu.memref_slice %arg9[%dma_start3A, %dma_start3A_3, %dma_start3A_4] : memref<2x80x128xf32, #tpu.memory_space<vmem>> -> memref<1x80x128xf32, #tpu.memory_space<vmem>>
    %dma_start3A_6 = tpu.memref_squeeze %dma_start3A_5 : memref<1x80x128xf32, #tpu.memory_space<vmem>> -> memref<80x128xf32, #tpu.memory_space<vmem>>
    %dma_start3A_7 = arith.constant 0 : i32
    %dma_start3A_8 = tpu.memref_slice %arg7[%dma_start3A_7] : memref<10000xi32, #tpu.memory_space<vmem>> -> memref<80xi32, #tpu.memory_space<vmem>>
    %dma_start3A_9 = arith.constant 0 : i32
    %dma_start3A_10 = arith.constant 0 : i32
    %dma_start3A_11 = tpu.memref_slice %arg2[%dma_start3A_9, %dma_start3A_10] : memref<10000x128xf32, #tpu.memory_space<hbm>> -> memref<10000x128xf32, #tpu.memory_space<hbm>>
    tpu.enqueue_indirect_dma source(%dma_start3A_11 : memref<10000x128xf32, #tpu.memory_space<hbm>>) target(%dma_start3A_6 : memref<80x128xf32, #tpu.memory_space<vmem>>) offsets(%dma_start3A_8 : memref<80xi32, #tpu.memory_space<vmem>>) semaphore(%arg11 : memref<!tpu.dma_semaphore, #tpu.memory_space<semaphore_mem>>)
    %dma_start3A_12 = arith.constant 1 : i32
    %dma_start3A_13 = arith.constant 0 : i32
    %dma_start3A_14 = arith.constant 0 : i32
    %dma_start3A_15 = tpu.memref_slice %arg9[%dma_start3A_12, %dma_start3A_13, %dma_start3A_14] : memref<2x80x128xf32, #tpu.memory_space<vmem>> -> memref<1x80x128xf32, #tpu.memory_space<vmem>>
    %dma_start3A_16 = tpu.memref_squeeze %dma_start3A_15 : memref<1x80x128xf32, #tpu.memory_space<vmem>> -> memref<80x128xf32, #tpu.memory_space<vmem>>
    %dma_start3A_17 = arith.constant 80 : i32
    %dma_start3A_18 = tpu.memref_slice %arg7[%dma_start3A_17] : memref<10000xi32, #tpu.memory_space<vmem>> -> memref<80xi32, #tpu.memory_space<vmem>>
    %dma_start3A_19 = arith.constant 0 : i32
    %dma_start3A_20 = arith.constant 0 : i32
    %dma_start3A_21 = tpu.memref_slice %arg2[%dma_start3A_19, %dma_start3A_20] : memref<10000x128xf32, #tpu.memory_space<hbm>> -> memref<10000x128xf32, #tpu.memory_space<hbm>>
    tpu.enqueue_indirect_dma source(%dma_start3A_21 : memref<10000x128xf32, #tpu.memory_space<hbm>>) target(%dma_start3A_16 : memref<80x128xf32, #tpu.memory_space<vmem>>) offsets(%dma_start3A_18 : memref<80xi32, #tpu.memory_space<vmem>>) semaphore(%arg12 : memref<!tpu.dma_semaphore, #tpu.memory_space<semaphore_mem>>)
    %scan3A = arith.constant 0 : i32
    %scan3A_22 = arith.constant 30 : i32
    %scan3A_23 = arith.addi %scan3A, %scan3A_22 : i32
    %scan3A_24 = arith.constant 1 : i32
    scf.for %scan3A_119 = %scan3A to %scan3A_23 step %scan3A_24  : i32 {
      %mul3A_120 = arith.constant 4 : i32
      %mul3A_121 = arith.muli %scan3A_119, %mul3A_120 : i32
      %add3A_122 = arith.constant 0 : i32
      %add3A_123 = arith.addi %add3A_122, %mul3A_121 : i32
      %dma_wait3A_124 = arith.constant 0 : i32
      %dma_wait3A_125 = arith.constant 0 : i32
      %dma_wait3A_126 = arith.constant 0 : i32
      %dma_wait3A_127 = tpu.memref_slice %arg9[%dma_wait3A_124, %dma_wait3A_125, %dma_wait3A_126] : memref<2x80x128xf32, #tpu.memory_space<vmem>> -> memref<1x80x128xf32, #tpu.memory_space<vmem>>
      %dma_wait3A_128 = tpu.memref_squeeze %dma_wait3A_127 : memref<1x80x128xf32, #tpu.memory_space<vmem>> -> memref<80x128xf32, #tpu.memory_space<vmem>>
      %dma_wait3A_129 = arith.constant 0 : i32
      %dma_wait3A_130 = tpu.memref_slice %arg7[%dma_wait3A_129] : memref<10000xi32, #tpu.memory_space<vmem>> -> memref<80xi32, #tpu.memory_space<vmem>>
      %dma_wait3A_131 = arith.constant 0 : i32
      %dma_wait3A_132 = arith.constant 0 : i32
      %dma_wait3A_133 = tpu.memref_slice %arg2[%dma_wait3A_131, %dma_wait3A_132] : memref<10000x128xf32, #tpu.memory_space<hbm>> -> memref<10000x128xf32, #tpu.memory_space<hbm>>
      tpu.wait_indirect_dma semaphore(%arg11 : memref<!tpu.dma_semaphore, #tpu.memory_space<semaphore_mem>>) src(%dma_wait3A_133 : memref<10000x128xf32, #tpu.memory_space<hbm>>) dst(%dma_wait3A_128 : memref<80x128xf32, #tpu.memory_space<vmem>>)
      %run_scoped3A_134 = arith.constant 0 : i32
      "tpu.region"() ({
        %run_scoped3A_224 = tpu.sem_alloc : memref<!tpu.dma_semaphore, #tpu.memory_space<semaphore_mem>>
        %dma_start3A_225 = arith.constant 0 : i32
        %dma_start3A_226 = arith.constant 0 : i32
        %dma_start3A_227 = tpu.memref_slice %arg9[%run_scoped3A_134, %dma_start3A_225, %dma_start3A_226] : memref<2x80x128xf32, #tpu.memory_space<vmem>> -> memref<1x80x128xf32, #tpu.memory_space<vmem>>
        %dma_start3A_228 = tpu.memref_squeeze %dma_start3A_227 : memref<1x80x128xf32, #tpu.memory_space<vmem>> -> memref<80x128xf32, #tpu.memory_space<vmem>>
        %dma_start3A_229 = arith.constant 0 : i32
        %dma_start3A_230 = tpu.memref_slice %arg8[%add3A_123, %dma_start3A_229] : memref<125x80xi32, #tpu.memory_space<vmem>> -> memref<1x80xi32, #tpu.memory_space<vmem>>
        %dma_start3A_231 = tpu.memref_squeeze %dma_start3A_230 : memref<1x80xi32, #tpu.memory_space<vmem>> -> memref<80xi32, #tpu.memory_space<vmem>>
        %dma_start3A_232 = arith.constant 0 : i32
        %dma_start3A_233 = arith.constant 0 : i32
        %dma_start3A_234 = tpu.memref_slice %arg10[%dma_start3A_232, %dma_start3A_233] : memref<10240x128xf32, #tpu.memory_space<vmem_shared>> -> memref<10240x128xf32, #tpu.memory_space<vmem_shared>>
        tpu.enqueue_indirect_dma source(%dma_start3A_228 : memref<80x128xf32, #tpu.memory_space<vmem>>) target(%dma_start3A_234 : memref<10240x128xf32, #tpu.memory_space<vmem_shared>>) offsets(%dma_start3A_231 : memref<80xi32, #tpu.memory_space<vmem>>) semaphore(%run_scoped3A_224 : memref<!tpu.dma_semaphore, #tpu.memory_space<semaphore_mem>>) {add = true}
        %dma_wait3A_235 = arith.constant 0 : i32
        %dma_wait3A_236 = arith.constant 0 : i32
        %dma_wait3A_237 = tpu.memref_slice %arg9[%run_scoped3A_134, %dma_wait3A_235, %dma_wait3A_236] : memref<2x80x128xf32, #tpu.memory_space<vmem>> -> memref<1x80x128xf32, #tpu.memory_space<vmem>>
        %dma_wait3A_238 = tpu.memref_squeeze %dma_wait3A_237 : memref<1x80x128xf32, #tpu.memory_space<vmem>> -> memref<80x128xf32, #tpu.memory_space<vmem>>
        %dma_wait3A_239 = arith.constant 0 : i32
        %dma_wait3A_240 = tpu.memref_slice %arg8[%add3A_123, %dma_wait3A_239] : memref<125x80xi32, #tpu.memory_space<vmem>> -> memref<1x80xi32, #tpu.memory_space<vmem>>
        %dma_wait3A_241 = tpu.memref_squeeze %dma_wait3A_240 : memref<1x80xi32, #tpu.memory_space<vmem>> -> memref<80xi32, #tpu.memory_space<vmem>>
        %dma_wait3A_242 = arith.constant 0 : i32
        %dma_wait3A_243 = arith.constant 0 : i32
        %dma_wait3A_244 = tpu.memref_slice %arg10[%dma_wait3A_242, %dma_wait3A_243] : memref<10240x128xf32, #tpu.memory_space<vmem_shared>> -> memref<10240x128xf32, #tpu.memory_space<vmem_shared>>
        tpu.wait_indirect_dma semaphore(%run_scoped3A_224 : memref<!tpu.dma_semaphore, #tpu.memory_space<semaphore_mem>>) src(%dma_wait3A_238 : memref<80x128xf32, #tpu.memory_space<vmem>>) dst(%dma_wait3A_244 : memref<10240x128xf32, #tpu.memory_space<vmem_shared>>)
        tpu.yield
      }) : () -> ()
      %add3A_135 = arith.constant 2 : i32
      %add3A_136 = arith.addi %add3A_123, %add3A_135 : i32
      %mul3A_137 = arith.constant 80 : i32
      %mul3A_138 = arith.muli %add3A_136, %mul3A_137 : i32
      %dma_start3A_139 = arith.constant 0 : i32
      %dma_start3A_140 = arith.constant 0 : i32
      %dma_start3A_141 = arith.constant 0 : i32
      %dma_start3A_142 = tpu.memref_slice %arg9[%dma_start3A_139, %dma_start3A_140, %dma_start3A_141] : memref<2x80x128xf32, #tpu.memory_space<vmem>> -> memref<1x80x128xf32, #tpu.memory_space<vmem>>
      %dma_start3A_143 = tpu.memref_squeeze %dma_start3A_142 : memref<1x80x128xf32, #tpu.memory_space<vmem>> -> memref<80x128xf32, #tpu.memory_space<vmem>>
      %dma_start3A_144 = tpu.memref_slice %arg7[%mul3A_138] : memref<10000xi32, #tpu.memory_space<vmem>> -> memref<80xi32, #tpu.memory_space<vmem>>
      %dma_start3A_145 = arith.constant 0 : i32
      %dma_start3A_146 = arith.constant 0 : i32
      %dma_start3A_147 = tpu.memref_slice %arg2[%dma_start3A_145, %dma_start3A_146] : memref<10000x128xf32, #tpu.memory_space<hbm>> -> memref<10000x128xf32, #tpu.memory_space<hbm>>
      tpu.enqueue_indirect_dma source(%dma_start3A_147 : memref<10000x128xf32, #tpu.memory_space<hbm>>) target(%dma_start3A_143 : memref<80x128xf32, #tpu.memory_space<vmem>>) offsets(%dma_start3A_144 : memref<80xi32, #tpu.memory_space<vmem>>) semaphore(%arg11 : memref<!tpu.dma_semaphore, #tpu.memory_space<semaphore_mem>>)
      %dma_wait3A_148 = arith.constant 1 : i32
      %dma_wait3A_149 = arith.constant 0 : i32
      %dma_wait3A_150 = arith.constant 0 : i32
      %dma_wait3A_151 = tpu.memref_slice %arg9[%dma_wait3A_148, %dma_wait3A_149, %dma_wait3A_150] : memref<2x80x128xf32, #tpu.memory_space<vmem>> -> memref<1x80x128xf32, #tpu.memory_space<vmem>>
      %dma_wait3A_152 = tpu.memref_squeeze %dma_wait3A_151 : memref<1x80x128xf32, #tpu.memory_space<vmem>> -> memref<80x128xf32, #tpu.memory_space<vmem>>
      %dma_wait3A_153 = arith.constant 0 : i32
      %dma_wait3A_154 = tpu.memref_slice %arg7[%dma_wait3A_153] : memref<10000xi32, #tpu.memory_space<vmem>> -> memref<80xi32, #tpu.memory_space<vmem>>
      %dma_wait3A_155 = arith.constant 0 : i32
      %dma_wait3A_156 = arith.constant 0 : i32
      %dma_wait3A_157 = tpu.memref_slice %arg2[%dma_wait3A_155, %dma_wait3A_156] : memref<10000x128xf32, #tpu.memory_space<hbm>> -> memref<10000x128xf32, #tpu.memory_space<hbm>>
      tpu.wait_indirect_dma semaphore(%arg12 : memref<!tpu.dma_semaphore, #tpu.memory_space<semaphore_mem>>) src(%dma_wait3A_157 : memref<10000x128xf32, #tpu.memory_space<hbm>>) dst(%dma_wait3A_152 : memref<80x128xf32, #tpu.memory_space<vmem>>)
      %add3A_158 = arith.constant 1 : i32
      %add3A_159 = arith.addi %add3A_123, %add3A_158 : i32
      %run_scoped3A_160 = arith.constant 1 : i32
      "tpu.region"() ({
        %run_scoped3A_224 = tpu.sem_alloc : memref<!tpu.dma_semaphore, #tpu.memory_space<semaphore_mem>>
        %dma_start3A_225 = arith.constant 0 : i32
        %dma_start3A_226 = arith.constant 0 : i32
        %dma_start3A_227 = tpu.memref_slice %arg9[%run_scoped3A_160, %dma_start3A_225, %dma_start3A_226] : memref<2x80x128xf32, #tpu.memory_space<vmem>> -> memref<1x80x128xf32, #tpu.memory_space<vmem>>
        %dma_start3A_228 = tpu.memref_squeeze %dma_start3A_227 : memref<1x80x128xf32, #tpu.memory_space<vmem>> -> memref<80x128xf32, #tpu.memory_space<vmem>>
        %dma_start3A_229 = arith.constant 0 : i32
        %dma_start3A_230 = tpu.memref_slice %arg8[%add3A_159, %dma_start3A_229] : memref<125x80xi32, #tpu.memory_space<vmem>> -> memref<1x80xi32, #tpu.memory_space<vmem>>
        %dma_start3A_231 = tpu.memref_squeeze %dma_start3A_230 : memref<1x80xi32, #tpu.memory_space<vmem>> -> memref<80xi32, #tpu.memory_space<vmem>>
        %dma_start3A_232 = arith.constant 0 : i32
        %dma_start3A_233 = arith.constant 0 : i32
        %dma_start3A_234 = tpu.memref_slice %arg10[%dma_start3A_232, %dma_start3A_233] : memref<10240x128xf32, #tpu.memory_space<vmem_shared>> -> memref<10240x128xf32, #tpu.memory_space<vmem_shared>>
        tpu.enqueue_indirect_dma source(%dma_start3A_228 : memref<80x128xf32, #tpu.memory_space<vmem>>) target(%dma_start3A_234 : memref<10240x128xf32, #tpu.memory_space<vmem_shared>>) offsets(%dma_start3A_231 : memref<80xi32, #tpu.memory_space<vmem>>) semaphore(%run_scoped3A_224 : memref<!tpu.dma_semaphore, #tpu.memory_space<semaphore_mem>>) {add = true}
        %dma_wait3A_235 = arith.constant 0 : i32
        %dma_wait3A_236 = arith.constant 0 : i32
        %dma_wait3A_237 = tpu.memref_slice %arg9[%run_scoped3A_160, %dma_wait3A_235, %dma_wait3A_236] : memref<2x80x128xf32, #tpu.memory_space<vmem>> -> memref<1x80x128xf32, #tpu.memory_space<vmem>>
        %dma_wait3A_238 = tpu.memref_squeeze %dma_wait3A_237 : memref<1x80x128xf32, #tpu.memory_space<vmem>> -> memref<80x128xf32, #tpu.memory_space<vmem>>
        %dma_wait3A_239 = arith.constant 0 : i32
        %dma_wait3A_240 = tpu.memref_slice %arg8[%add3A_159, %dma_wait3A_239] : memref<125x80xi32, #tpu.memory_space<vmem>> -> memref<1x80xi32, #tpu.memory_space<vmem>>
        %dma_wait3A_241 = tpu.memref_squeeze %dma_wait3A_240 : memref<1x80xi32, #tpu.memory_space<vmem>> -> memref<80xi32, #tpu.memory_space<vmem>>
        %dma_wait3A_242 = arith.constant 0 : i32
        %dma_wait3A_243 = arith.constant 0 : i32
        %dma_wait3A_244 = tpu.memref_slice %arg10[%dma_wait3A_242, %dma_wait3A_243] : memref<10240x128xf32, #tpu.memory_space<vmem_shared>> -> memref<10240x128xf32, #tpu.memory_space<vmem_shared>>
        tpu.wait_indirect_dma semaphore(%run_scoped3A_224 : memref<!tpu.dma_semaphore, #tpu.memory_space<semaphore_mem>>) src(%dma_wait3A_238 : memref<80x128xf32, #tpu.memory_space<vmem>>) dst(%dma_wait3A_244 : memref<10240x128xf32, #tpu.memory_space<vmem_shared>>)
        tpu.yield
      }) : () -> ()
      %add3A_161 = arith.constant 3 : i32
      %add3A_162 = arith.addi %add3A_123, %add3A_161 : i32
      %mul3A_163 = arith.constant 80 : i32
      %mul3A_164 = arith.muli %add3A_162, %mul3A_163 : i32
      %dma_start3A_165 = arith.constant 1 : i32
      %dma_start3A_166 = arith.constant 0 : i32
      %dma_start3A_167 = arith.constant 0 : i32
      %dma_start3A_168 = tpu.memref_slice %arg9[%dma_start3A_165, %dma_start3A_166, %dma_start3A_167] : memref<2x80x128xf32, #tpu.memory_space<vmem>> -> memref<1x80x128xf32, #tpu.memory_space<vmem>>
      %dma_start3A_169 = tpu.memref_squeeze %dma_start3A_168 : memref<1x80x128xf32, #tpu.memory_space<vmem>> -> memref<80x128xf32, #tpu.memory_space<vmem>>
      %dma_start3A_170 = tpu.memref_slice %arg7[%mul3A_164] : memref<10000xi32, #tpu.memory_space<vmem>> -> memref<80xi32, #tpu.memory_space<vmem>>
      %dma_start3A_171 = arith.constant 0 : i32
      %dma_start3A_172 = arith.constant 0 : i32
      %dma_start3A_173 = tpu.memref_slice %arg2[%dma_start3A_171, %dma_start3A_172] : memref<10000x128xf32, #tpu.memory_space<hbm>> -> memref<10000x128xf32, #tpu.memory_space<hbm>>
      tpu.enqueue_indirect_dma source(%dma_start3A_173 : memref<10000x128xf32, #tpu.memory_space<hbm>>) target(%dma_start3A_169 : memref<80x128xf32, #tpu.memory_space<vmem>>) offsets(%dma_start3A_170 : memref<80xi32, #tpu.memory_space<vmem>>) semaphore(%arg12 : memref<!tpu.dma_semaphore, #tpu.memory_space<semaphore_mem>>)
      %dma_wait3A_174 = arith.constant 0 : i32
      %dma_wait3A_175 = arith.constant 0 : i32
      %dma_wait3A_176 = arith.constant 0 : i32
      %dma_wait3A_177 = tpu.memref_slice %arg9[%dma_wait3A_174, %dma_wait3A_175, %dma_wait3A_176] : memref<2x80x128xf32, #tpu.memory_space<vmem>> -> memref<1x80x128xf32, #tpu.memory_space<vmem>>
      %dma_wait3A_178 = tpu.memref_squeeze %dma_wait3A_177 : memref<1x80x128xf32, #tpu.memory_space<vmem>> -> memref<80x128xf32, #tpu.memory_space<vmem>>
      %dma_wait3A_179 = tpu.memref_slice %arg7[%mul3A_138] : memref<10000xi32, #tpu.memory_space<vmem>> -> memref<80xi32, #tpu.memory_space<vmem>>
      %dma_wait3A_180 = arith.constant 0 : i32
      %dma_wait3A_181 = arith.constant 0 : i32
      %dma_wait3A_182 = tpu.memref_slice %arg2[%dma_wait3A_180, %dma_wait3A_181] : memref<10000x128xf32, #tpu.memory_space<hbm>> -> memref<10000x128xf32, #tpu.memory_space<hbm>>
      tpu.wait_indirect_dma semaphore(%arg11 : memref<!tpu.dma_semaphore, #tpu.memory_space<semaphore_mem>>) src(%dma_wait3A_182 : memref<10000x128xf32, #tpu.memory_space<hbm>>) dst(%dma_wait3A_178 : memref<80x128xf32, #tpu.memory_space<vmem>>)
      %add3A_183 = arith.constant 2 : i32
      %add3A_184 = arith.addi %add3A_123, %add3A_183 : i32
      %run_scoped3A_185 = arith.constant 0 : i32
      "tpu.region"() ({
        %run_scoped3A_224 = tpu.sem_alloc : memref<!tpu.dma_semaphore, #tpu.memory_space<semaphore_mem>>
        %dma_start3A_225 = arith.constant 0 : i32
        %dma_start3A_226 = arith.constant 0 : i32
        %dma_start3A_227 = tpu.memref_slice %arg9[%run_scoped3A_185, %dma_start3A_225, %dma_start3A_226] : memref<2x80x128xf32, #tpu.memory_space<vmem>> -> memref<1x80x128xf32, #tpu.memory_space<vmem>>
        %dma_start3A_228 = tpu.memref_squeeze %dma_start3A_227 : memref<1x80x128xf32, #tpu.memory_space<vmem>> -> memref<80x128xf32, #tpu.memory_space<vmem>>
        %dma_start3A_229 = arith.constant 0 : i32
        %dma_start3A_230 = tpu.memref_slice %arg8[%add3A_184, %dma_start3A_229] : memref<125x80xi32, #tpu.memory_space<vmem>> -> memref<1x80xi32, #tpu.memory_space<vmem>>
        %dma_start3A_231 = tpu.memref_squeeze %dma_start3A_230 : memref<1x80xi32, #tpu.memory_space<vmem>> -> memref<80xi32, #tpu.memory_space<vmem>>
        %dma_start3A_232 = arith.constant 0 : i32
        %dma_start3A_233 = arith.constant 0 : i32
        %dma_start3A_234 = tpu.memref_slice %arg10[%dma_start3A_232, %dma_start3A_233] : memref<10240x128xf32, #tpu.memory_space<vmem_shared>> -> memref<10240x128xf32, #tpu.memory_space<vmem_shared>>
        tpu.enqueue_indirect_dma source(%dma_start3A_228 : memref<80x128xf32, #tpu.memory_space<vmem>>) target(%dma_start3A_234 : memref<10240x128xf32, #tpu.memory_space<vmem_shared>>) offsets(%dma_start3A_231 : memref<80xi32, #tpu.memory_space<vmem>>) semaphore(%run_scoped3A_224 : memref<!tpu.dma_semaphore, #tpu.memory_space<semaphore_mem>>) {add = true}
        %dma_wait3A_235 = arith.constant 0 : i32
        %dma_wait3A_236 = arith.constant 0 : i32
        %dma_wait3A_237 = tpu.memref_slice %arg9[%run_scoped3A_185, %dma_wait3A_235, %dma_wait3A_236] : memref<2x80x128xf32, #tpu.memory_space<vmem>> -> memref<1x80x128xf32, #tpu.memory_space<vmem>>
        %dma_wait3A_238 = tpu.memref_squeeze %dma_wait3A_237 : memref<1x80x128xf32, #tpu.memory_space<vmem>> -> memref<80x128xf32, #tpu.memory_space<vmem>>
        %dma_wait3A_239 = arith.constant 0 : i32
        %dma_wait3A_240 = tpu.memref_slice %arg8[%add3A_184, %dma_wait3A_239] : memref<125x80xi32, #tpu.memory_space<vmem>> -> memref<1x80xi32, #tpu.memory_space<vmem>>
        %dma_wait3A_241 = tpu.memref_squeeze %dma_wait3A_240 : memref<1x80xi32, #tpu.memory_space<vmem>> -> memref<80xi32, #tpu.memory_space<vmem>>
        %dma_wait3A_242 = arith.constant 0 : i32
        %dma_wait3A_243 = arith.constant 0 : i32
        %dma_wait3A_244 = tpu.memref_slice %arg10[%dma_wait3A_242, %dma_wait3A_243] : memref<10240x128xf32, #tpu.memory_space<vmem_shared>> -> memref<10240x128xf32, #tpu.memory_space<vmem_shared>>
        tpu.wait_indirect_dma semaphore(%run_scoped3A_224 : memref<!tpu.dma_semaphore, #tpu.memory_space<semaphore_mem>>) src(%dma_wait3A_238 : memref<80x128xf32, #tpu.memory_space<vmem>>) dst(%dma_wait3A_244 : memref<10240x128xf32, #tpu.memory_space<vmem_shared>>)
        tpu.yield
      }) : () -> ()
      %add3A_186 = arith.constant 4 : i32
      %add3A_187 = arith.addi %add3A_123, %add3A_186 : i32
      %mul3A_188 = arith.constant 80 : i32
      %mul3A_189 = arith.muli %add3A_187, %mul3A_188 : i32
      %dma_start3A_190 = arith.constant 0 : i32
      %dma_start3A_191 = arith.constant 0 : i32
      %dma_start3A_192 = arith.constant 0 : i32
      %dma_start3A_193 = tpu.memref_slice %arg9[%dma_start3A_190, %dma_start3A_191, %dma_start3A_192] : memref<2x80x128xf32, #tpu.memory_space<vmem>> -> memref<1x80x128xf32, #tpu.memory_space<vmem>>
      %dma_start3A_194 = tpu.memref_squeeze %dma_start3A_193 : memref<1x80x128xf32, #tpu.memory_space<vmem>> -> memref<80x128xf32, #tpu.memory_space<vmem>>
      %dma_start3A_195 = tpu.memref_slice %arg7[%mul3A_189] : memref<10000xi32, #tpu.memory_space<vmem>> -> memref<80xi32, #tpu.memory_space<vmem>>
      %dma_start3A_196 = arith.constant 0 : i32
      %dma_start3A_197 = arith.constant 0 : i32
      %dma_start3A_198 = tpu.memref_slice %arg2[%dma_start3A_196, %dma_start3A_197] : memref<10000x128xf32, #tpu.memory_space<hbm>> -> memref<10000x128xf32, #tpu.memory_space<hbm>>
      tpu.enqueue_indirect_dma source(%dma_start3A_198 : memref<10000x128xf32, #tpu.memory_space<hbm>>) target(%dma_start3A_194 : memref<80x128xf32, #tpu.memory_space<vmem>>) offsets(%dma_start3A_195 : memref<80xi32, #tpu.memory_space<vmem>>) semaphore(%arg11 : memref<!tpu.dma_semaphore, #tpu.memory_space<semaphore_mem>>)
      %dma_wait3A_199 = arith.constant 1 : i32
      %dma_wait3A_200 = arith.constant 0 : i32
      %dma_wait3A_201 = arith.constant 0 : i32
      %dma_wait3A_202 = tpu.memref_slice %arg9[%dma_wait3A_199, %dma_wait3A_200, %dma_wait3A_201] : memref<2x80x128xf32, #tpu.memory_space<vmem>> -> memref<1x80x128xf32, #tpu.memory_space<vmem>>
      %dma_wait3A_203 = tpu.memref_squeeze %dma_wait3A_202 : memref<1x80x128xf32, #tpu.memory_space<vmem>> -> memref<80x128xf32, #tpu.memory_space<vmem>>
      %dma_wait3A_204 = tpu.memref_slice %arg7[%mul3A_164] : memref<10000xi32, #tpu.memory_space<vmem>> -> memref<80xi32, #tpu.memory_space<vmem>>
      %dma_wait3A_205 = arith.constant 0 : i32
      %dma_wait3A_206 = arith.constant 0 : i32
      %dma_wait3A_207 = tpu.memref_slice %arg2[%dma_wait3A_205, %dma_wait3A_206] : memref<10000x128xf32, #tpu.memory_space<hbm>> -> memref<10000x128xf32, #tpu.memory_space<hbm>>
      tpu.wait_indirect_dma semaphore(%arg12 : memref<!tpu.dma_semaphore, #tpu.memory_space<semaphore_mem>>) src(%dma_wait3A_207 : memref<10000x128xf32, #tpu.memory_space<hbm>>) dst(%dma_wait3A_203 : memref<80x128xf32, #tpu.memory_space<vmem>>)
      %add3A_208 = arith.constant 3 : i32
      %add3A_209 = arith.addi %add3A_123, %add3A_208 : i32
      %run_scoped3A_210 = arith.constant 1 : i32
      "tpu.region"() ({
        %run_scoped3A_224 = tpu.sem_alloc : memref<!tpu.dma_semaphore, #tpu.memory_space<semaphore_mem>>
        %dma_start3A_225 = arith.constant 0 : i32
        %dma_start3A_226 = arith.constant 0 : i32
        %dma_start3A_227 = tpu.memref_slice %arg9[%run_scoped3A_210, %dma_start3A_225, %dma_start3A_226] : memref<2x80x128xf32, #tpu.memory_space<vmem>> -> memref<1x80x128xf32, #tpu.memory_space<vmem>>
        %dma_start3A_228 = tpu.memref_squeeze %dma_start3A_227 : memref<1x80x128xf32, #tpu.memory_space<vmem>> -> memref<80x128xf32, #tpu.memory_space<vmem>>
        %dma_start3A_229 = arith.constant 0 : i32
        %dma_start3A_230 = tpu.memref_slice %arg8[%add3A_209, %dma_start3A_229] : memref<125x80xi32, #tpu.memory_space<vmem>> -> memref<1x80xi32, #tpu.memory_space<vmem>>
        %dma_start3A_231 = tpu.memref_squeeze %dma_start3A_230 : memref<1x80xi32, #tpu.memory_space<vmem>> -> memref<80xi32, #tpu.memory_space<vmem>>
        %dma_start3A_232 = arith.constant 0 : i32
        %dma_start3A_233 = arith.constant 0 : i32
        %dma_start3A_234 = tpu.memref_slice %arg10[%dma_start3A_232, %dma_start3A_233] : memref<10240x128xf32, #tpu.memory_space<vmem_shared>> -> memref<10240x128xf32, #tpu.memory_space<vmem_shared>>
        tpu.enqueue_indirect_dma source(%dma_start3A_228 : memref<80x128xf32, #tpu.memory_space<vmem>>) target(%dma_start3A_234 : memref<10240x128xf32, #tpu.memory_space<vmem_shared>>) offsets(%dma_start3A_231 : memref<80xi32, #tpu.memory_space<vmem>>) semaphore(%run_scoped3A_224 : memref<!tpu.dma_semaphore, #tpu.memory_space<semaphore_mem>>) {add = true}
        %dma_wait3A_235 = arith.constant 0 : i32
        %dma_wait3A_236 = arith.constant 0 : i32
        %dma_wait3A_237 = tpu.memref_slice %arg9[%run_scoped3A_210, %dma_wait3A_235, %dma_wait3A_236] : memref<2x80x128xf32, #tpu.memory_space<vmem>> -> memref<1x80x128xf32, #tpu.memory_space<vmem>>
        %dma_wait3A_238 = tpu.memref_squeeze %dma_wait3A_237 : memref<1x80x128xf32, #tpu.memory_space<vmem>> -> memref<80x128xf32, #tpu.memory_space<vmem>>
        %dma_wait3A_239 = arith.constant 0 : i32
        %dma_wait3A_240 = tpu.memref_slice %arg8[%add3A_209, %dma_wait3A_239] : memref<125x80xi32, #tpu.memory_space<vmem>> -> memref<1x80xi32, #tpu.memory_space<vmem>>
        %dma_wait3A_241 = tpu.memref_squeeze %dma_wait3A_240 : memref<1x80xi32, #tpu.memory_space<vmem>> -> memref<80xi32, #tpu.memory_space<vmem>>
        %dma_wait3A_242 = arith.constant 0 : i32
        %dma_wait3A_243 = arith.constant 0 : i32
        %dma_wait3A_244 = tpu.memref_slice %arg10[%dma_wait3A_242, %dma_wait3A_243] : memref<10240x128xf32, #tpu.memory_space<vmem_shared>> -> memref<10240x128xf32, #tpu.memory_space<vmem_shared>>
        tpu.wait_indirect_dma semaphore(%run_scoped3A_224 : memref<!tpu.dma_semaphore, #tpu.memory_space<semaphore_mem>>) src(%dma_wait3A_238 : memref<80x128xf32, #tpu.memory_space<vmem>>) dst(%dma_wait3A_244 : memref<10240x128xf32, #tpu.memory_space<vmem_shared>>)
        tpu.yield
      }) : () -> ()
      %add3A_211 = arith.constant 5 : i32
      %add3A_212 = arith.addi %add3A_123, %add3A_211 : i32
      %mul3A_213 = arith.constant 80 : i32
      %mul3A_214 = arith.muli %add3A_212, %mul3A_213 : i32
      %dma_start3A_215 = arith.constant 1 : i32
      %dma_start3A_216 = arith.constant 0 : i32
      %dma_start3A_217 = arith.constant 0 : i32
      %dma_start3A_218 = tpu.memref_slice %arg9[%dma_start3A_215, %dma_start3A_216, %dma_start3A_217] : memref<2x80x128xf32, #tpu.memory_space<vmem>> -> memref<1x80x128xf32, #tpu.memory_space<vmem>>
      %dma_start3A_219 = tpu.memref_squeeze %dma_start3A_218 : memref<1x80x128xf32, #tpu.memory_space<vmem>> -> memref<80x128xf32, #tpu.memory_space<vmem>>
      %dma_start3A_220 = tpu.memref_slice %arg7[%mul3A_214] : memref<10000xi32, #tpu.memory_space<vmem>> -> memref<80xi32, #tpu.memory_space<vmem>>
      %dma_start3A_221 = arith.constant 0 : i32
      %dma_start3A_222 = arith.constant 0 : i32
      %dma_start3A_223 = tpu.memref_slice %arg2[%dma_start3A_221, %dma_start3A_222] : memref<10000x128xf32, #tpu.memory_space<hbm>> -> memref<10000x128xf32, #tpu.memory_space<hbm>>
      tpu.enqueue_indirect_dma source(%dma_start3A_223 : memref<10000x128xf32, #tpu.memory_space<hbm>>) target(%dma_start3A_219 : memref<80x128xf32, #tpu.memory_space<vmem>>) offsets(%dma_start3A_220 : memref<80xi32, #tpu.memory_space<vmem>>) semaphore(%arg12 : memref<!tpu.dma_semaphore, #tpu.memory_space<semaphore_mem>>)
    }
    %scan3A_25 = arith.constant 30 : i32
    %dma_wait3A = arith.constant 0 : i32
    %dma_wait3A_26 = arith.constant 0 : i32
    %dma_wait3A_27 = arith.constant 0 : i32
    %dma_wait3A_28 = tpu.memref_slice %arg9[%dma_wait3A, %dma_wait3A_26, %dma_wait3A_27] : memref<2x80x128xf32, #tpu.memory_space<vmem>> -> memref<1x80x128xf32, #tpu.memory_space<vmem>>
    %dma_wait3A_29 = tpu.memref_squeeze %dma_wait3A_28 : memref<1x80x128xf32, #tpu.memory_space<vmem>> -> memref<80x128xf32, #tpu.memory_space<vmem>>
    %dma_wait3A_30 = arith.constant 0 : i32
    %dma_wait3A_31 = tpu.memref_slice %arg7[%dma_wait3A_30] : memref<10000xi32, #tpu.memory_space<vmem>> -> memref<80xi32, #tpu.memory_space<vmem>>
    %dma_wait3A_32 = arith.constant 0 : i32
    %dma_wait3A_33 = arith.constant 0 : i32
    %dma_wait3A_34 = tpu.memref_slice %arg2[%dma_wait3A_32, %dma_wait3A_33] : memref<10000x128xf32, #tpu.memory_space<hbm>> -> memref<10000x128xf32, #tpu.memory_space<hbm>>
    tpu.wait_indirect_dma semaphore(%arg11 : memref<!tpu.dma_semaphore, #tpu.memory_space<semaphore_mem>>) src(%dma_wait3A_34 : memref<10000x128xf32, #tpu.memory_space<hbm>>) dst(%dma_wait3A_29 : memref<80x128xf32, #tpu.memory_space<vmem>>)
    %run_scoped3A = arith.constant 0 : i32
    %run_scoped3A_35 = arith.constant 120 : i32
    "tpu.region"() ({
      %run_scoped3A_119 = tpu.sem_alloc : memref<!tpu.dma_semaphore, #tpu.memory_space<semaphore_mem>>
      %dma_start3A_120 = arith.constant 0 : i32
      %dma_start3A_121 = arith.constant 0 : i32
      %dma_start3A_122 = tpu.memref_slice %arg9[%run_scoped3A, %dma_start3A_120, %dma_start3A_121] : memref<2x80x128xf32, #tpu.memory_space<vmem>> -> memref<1x80x128xf32, #tpu.memory_space<vmem>>
      %dma_start3A_123 = tpu.memref_squeeze %dma_start3A_122 : memref<1x80x128xf32, #tpu.memory_space<vmem>> -> memref<80x128xf32, #tpu.memory_space<vmem>>
      %dma_start3A_124 = arith.constant 0 : i32
      %dma_start3A_125 = tpu.memref_slice %arg8[%run_scoped3A_35, %dma_start3A_124] : memref<125x80xi32, #tpu.memory_space<vmem>> -> memref<1x80xi32, #tpu.memory_space<vmem>>
      %dma_start3A_126 = tpu.memref_squeeze %dma_start3A_125 : memref<1x80xi32, #tpu.memory_space<vmem>> -> memref<80xi32, #tpu.memory_space<vmem>>
      %dma_start3A_127 = arith.constant 0 : i32
      %dma_start3A_128 = arith.constant 0 : i32
      %dma_start3A_129 = tpu.memref_slice %arg10[%dma_start3A_127, %dma_start3A_128] : memref<10240x128xf32, #tpu.memory_space<vmem_shared>> -> memref<10240x128xf32, #tpu.memory_space<vmem_shared>>
      tpu.enqueue_indirect_dma source(%dma_start3A_123 : memref<80x128xf32, #tpu.memory_space<vmem>>) target(%dma_start3A_129 : memref<10240x128xf32, #tpu.memory_space<vmem_shared>>) offsets(%dma_start3A_126 : memref<80xi32, #tpu.memory_space<vmem>>) semaphore(%run_scoped3A_119 : memref<!tpu.dma_semaphore, #tpu.memory_space<semaphore_mem>>) {add = true}
      %dma_wait3A_130 = arith.constant 0 : i32
      %dma_wait3A_131 = arith.constant 0 : i32
      %dma_wait3A_132 = tpu.memref_slice %arg9[%run_scoped3A, %dma_wait3A_130, %dma_wait3A_131] : memref<2x80x128xf32, #tpu.memory_space<vmem>> -> memref<1x80x128xf32, #tpu.memory_space<vmem>>
      %dma_wait3A_133 = tpu.memref_squeeze %dma_wait3A_132 : memref<1x80x128xf32, #tpu.memory_space<vmem>> -> memref<80x128xf32, #tpu.memory_space<vmem>>
      %dma_wait3A_134 = arith.constant 0 : i32
      %dma_wait3A_135 = tpu.memref_slice %arg8[%run_scoped3A_35, %dma_wait3A_134] : memref<125x80xi32, #tpu.memory_space<vmem>> -> memref<1x80xi32, #tpu.memory_space<vmem>>
      %dma_wait3A_136 = tpu.memref_squeeze %dma_wait3A_135 : memref<1x80xi32, #tpu.memory_space<vmem>> -> memref<80xi32, #tpu.memory_space<vmem>>
      %dma_wait3A_137 = arith.constant 0 : i32
      %dma_wait3A_138 = arith.constant 0 : i32
      %dma_wait3A_139 = tpu.memref_slice %arg10[%dma_wait3A_137, %dma_wait3A_138] : memref<10240x128xf32, #tpu.memory_space<vmem_shared>> -> memref<10240x128xf32, #tpu.memory_space<vmem_shared>>
      tpu.wait_indirect_dma semaphore(%run_scoped3A_119 : memref<!tpu.dma_semaphore, #tpu.memory_space<semaphore_mem>>) src(%dma_wait3A_133 : memref<80x128xf32, #tpu.memory_space<vmem>>) dst(%dma_wait3A_139 : memref<10240x128xf32, #tpu.memory_space<vmem_shared>>)
      tpu.yield
    }) : () -> ()
    %dma_start3A_36 = arith.constant 0 : i32
    %dma_start3A_37 = arith.constant 0 : i32
    %dma_start3A_38 = arith.constant 0 : i32
    %dma_start3A_39 = tpu.memref_slice %arg9[%dma_start3A_36, %dma_start3A_37, %dma_start3A_38] : memref<2x80x128xf32, #tpu.memory_space<vmem>> -> memref<1x80x128xf32, #tpu.memory_space<vmem>>
    %dma_start3A_40 = tpu.memref_squeeze %dma_start3A_39 : memref<1x80x128xf32, #tpu.memory_space<vmem>> -> memref<80x128xf32, #tpu.memory_space<vmem>>
    %dma_start3A_41 = arith.constant 9760 : i32
    %dma_start3A_42 = tpu.memref_slice %arg7[%dma_start3A_41] : memref<10000xi32, #tpu.memory_space<vmem>> -> memref<80xi32, #tpu.memory_space<vmem>>
    %dma_start3A_43 = arith.constant 0 : i32
    %dma_start3A_44 = arith.constant 0 : i32
    %dma_start3A_45 = tpu.memref_slice %arg2[%dma_start3A_43, %dma_start3A_44] : memref<10000x128xf32, #tpu.memory_space<hbm>> -> memref<10000x128xf32, #tpu.memory_space<hbm>>
    tpu.enqueue_indirect_dma source(%dma_start3A_45 : memref<10000x128xf32, #tpu.memory_space<hbm>>) target(%dma_start3A_40 : memref<80x128xf32, #tpu.memory_space<vmem>>) offsets(%dma_start3A_42 : memref<80xi32, #tpu.memory_space<vmem>>) semaphore(%arg11 : memref<!tpu.dma_semaphore, #tpu.memory_space<semaphore_mem>>)
    %dma_wait3A_46 = arith.constant 1 : i32
    %dma_wait3A_47 = arith.constant 0 : i32
    %dma_wait3A_48 = arith.constant 0 : i32
    %dma_wait3A_49 = tpu.memref_slice %arg9[%dma_wait3A_46, %dma_wait3A_47, %dma_wait3A_48] : memref<2x80x128xf32, #tpu.memory_space<vmem>> -> memref<1x80x128xf32, #tpu.memory_space<vmem>>
    %dma_wait3A_50 = tpu.memref_squeeze %dma_wait3A_49 : memref<1x80x128xf32, #tpu.memory_space<vmem>> -> memref<80x128xf32, #tpu.memory_space<vmem>>
    %dma_wait3A_51 = arith.constant 0 : i32
    %dma_wait3A_52 = tpu.memref_slice %arg7[%dma_wait3A_51] : memref<10000xi32, #tpu.memory_space<vmem>> -> memref<80xi32, #tpu.memory_space<vmem>>
    %dma_wait3A_53 = arith.constant 0 : i32
    %dma_wait3A_54 = arith.constant 0 : i32
    %dma_wait3A_55 = tpu.memref_slice %arg2[%dma_wait3A_53, %dma_wait3A_54] : memref<10000x128xf32, #tpu.memory_space<hbm>> -> memref<10000x128xf32, #tpu.memory_space<hbm>>
    tpu.wait_indirect_dma semaphore(%arg12 : memref<!tpu.dma_semaphore, #tpu.memory_space<semaphore_mem>>) src(%dma_wait3A_55 : memref<10000x128xf32, #tpu.memory_space<hbm>>) dst(%dma_wait3A_50 : memref<80x128xf32, #tpu.memory_space<vmem>>)
    %run_scoped3A_56 = arith.constant 1 : i32
    %run_scoped3A_57 = arith.constant 121 : i32
    "tpu.region"() ({
      %run_scoped3A_119 = tpu.sem_alloc : memref<!tpu.dma_semaphore, #tpu.memory_space<semaphore_mem>>
      %dma_start3A_120 = arith.constant 0 : i32
      %dma_start3A_121 = arith.constant 0 : i32
      %dma_start3A_122 = tpu.memref_slice %arg9[%run_scoped3A_56, %dma_start3A_120, %dma_start3A_121] : memref<2x80x128xf32, #tpu.memory_space<vmem>> -> memref<1x80x128xf32, #tpu.memory_space<vmem>>
      %dma_start3A_123 = tpu.memref_squeeze %dma_start3A_122 : memref<1x80x128xf32, #tpu.memory_space<vmem>> -> memref<80x128xf32, #tpu.memory_space<vmem>>
      %dma_start3A_124 = arith.constant 0 : i32
      %dma_start3A_125 = tpu.memref_slice %arg8[%run_scoped3A_57, %dma_start3A_124] : memref<125x80xi32, #tpu.memory_space<vmem>> -> memref<1x80xi32, #tpu.memory_space<vmem>>
      %dma_start3A_126 = tpu.memref_squeeze %dma_start3A_125 : memref<1x80xi32, #tpu.memory_space<vmem>> -> memref<80xi32, #tpu.memory_space<vmem>>
      %dma_start3A_127 = arith.constant 0 : i32
      %dma_start3A_128 = arith.constant 0 : i32
      %dma_start3A_129 = tpu.memref_slice %arg10[%dma_start3A_127, %dma_start3A_128] : memref<10240x128xf32, #tpu.memory_space<vmem_shared>> -> memref<10240x128xf32, #tpu.memory_space<vmem_shared>>
      tpu.enqueue_indirect_dma source(%dma_start3A_123 : memref<80x128xf32, #tpu.memory_space<vmem>>) target(%dma_start3A_129 : memref<10240x128xf32, #tpu.memory_space<vmem_shared>>) offsets(%dma_start3A_126 : memref<80xi32, #tpu.memory_space<vmem>>) semaphore(%run_scoped3A_119 : memref<!tpu.dma_semaphore, #tpu.memory_space<semaphore_mem>>) {add = true}
      %dma_wait3A_130 = arith.constant 0 : i32
      %dma_wait3A_131 = arith.constant 0 : i32
      %dma_wait3A_132 = tpu.memref_slice %arg9[%run_scoped3A_56, %dma_wait3A_130, %dma_wait3A_131] : memref<2x80x128xf32, #tpu.memory_space<vmem>> -> memref<1x80x128xf32, #tpu.memory_space<vmem>>
      %dma_wait3A_133 = tpu.memref_squeeze %dma_wait3A_132 : memref<1x80x128xf32, #tpu.memory_space<vmem>> -> memref<80x128xf32, #tpu.memory_space<vmem>>
      %dma_wait3A_134 = arith.constant 0 : i32
      %dma_wait3A_135 = tpu.memref_slice %arg8[%run_scoped3A_57, %dma_wait3A_134] : memref<125x80xi32, #tpu.memory_space<vmem>> -> memref<1x80xi32, #tpu.memory_space<vmem>>
      %dma_wait3A_136 = tpu.memref_squeeze %dma_wait3A_135 : memref<1x80xi32, #tpu.memory_space<vmem>> -> memref<80xi32, #tpu.memory_space<vmem>>
      %dma_wait3A_137 = arith.constant 0 : i32
      %dma_wait3A_138 = arith.constant 0 : i32
      %dma_wait3A_139 = tpu.memref_slice %arg10[%dma_wait3A_137, %dma_wait3A_138] : memref<10240x128xf32, #tpu.memory_space<vmem_shared>> -> memref<10240x128xf32, #tpu.memory_space<vmem_shared>>
      tpu.wait_indirect_dma semaphore(%run_scoped3A_119 : memref<!tpu.dma_semaphore, #tpu.memory_space<semaphore_mem>>) src(%dma_wait3A_133 : memref<80x128xf32, #tpu.memory_space<vmem>>) dst(%dma_wait3A_139 : memref<10240x128xf32, #tpu.memory_space<vmem_shared>>)
      tpu.yield
    }) : () -> ()
    %dma_start3A_58 = arith.constant 1 : i32
    %dma_start3A_59 = arith.constant 0 : i32
    %dma_start3A_60 = arith.constant 0 : i32
    %dma_start3A_61 = tpu.memref_slice %arg9[%dma_start3A_58, %dma_start3A_59, %dma_start3A_60] : memref<2x80x128xf32, #tpu.memory_space<vmem>> -> memref<1x80x128xf32, #tpu.memory_space<vmem>>
    %dma_start3A_62 = tpu.memref_squeeze %dma_start3A_61 : memref<1x80x128xf32, #tpu.memory_space<vmem>> -> memref<80x128xf32, #tpu.memory_space<vmem>>
    %dma_start3A_63 = arith.constant 9840 : i32
    %dma_start3A_64 = tpu.memref_slice %arg7[%dma_start3A_63] : memref<10000xi32, #tpu.memory_space<vmem>> -> memref<80xi32, #tpu.memory_space<vmem>>
    %dma_start3A_65 = arith.constant 0 : i32
    %dma_start3A_66 = arith.constant 0 : i32
    %dma_start3A_67 = tpu.memref_slice %arg2[%dma_start3A_65, %dma_start3A_66] : memref<10000x128xf32, #tpu.memory_space<hbm>> -> memref<10000x128xf32, #tpu.memory_space<hbm>>
    tpu.enqueue_indirect_dma source(%dma_start3A_67 : memref<10000x128xf32, #tpu.memory_space<hbm>>) target(%dma_start3A_62 : memref<80x128xf32, #tpu.memory_space<vmem>>) offsets(%dma_start3A_64 : memref<80xi32, #tpu.memory_space<vmem>>) semaphore(%arg12 : memref<!tpu.dma_semaphore, #tpu.memory_space<semaphore_mem>>)
    %dma_wait3A_68 = arith.constant 0 : i32
    %dma_wait3A_69 = arith.constant 0 : i32
    %dma_wait3A_70 = arith.constant 0 : i32
    %dma_wait3A_71 = tpu.memref_slice %arg9[%dma_wait3A_68, %dma_wait3A_69, %dma_wait3A_70] : memref<2x80x128xf32, #tpu.memory_space<vmem>> -> memref<1x80x128xf32, #tpu.memory_space<vmem>>
    %dma_wait3A_72 = tpu.memref_squeeze %dma_wait3A_71 : memref<1x80x128xf32, #tpu.memory_space<vmem>> -> memref<80x128xf32, #tpu.memory_space<vmem>>
    %dma_wait3A_73 = arith.constant 0 : i32
    %dma_wait3A_74 = tpu.memref_slice %arg7[%dma_wait3A_73] : memref<10000xi32, #tpu.memory_space<vmem>> -> memref<80xi32, #tpu.memory_space<vmem>>
    %dma_wait3A_75 = arith.constant 0 : i32
    %dma_wait3A_76 = arith.constant 0 : i32
    %dma_wait3A_77 = tpu.memref_slice %arg2[%dma_wait3A_75, %dma_wait3A_76] : memref<10000x128xf32, #tpu.memory_space<hbm>> -> memref<10000x128xf32, #tpu.memory_space<hbm>>
    tpu.wait_indirect_dma semaphore(%arg11 : memref<!tpu.dma_semaphore, #tpu.memory_space<semaphore_mem>>) src(%dma_wait3A_77 : memref<10000x128xf32, #tpu.memory_space<hbm>>) dst(%dma_wait3A_72 : memref<80x128xf32, #tpu.memory_space<vmem>>)
    %run_scoped3A_78 = arith.constant 0 : i32
    %run_scoped3A_79 = arith.constant 122 : i32
    "tpu.region"() ({
      %run_scoped3A_119 = tpu.sem_alloc : memref<!tpu.dma_semaphore, #tpu.memory_space<semaphore_mem>>
      %dma_start3A_120 = arith.constant 0 : i32
      %dma_start3A_121 = arith.constant 0 : i32
      %dma_start3A_122 = tpu.memref_slice %arg9[%run_scoped3A_78, %dma_start3A_120, %dma_start3A_121] : memref<2x80x128xf32, #tpu.memory_space<vmem>> -> memref<1x80x128xf32, #tpu.memory_space<vmem>>
      %dma_start3A_123 = tpu.memref_squeeze %dma_start3A_122 : memref<1x80x128xf32, #tpu.memory_space<vmem>> -> memref<80x128xf32, #tpu.memory_space<vmem>>
      %dma_start3A_124 = arith.constant 0 : i32
      %dma_start3A_125 = tpu.memref_slice %arg8[%run_scoped3A_79, %dma_start3A_124] : memref<125x80xi32, #tpu.memory_space<vmem>> -> memref<1x80xi32, #tpu.memory_space<vmem>>
      %dma_start3A_126 = tpu.memref_squeeze %dma_start3A_125 : memref<1x80xi32, #tpu.memory_space<vmem>> -> memref<80xi32, #tpu.memory_space<vmem>>
      %dma_start3A_127 = arith.constant 0 : i32
      %dma_start3A_128 = arith.constant 0 : i32
      %dma_start3A_129 = tpu.memref_slice %arg10[%dma_start3A_127, %dma_start3A_128] : memref<10240x128xf32, #tpu.memory_space<vmem_shared>> -> memref<10240x128xf32, #tpu.memory_space<vmem_shared>>
      tpu.enqueue_indirect_dma source(%dma_start3A_123 : memref<80x128xf32, #tpu.memory_space<vmem>>) target(%dma_start3A_129 : memref<10240x128xf32, #tpu.memory_space<vmem_shared>>) offsets(%dma_start3A_126 : memref<80xi32, #tpu.memory_space<vmem>>) semaphore(%run_scoped3A_119 : memref<!tpu.dma_semaphore, #tpu.memory_space<semaphore_mem>>) {add = true}
      %dma_wait3A_130 = arith.constant 0 : i32
      %dma_wait3A_131 = arith.constant 0 : i32
      %dma_wait3A_132 = tpu.memref_slice %arg9[%run_scoped3A_78, %dma_wait3A_130, %dma_wait3A_131] : memref<2x80x128xf32, #tpu.memory_space<vmem>> -> memref<1x80x128xf32, #tpu.memory_space<vmem>>
      %dma_wait3A_133 = tpu.memref_squeeze %dma_wait3A_132 : memref<1x80x128xf32, #tpu.memory_space<vmem>> -> memref<80x128xf32, #tpu.memory_space<vmem>>
      %dma_wait3A_134 = arith.constant 0 : i32
      %dma_wait3A_135 = tpu.memref_slice %arg8[%run_scoped3A_79, %dma_wait3A_134] : memref<125x80xi32, #tpu.memory_space<vmem>> -> memref<1x80xi32, #tpu.memory_space<vmem>>
      %dma_wait3A_136 = tpu.memref_squeeze %dma_wait3A_135 : memref<1x80xi32, #tpu.memory_space<vmem>> -> memref<80xi32, #tpu.memory_space<vmem>>
      %dma_wait3A_137 = arith.constant 0 : i32
      %dma_wait3A_138 = arith.constant 0 : i32
      %dma_wait3A_139 = tpu.memref_slice %arg10[%dma_wait3A_137, %dma_wait3A_138] : memref<10240x128xf32, #tpu.memory_space<vmem_shared>> -> memref<10240x128xf32, #tpu.memory_space<vmem_shared>>
      tpu.wait_indirect_dma semaphore(%run_scoped3A_119 : memref<!tpu.dma_semaphore, #tpu.memory_space<semaphore_mem>>) src(%dma_wait3A_133 : memref<80x128xf32, #tpu.memory_space<vmem>>) dst(%dma_wait3A_139 : memref<10240x128xf32, #tpu.memory_space<vmem_shared>>)
      tpu.yield
    }) : () -> ()
    %dma_start3A_80 = arith.constant 0 : i32
    %dma_start3A_81 = arith.constant 0 : i32
    %dma_start3A_82 = arith.constant 0 : i32
    %dma_start3A_83 = tpu.memref_slice %arg9[%dma_start3A_80, %dma_start3A_81, %dma_start3A_82] : memref<2x80x128xf32, #tpu.memory_space<vmem>> -> memref<1x80x128xf32, #tpu.memory_space<vmem>>
    %dma_start3A_84 = tpu.memref_squeeze %dma_start3A_83 : memref<1x80x128xf32, #tpu.memory_space<vmem>> -> memref<80x128xf32, #tpu.memory_space<vmem>>
    %dma_start3A_85 = arith.constant 9920 : i32
    %dma_start3A_86 = tpu.memref_slice %arg7[%dma_start3A_85] : memref<10000xi32, #tpu.memory_space<vmem>> -> memref<80xi32, #tpu.memory_space<vmem>>
    %dma_start3A_87 = arith.constant 0 : i32
    %dma_start3A_88 = arith.constant 0 : i32
    %dma_start3A_89 = tpu.memref_slice %arg2[%dma_start3A_87, %dma_start3A_88] : memref<10000x128xf32, #tpu.memory_space<hbm>> -> memref<10000x128xf32, #tpu.memory_space<hbm>>
    tpu.enqueue_indirect_dma source(%dma_start3A_89 : memref<10000x128xf32, #tpu.memory_space<hbm>>) target(%dma_start3A_84 : memref<80x128xf32, #tpu.memory_space<vmem>>) offsets(%dma_start3A_86 : memref<80xi32, #tpu.memory_space<vmem>>) semaphore(%arg11 : memref<!tpu.dma_semaphore, #tpu.memory_space<semaphore_mem>>)
    %dma_wait3A_90 = arith.constant 1 : i32
    %dma_wait3A_91 = arith.constant 0 : i32
    %dma_wait3A_92 = arith.constant 0 : i32
    %dma_wait3A_93 = tpu.memref_slice %arg9[%dma_wait3A_90, %dma_wait3A_91, %dma_wait3A_92] : memref<2x80x128xf32, #tpu.memory_space<vmem>> -> memref<1x80x128xf32, #tpu.memory_space<vmem>>
    %dma_wait3A_94 = tpu.memref_squeeze %dma_wait3A_93 : memref<1x80x128xf32, #tpu.memory_space<vmem>> -> memref<80x128xf32, #tpu.memory_space<vmem>>
    %dma_wait3A_95 = arith.constant 0 : i32
    %dma_wait3A_96 = tpu.memref_slice %arg7[%dma_wait3A_95] : memref<10000xi32, #tpu.memory_space<vmem>> -> memref<80xi32, #tpu.memory_space<vmem>>
    %dma_wait3A_97 = arith.constant 0 : i32
    %dma_wait3A_98 = arith.constant 0 : i32
    %dma_wait3A_99 = tpu.memref_slice %arg2[%dma_wait3A_97, %dma_wait3A_98] : memref<10000x128xf32, #tpu.memory_space<hbm>> -> memref<10000x128xf32, #tpu.memory_space<hbm>>
    tpu.wait_indirect_dma semaphore(%arg12 : memref<!tpu.dma_semaphore, #tpu.memory_space<semaphore_mem>>) src(%dma_wait3A_99 : memref<10000x128xf32, #tpu.memory_space<hbm>>) dst(%dma_wait3A_94 : memref<80x128xf32, #tpu.memory_space<vmem>>)
    %run_scoped3A_100 = arith.constant 1 : i32
    %run_scoped3A_101 = arith.constant 123 : i32
    "tpu.region"() ({
      %run_scoped3A_119 = tpu.sem_alloc : memref<!tpu.dma_semaphore, #tpu.memory_space<semaphore_mem>>
      %dma_start3A_120 = arith.constant 0 : i32
      %dma_start3A_121 = arith.constant 0 : i32
      %dma_start3A_122 = tpu.memref_slice %arg9[%run_scoped3A_100, %dma_start3A_120, %dma_start3A_121] : memref<2x80x128xf32, #tpu.memory_space<vmem>> -> memref<1x80x128xf32, #tpu.memory_space<vmem>>
      %dma_start3A_123 = tpu.memref_squeeze %dma_start3A_122 : memref<1x80x128xf32, #tpu.memory_space<vmem>> -> memref<80x128xf32, #tpu.memory_space<vmem>>
      %dma_start3A_124 = arith.constant 0 : i32
      %dma_start3A_125 = tpu.memref_slice %arg8[%run_scoped3A_101, %dma_start3A_124] : memref<125x80xi32, #tpu.memory_space<vmem>> -> memref<1x80xi32, #tpu.memory_space<vmem>>
      %dma_start3A_126 = tpu.memref_squeeze %dma_start3A_125 : memref<1x80xi32, #tpu.memory_space<vmem>> -> memref<80xi32, #tpu.memory_space<vmem>>
      %dma_start3A_127 = arith.constant 0 : i32
      %dma_start3A_128 = arith.constant 0 : i32
      %dma_start3A_129 = tpu.memref_slice %arg10[%dma_start3A_127, %dma_start3A_128] : memref<10240x128xf32, #tpu.memory_space<vmem_shared>> -> memref<10240x128xf32, #tpu.memory_space<vmem_shared>>
      tpu.enqueue_indirect_dma source(%dma_start3A_123 : memref<80x128xf32, #tpu.memory_space<vmem>>) target(%dma_start3A_129 : memref<10240x128xf32, #tpu.memory_space<vmem_shared>>) offsets(%dma_start3A_126 : memref<80xi32, #tpu.memory_space<vmem>>) semaphore(%run_scoped3A_119 : memref<!tpu.dma_semaphore, #tpu.memory_space<semaphore_mem>>) {add = true}
      %dma_wait3A_130 = arith.constant 0 : i32
      %dma_wait3A_131 = arith.constant 0 : i32
      %dma_wait3A_132 = tpu.memref_slice %arg9[%run_scoped3A_100, %dma_wait3A_130, %dma_wait3A_131] : memref<2x80x128xf32, #tpu.memory_space<vmem>> -> memref<1x80x128xf32, #tpu.memory_space<vmem>>
      %dma_wait3A_133 = tpu.memref_squeeze %dma_wait3A_132 : memref<1x80x128xf32, #tpu.memory_space<vmem>> -> memref<80x128xf32, #tpu.memory_space<vmem>>
      %dma_wait3A_134 = arith.constant 0 : i32
      %dma_wait3A_135 = tpu.memref_slice %arg8[%run_scoped3A_101, %dma_wait3A_134] : memref<125x80xi32, #tpu.memory_space<vmem>> -> memref<1x80xi32, #tpu.memory_space<vmem>>
      %dma_wait3A_136 = tpu.memref_squeeze %dma_wait3A_135 : memref<1x80xi32, #tpu.memory_space<vmem>> -> memref<80xi32, #tpu.memory_space<vmem>>
      %dma_wait3A_137 = arith.constant 0 : i32
      %dma_wait3A_138 = arith.constant 0 : i32
      %dma_wait3A_139 = tpu.memref_slice %arg10[%dma_wait3A_137, %dma_wait3A_138] : memref<10240x128xf32, #tpu.memory_space<vmem_shared>> -> memref<10240x128xf32, #tpu.memory_space<vmem_shared>>
      tpu.wait_indirect_dma semaphore(%run_scoped3A_119 : memref<!tpu.dma_semaphore, #tpu.memory_space<semaphore_mem>>) src(%dma_wait3A_133 : memref<80x128xf32, #tpu.memory_space<vmem>>) dst(%dma_wait3A_139 : memref<10240x128xf32, #tpu.memory_space<vmem_shared>>)
      tpu.yield
    }) : () -> ()
    %dma_wait3A_102 = arith.constant 0 : i32
    %dma_wait3A_103 = arith.constant 0 : i32
    %dma_wait3A_104 = arith.constant 0 : i32
    %dma_wait3A_105 = tpu.memref_slice %arg9[%dma_wait3A_102, %dma_wait3A_103, %dma_wait3A_104] : memref<2x80x128xf32, #tpu.memory_space<vmem>> -> memref<1x80x128xf32, #tpu.memory_space<vmem>>
    %dma_wait3A_106 = tpu.memref_squeeze %dma_wait3A_105 : memref<1x80x128xf32, #tpu.memory_space<vmem>> -> memref<80x128xf32, #tpu.memory_space<vmem>>
    %dma_wait3A_107 = arith.constant 0 : i32
    %dma_wait3A_108 = tpu.memref_slice %arg7[%dma_wait3A_107] : memref<10000xi32, #tpu.memory_space<vmem>> -> memref<80xi32, #tpu.memory_space<vmem>>
    %dma_wait3A_109 = arith.constant 0 : i32
    %dma_wait3A_110 = arith.constant 0 : i32
    %dma_wait3A_111 = tpu.memref_slice %arg2[%dma_wait3A_109, %dma_wait3A_110] : memref<10000x128xf32, #tpu.memory_space<hbm>> -> memref<10000x128xf32, #tpu.memory_space<hbm>>
    tpu.wait_indirect_dma semaphore(%arg11 : memref<!tpu.dma_semaphore, #tpu.memory_space<semaphore_mem>>) src(%dma_wait3A_111 : memref<10000x128xf32, #tpu.memory_space<hbm>>) dst(%dma_wait3A_106 : memref<80x128xf32, #tpu.memory_space<vmem>>)
    %run_scoped3A_112 = arith.constant 0 : i32
    %run_scoped3A_113 = arith.constant 124 : i32
    "tpu.region"() ({
      %run_scoped3A_119 = tpu.sem_alloc : memref<!tpu.dma_semaphore, #tpu.memory_space<semaphore_mem>>
      %dma_start3A_120 = arith.constant 0 : i32
      %dma_start3A_121 = arith.constant 0 : i32
      %dma_start3A_122 = tpu.memref_slice %arg9[%run_scoped3A_112, %dma_start3A_120, %dma_start3A_121] : memref<2x80x128xf32, #tpu.memory_space<vmem>> -> memref<1x80x128xf32, #tpu.memory_space<vmem>>
      %dma_start3A_123 = tpu.memref_squeeze %dma_start3A_122 : memref<1x80x128xf32, #tpu.memory_space<vmem>> -> memref<80x128xf32, #tpu.memory_space<vmem>>
      %dma_start3A_124 = arith.constant 0 : i32
      %dma_start3A_125 = tpu.memref_slice %arg8[%run_scoped3A_113, %dma_start3A_124] : memref<125x80xi32, #tpu.memory_space<vmem>> -> memref<1x80xi32, #tpu.memory_space<vmem>>
      %dma_start3A_126 = tpu.memref_squeeze %dma_start3A_125 : memref<1x80xi32, #tpu.memory_space<vmem>> -> memref<80xi32, #tpu.memory_space<vmem>>
      %dma_start3A_127 = arith.constant 0 : i32
      %dma_start3A_128 = arith.constant 0 : i32
      %dma_start3A_129 = tpu.memref_slice %arg10[%dma_start3A_127, %dma_start3A_128] : memref<10240x128xf32, #tpu.memory_space<vmem_shared>> -> memref<10240x128xf32, #tpu.memory_space<vmem_shared>>
      tpu.enqueue_indirect_dma source(%dma_start3A_123 : memref<80x128xf32, #tpu.memory_space<vmem>>) target(%dma_start3A_129 : memref<10240x128xf32, #tpu.memory_space<vmem_shared>>) offsets(%dma_start3A_126 : memref<80xi32, #tpu.memory_space<vmem>>) semaphore(%run_scoped3A_119 : memref<!tpu.dma_semaphore, #tpu.memory_space<semaphore_mem>>) {add = true}
      %dma_wait3A_130 = arith.constant 0 : i32
      %dma_wait3A_131 = arith.constant 0 : i32
      %dma_wait3A_132 = tpu.memref_slice %arg9[%run_scoped3A_112, %dma_wait3A_130, %dma_wait3A_131] : memref<2x80x128xf32, #tpu.memory_space<vmem>> -> memref<1x80x128xf32, #tpu.memory_space<vmem>>
      %dma_wait3A_133 = tpu.memref_squeeze %dma_wait3A_132 : memref<1x80x128xf32, #tpu.memory_space<vmem>> -> memref<80x128xf32, #tpu.memory_space<vmem>>
      %dma_wait3A_134 = arith.constant 0 : i32
      %dma_wait3A_135 = tpu.memref_slice %arg8[%run_scoped3A_113, %dma_wait3A_134] : memref<125x80xi32, #tpu.memory_space<vmem>> -> memref<1x80xi32, #tpu.memory_space<vmem>>
      %dma_wait3A_136 = tpu.memref_squeeze %dma_wait3A_135 : memref<1x80xi32, #tpu.memory_space<vmem>> -> memref<80xi32, #tpu.memory_space<vmem>>
      %dma_wait3A_137 = arith.constant 0 : i32
      %dma_wait3A_138 = arith.constant 0 : i32
      %dma_wait3A_139 = tpu.memref_slice %arg10[%dma_wait3A_137, %dma_wait3A_138] : memref<10240x128xf32, #tpu.memory_space<vmem_shared>> -> memref<10240x128xf32, #tpu.memory_space<vmem_shared>>
      tpu.wait_indirect_dma semaphore(%run_scoped3A_119 : memref<!tpu.dma_semaphore, #tpu.memory_space<semaphore_mem>>) src(%dma_wait3A_133 : memref<80x128xf32, #tpu.memory_space<vmem>>) dst(%dma_wait3A_139 : memref<10240x128xf32, #tpu.memory_space<vmem_shared>>)
      tpu.yield
    }) : () -> ()
    %barrier3A_114 = arith.constant 0 : index
    tpu.barrier barrier_id(%barrier3A_114)
    %mul3A_115 = arith.constant 640 : i32
    %mul3A_116 = arith.muli %arg1, %mul3A_115 : i32
    %mul3A_117 = arith.constant 640 : i32
    %mul3A_118 = arith.muli %arg1, %mul3A_117 : i32
    "tpu.region"() ({
      %run_scoped3A_119 = tpu.sem_alloc : memref<!tpu.dma_semaphore, #tpu.memory_space<semaphore_mem>>
      %dma_start3A_120 = arith.constant 0 : i32
      %dma_start3A_121 = arith.constant 0 : i32
      %dma_start3A_122 = tpu.memref_slice %arg6[%arg0, %dma_start3A_120, %dma_start3A_121] : memref<2x10240x128xf32, #tpu.memory_space<hbm>> -> memref<1x10240x128xf32, #tpu.memory_space<hbm>>
      %dma_start3A_123 = tpu.memref_squeeze %dma_start3A_122 : memref<1x10240x128xf32, #tpu.memory_space<hbm>> -> memref<10240x128xf32, #tpu.memory_space<hbm>>
      %dma_start3A_124 = arith.constant 0 : i32
      %dma_start3A_125 = tpu.memref_slice %dma_start3A_123[%mul3A_118, %dma_start3A_124] : memref<10240x128xf32, #tpu.memory_space<hbm>> -> memref<640x128xf32, #tpu.memory_space<hbm>>
      %dma_start3A_126 = arith.constant 0 : i32
      %dma_start3A_127 = tpu.memref_slice %arg10[%mul3A_116, %dma_start3A_126] : memref<10240x128xf32, #tpu.memory_space<vmem_shared>> -> memref<640x128xf32, #tpu.memory_space<vmem_shared>>
      tpu.enqueue_dma source(%dma_start3A_127 : memref<640x128xf32, #tpu.memory_space<vmem_shared>>) target(%dma_start3A_125 : memref<640x128xf32, #tpu.memory_space<hbm>>) target_semaphore(%run_scoped3A_119 : memref<!tpu.dma_semaphore, #tpu.memory_space<semaphore_mem>>)
      %dma_wait3A_128 = arith.constant 0 : i32
      %dma_wait3A_129 = arith.constant 0 : i32
      %dma_wait3A_130 = tpu.memref_slice %arg6[%arg0, %dma_wait3A_128, %dma_wait3A_129] : memref<2x10240x128xf32, #tpu.memory_space<hbm>> -> memref<1x10240x128xf32, #tpu.memory_space<hbm>>
      %dma_wait3A_131 = tpu.memref_squeeze %dma_wait3A_130 : memref<1x10240x128xf32, #tpu.memory_space<hbm>> -> memref<10240x128xf32, #tpu.memory_space<hbm>>
      %dma_wait3A_132 = arith.constant 0 : i32
      %dma_wait3A_133 = tpu.memref_slice %dma_wait3A_131[%mul3A_118, %dma_wait3A_132] : memref<10240x128xf32, #tpu.memory_space<hbm>> -> memref<640x128xf32, #tpu.memory_space<hbm>>
      %dma_wait3A_134 = arith.constant 0 : i32
      %dma_wait3A_135 = tpu.memref_slice %arg10[%mul3A_116, %dma_wait3A_134] : memref<10240x128xf32, #tpu.memory_space<vmem_shared>> -> memref<640x128xf32, #tpu.memory_space<vmem_shared>>
      tpu.wait_dma2 semaphore(%run_scoped3A_119 : memref<!tpu.dma_semaphore, #tpu.memory_space<semaphore_mem>>) src(%dma_wait3A_135 : memref<640x128xf32, #tpu.memory_space<vmem_shared>>) dst(%dma_wait3A_133 : memref<640x128xf32, #tpu.memory_space<hbm>>)
      tpu.yield
    }) : () -> ()
    return
  }
}

module attributes {stable_mosaic.version = 14 : i64} {
  func.func @_mm_first_body(%arg0: i32, %arg1: memref<1000x128xf32, #tpu.memory_space<vmem>>, %arg2: memref<128x128xf32, #tpu.memory_space<vmem>>, %arg3: memref<1000x128xf32, #tpu.memory_space<vmem>>) attributes {dimension_semantics = [#tpu.dimension_semantics<arbitrary>], iteration_bounds = array<i64: 10>, scalar_prefetch = 0 : i64, scratch_operands = 0 : i64, tpu.core_type = #tpu.core_type<tc>, window_params = [{transform_indices = @transform_0, window_bounds = array<i64: 1000, 128>}, {pipeline_mode = #tpu.pipeline_mode<synchronous>, transform_indices = @transform_1, window_bounds = array<i64: 128, 128>}, {transform_indices = @transform_2, window_bounds = array<i64: 1000, 128>}]} {
    %get3A = arith.constant 0 : index
    %get3A_0 = arith.constant 0 : index
    %get3A_1 = vector.load %arg1[%get3A, %get3A_0] : memref<1000x128xf32, #tpu.memory_space<vmem>>, vector<1000x128xf32>
    %get3A_2 = arith.constant 0 : index
    %get3A_3 = arith.constant 0 : index
    %get3A_4 = vector.load %arg2[%get3A_2, %get3A_3] : memref<128x128xf32, #tpu.memory_space<vmem>>, vector<128x128xf32>
    %dot_general3A = arith.constant dense<0.000000e+00> : vector<1000x128xf32>
    %dot_general3A_5 = tpu.matmul %get3A_1, %get3A_4, %dot_general3A {dimension_numbers = #tpu.dot_dimension_numbers<[1], [0], [0], [1], [0, 0, 1, 1], [], []>, transpose_lhs_hint = false} : vector<1000x128xf32>, vector<128x128xf32>, vector<1000x128xf32> -> vector<1000x128xf32>
    %swap3A = arith.constant 0 : index
    %swap3A_6 = arith.constant 0 : index
    %swap3A_7 = vector.load %arg3[%swap3A, %swap3A_6] : memref<1000x128xf32, #tpu.memory_space<vmem>>, vector<1000x128xf32>
    tpu.vector_store %arg3[%swap3A, %swap3A_6], %dot_general3A_5 {strides = array<i32>} : memref<1000x128xf32, #tpu.memory_space<vmem>>, vector<1000x128xf32>,
    return
  }
  func.func @transform_0(%arg0: i32) -> (i32, i32) {
    %c0_i32 = arith.constant 0 : i32
    %c0_i32_0 = arith.constant 0 : i32
    return %arg0, %c0_i32 : i32, i32
  }
  func.func @transform_1(%arg0: i32) -> (i32, i32) {
    %c0_i32 = arith.constant 0 : i32
    %c0_i32_0 = arith.constant 0 : i32
    %c0_i32_1 = arith.constant 0 : i32
    return %c0_i32, %c0_i32_0 : i32, i32
  }
  func.func @transform_2(%arg0: i32) -> (i32, i32) {
    %c0_i32 = arith.constant 0 : i32
    %c0_i32_0 = arith.constant 0 : i32
    return %arg0, %c0_i32 : i32, i32
  }
}

module attributes {stable_mosaic.version = 14 : i64} {
  func.func @_mm_fused_body(%arg0: i32, %arg1: memref<1000x128xf32, #tpu.memory_space<vmem>>, %arg2: memref<1000x128xf32, #tpu.memory_space<vmem>>, %arg3: memref<1x128xf32, #tpu.memory_space<vmem>>, %arg4: memref<128x128xf32, #tpu.memory_space<vmem>>, %arg5: memref<1000x128xf32, #tpu.memory_space<vmem>>) attributes {dimension_semantics = [#tpu.dimension_semantics<arbitrary>], iteration_bounds = array<i64: 10>, scalar_prefetch = 0 : i64, scratch_operands = 0 : i64, tpu.core_type = #tpu.core_type<tc>, window_params = [{transform_indices = @transform_0, window_bounds = array<i64: 1000, 128>}, {transform_indices = @transform_1, window_bounds = array<i64: 1000, 128>}, {pipeline_mode = #tpu.pipeline_mode<synchronous>, transform_indices = @transform_2, window_bounds = array<i64: 1, 128>}, {pipeline_mode = #tpu.pipeline_mode<synchronous>, transform_indices = @transform_3, window_bounds = array<i64: 128, 128>}, {transform_indices = @transform_4, window_bounds = array<i64: 1000, 128>}]} {
    %get3A = arith.constant 0 : index
    %get3A_0 = arith.constant 0 : index
    %get3A_1 = vector.load %arg1[%get3A, %get3A_0] : memref<1000x128xf32, #tpu.memory_space<vmem>>, vector<1000x128xf32>
    %get3A_2 = arith.constant 0 : index
    %get3A_3 = arith.constant 0 : index
    %get3A_4 = vector.load %arg2[%get3A_2, %get3A_3] : memref<1000x128xf32, #tpu.memory_space<vmem>>, vector<1000x128xf32>
    %add3A = arith.addf %get3A_1, %get3A_4 : vector<1000x128xf32>
    %get3A_5 = arith.constant 0 : index
    %get3A_6 = arith.constant 0 : index
    %get3A_7 = vector.load %arg3[%get3A_5, %get3A_6] : memref<1x128xf32, #tpu.memory_space<vmem>>, vector<1x128xf32>
    %add3A_8 = vector.broadcast %get3A_7 : vector<1x128xf32> to vector<1000x128xf32>
    %add3A_9 = arith.addf %add3A, %add3A_8 : vector<1000x128xf32>
    %max3A = arith.constant 0.000000e+00 : f32
    %max3A_10 = vector.broadcast %max3A : f32 to vector<1000x128xf32>
    %max3A_11 = arith.maximumf %add3A_9, %max3A_10 : vector<1000x128xf32>
    %get3A_12 = arith.constant 0 : index
    %get3A_13 = arith.constant 0 : index
    %get3A_14 = vector.load %arg4[%get3A_12, %get3A_13] : memref<128x128xf32, #tpu.memory_space<vmem>>, vector<128x128xf32>
    %dot_general3A = arith.constant dense<0.000000e+00> : vector<1000x128xf32>
    %dot_general3A_15 = tpu.matmul %max3A_11, %get3A_14, %dot_general3A {dimension_numbers = #tpu.dot_dimension_numbers<[1], [0], [0], [1], [0, 0, 1, 1], [], []>, transpose_lhs_hint = false} : vector<1000x128xf32>, vector<128x128xf32>, vector<1000x128xf32> -> vector<1000x128xf32>
    %swap3A = arith.constant 0 : index
    %swap3A_16 = arith.constant 0 : index
    %swap3A_17 = vector.load %arg5[%swap3A, %swap3A_16] : memref<1000x128xf32, #tpu.memory_space<vmem>>, vector<1000x128xf32>
    tpu.vector_store %arg5[%swap3A, %swap3A_16], %dot_general3A_15 {strides = array<i32>} : memref<1000x128xf32, #tpu.memory_space<vmem>>, vector<1000x128xf32>,
    return
  }
  func.func @transform_0(%arg0: i32) -> (i32, i32) {
    %c0_i32 = arith.constant 0 : i32
    %c0_i32_0 = arith.constant 0 : i32
    return %arg0, %c0_i32 : i32, i32
  }
  func.func @transform_1(%arg0: i32) -> (i32, i32) {
    %c0_i32 = arith.constant 0 : i32
    %c0_i32_0 = arith.constant 0 : i32
    return %arg0, %c0_i32 : i32, i32
  }
  func.func @transform_2(%arg0: i32) -> (i32, i32) {
    %c0_i32 = arith.constant 0 : i32
    %c0_i32_0 = arith.constant 0 : i32
    %c0_i32_1 = arith.constant 0 : i32
    return %c0_i32, %c0_i32_0 : i32, i32
  }
  func.func @transform_3(%arg0: i32) -> (i32, i32) {
    %c0_i32 = arith.constant 0 : i32
    %c0_i32_0 = arith.constant 0 : i32
    %c0_i32_1 = arith.constant 0 : i32
    return %c0_i32, %c0_i32_0 : i32, i32
  }
  func.func @transform_4(%arg0: i32) -> (i32, i32) {
    %c0_i32 = arith.constant 0 : i32
    %c0_i32_0 = arith.constant 0 : i32
    return %arg0, %c0_i32 : i32, i32
  }
}

module attributes {stable_mosaic.version = 14 : i64} {
  func.func @_final_body(%arg0: i32, %arg1: memref<1000x128xf32, #tpu.memory_space<vmem>>, %arg2: memref<1000x128xf32, #tpu.memory_space<vmem>>, %arg3: memref<1x128xf32, #tpu.memory_space<vmem>>, %arg4: memref<1000x128xf32, #tpu.memory_space<vmem>>) attributes {dimension_semantics = [#tpu.dimension_semantics<arbitrary>], iteration_bounds = array<i64: 10>, scalar_prefetch = 0 : i64, scratch_operands = 0 : i64, tpu.core_type = #tpu.core_type<tc>, window_params = [{transform_indices = @transform_0, window_bounds = array<i64: 1000, 128>}, {transform_indices = @transform_1, window_bounds = array<i64: 1000, 128>}, {pipeline_mode = #tpu.pipeline_mode<synchronous>, transform_indices = @transform_2, window_bounds = array<i64: 1, 128>}, {transform_indices = @transform_3, window_bounds = array<i64: 1000, 128>}]} {
    %get3A = arith.constant 0 : index
    %get3A_0 = arith.constant 0 : index
    %get3A_1 = vector.load %arg1[%get3A, %get3A_0] : memref<1000x128xf32, #tpu.memory_space<vmem>>, vector<1000x128xf32>
    %get3A_2 = arith.constant 0 : index
    %get3A_3 = arith.constant 0 : index
    %get3A_4 = vector.load %arg2[%get3A_2, %get3A_3] : memref<1000x128xf32, #tpu.memory_space<vmem>>, vector<1000x128xf32>
    %add3A = arith.addf %get3A_1, %get3A_4 : vector<1000x128xf32>
    %get3A_5 = arith.constant 0 : index
    %get3A_6 = arith.constant 0 : index
    %get3A_7 = vector.load %arg3[%get3A_5, %get3A_6] : memref<1x128xf32, #tpu.memory_space<vmem>>, vector<1x128xf32>
    %add3A_8 = vector.broadcast %get3A_7 : vector<1x128xf32> to vector<1000x128xf32>
    %add3A_9 = arith.addf %add3A, %add3A_8 : vector<1000x128xf32>
    %swap3A = arith.constant 0 : index
    %swap3A_10 = arith.constant 0 : index
    %swap3A_11 = vector.load %arg4[%swap3A, %swap3A_10] : memref<1000x128xf32, #tpu.memory_space<vmem>>, vector<1000x128xf32>
    tpu.vector_store %arg4[%swap3A, %swap3A_10], %add3A_9 {strides = array<i32>} : memref<1000x128xf32, #tpu.memory_space<vmem>>, vector<1000x128xf32>,
    return
  }
  func.func @transform_0(%arg0: i32) -> (i32, i32) {
    %c0_i32 = arith.constant 0 : i32
    %c0_i32_0 = arith.constant 0 : i32
    return %arg0, %c0_i32 : i32, i32
  }
  func.func @transform_1(%arg0: i32) -> (i32, i32) {
    %c0_i32 = arith.constant 0 : i32
    %c0_i32_0 = arith.constant 0 : i32
    return %arg0, %c0_i32 : i32, i32
  }
  func.func @transform_2(%arg0: i32) -> (i32, i32) {
    %c0_i32 = arith.constant 0 : i32
    %c0_i32_0 = arith.constant 0 : i32
    %c0_i32_1 = arith.constant 0 : i32
    return %c0_i32, %c0_i32_0 : i32, i32
  }
  func.func @transform_3(%arg0: i32) -> (i32, i32) {
    %c0_i32 = arith.constant 0 : i32
    %c0_i32_0 = arith.constant 0 : i32
    return %arg0, %c0_i32 : i32, i32
  }
}

</mosaic_0001>

<sc_bundles>
// kernel: kernel.12.cloned.1.call-start
scs
__scs_entry_jumppad:
0x0: {  	(pc) =	sbr.rel $0x88, $3  }
0x1: {  	(tag) =	ssettag $0x0;
	lr =	simm.s32 $0x1  }
0x2: {  	[smem:$0x3F99] =	sst lr;
	_ =	strace $0xD0000000  }
0x3: {  	_ = 	snop  }
0x4: {  	_ = 	snop  }
0x5: {  	_ = 	snop  }
0x6: {  	_ = 	snop  }
0x7: {  	_ = 	snop  }
__scs_overlays_trampoline_lowered:
0x8: {  	[smem:$0x3FA8] =	sst s0  }
0x9: {  	[smem:$0x3FA9] =	sst s1  }
0xa: {  	[smem:$0x3FAA] =	sst s2  }
0xb: {  	[smem:$0x3FAB] =	sst s3  }
0xc: {  	[smem:$0x3FAC] =	sst s4  }
0xd: {  	[smem:$0x3FAD] =	sst s5  }
0xe: {  	[smem:$0x3FAE] =	sst s6  }
0xf: {  	[smem:$0x3FAF] =	sst s7  }
0x10: {  	[smem:$0x3FB0] =	sst s8  }
0x11: {  	[smem:$0x3FB1] =	sst s9;
	s0 =	simm.s32 @!p0 $0x0  }
0x12: {  	s1 =	sld [smem:$0x3F97];
	s0 =	simm.s32 @p0 $0x1  }
0x13: {  	[smem:$0x3FB2] =	sst s0;
	s0 =	simm.s32 @!p1 $0x0  }
0x14: {  	s2 =	sld [smem:$0x3F96];
	s0 =	simm.s32 @p1 $0x1  }
0x15: {  	[smem:$0x3FB3] =	sst s0;
	s0 =	simm.s32 @!p2 $0x0  }
0x16: {  	s3 =	sld [smem:$0x3FDB];
	s0 =	simm.s32 @p2 $0x1  }
0x17: {  	s4 =	simm.s32 $0x1BF5;
	[smem:$0x3FB5] =	sst s0  }
0x18: {  	s0 =	sld [smem:$0x3F98];
	_ =	swait.ge [sflag:s4], $0x0  }
0x19: {  	s7 =	sld [smem:$0x3F99]  }
0x1a: {  	s8 =	sadd.s32 $0xFFFFE003, lr  }
0x1b: {  	s9 =	sadd.s32 $0xFFFFFEF7, lr;
	s5 =	simm.s32 $0xFFFFFFFF;
	p2 =	slt.u32 s8, $0xFFFFF086  }
0x1c: {  	p1 =	slt.u32 s9, $0xF7A;
	s5 =	simm.s32 @!p2 $0x0  }
0x1d: {  	s5 =	simm.s32 @p1 $0x1;
	p0 =	seq.s32 s7, s2  }
0x1e: {  	s7 =	smul.u32 @!p0 $0xF7A, s2;
	p2 =	seq.s32 @!p0 s5, $0x0  }
0x1f: {  	s9 =	smul.u32 $0xF7A, s1;
	s8 =	simm.s32 @!p0 $0x1BF5;
	p2 =	por !p2, p0  }
0x20: {  	[sflag:s8] =	ssyncset.s32 @!p0 $0xFFFFF086;
	s6 =	sadd.s32 @!p0 s3, s7;
	s7 =	simm.s32 @!p0 $0x108  }
0x21: {  	s3 =	sadd.s32 s3, s9;
	s6 =	sadd.s32 @!p0 $0x88, s6;
	s7 =	simm.s32 @p2 $0x1082  }
0x22: {  	[simem:s7], [sflag:s8] =	dma.local @!p0 [hbm:s6], $0xF7A  }
0x23: {  	s9 =	sor.u32 $0xD0000000, s2;
	s6 =	simm.s32 $0x108;
	_ =	swait.ge @!p0 [sflag:s8], $0x0  }
0x24: {  	s3 =	sadd.s32 $0x88, s3;
	s6 =	simm.s32 @!p1 $0x1082;
	[sflag:s4] =	ssyncset.s32 $0xFFFFF086  }
0x25: {  	[simem:s6], [sflag:s4] =	dma.local [hbm:s3], $0xF7A  }
0x26: {  	[smem:$0x3F99] =	sst s1;
	(tag) =	ssettag s2;
	_ =	strace s9  }
0x27: {  	s1 =	sld [smem:$0x3FA9]  }
0x28: {  	s2 =	sld [smem:$0x3FAA]  }
0x29: {  	s4 =	sld [smem:$0x3FAC]  }
0x2a: {  	p0 =	seq.s32 s5, $0x0;
	s5 =	sld [smem:$0x3FAD]  }
0x2b: {  	s6 =	sld [smem:$0x3FAE]  }
0x2c: {  	s7 =	sld [smem:$0x3FAF]  }
0x2d: {  	s3 =	simm.s32 $0x108;
	s8 =	sld [smem:$0x3FB0]  }
0x2e: {  	s3 =	simm.s32 @!p0 $0x1082;
	s9 =	sld [smem:$0x3FB1]  }
0x2f: {  	lr =	sadd.s32 s0, s3;
	s0 =	sld [smem:$0x3FA8]  }
0x30: {  	s3 =	sld [smem:$0x3FAB]  }
0x31: {  	[smem:$0x3FB4] =	sst s10  }
0x32: {  	s10 =	sld [smem:$0x3FB2];
	_ =	sdelay $0x3  }
0x33: {  	p0 =	seq.s32 s10, $0x1;
	s10 =	sld [smem:$0x3FB4];
	_ =	sdelay $0x3  }
0x34: {  	[smem:$0x3FB4] =	sst s10  }
0x35: {  	s10 =	sld [smem:$0x3FB3];
	_ =	sdelay $0x3  }
0x36: {  	p1 =	seq.s32 s10, $0x1;
	s10 =	sld [smem:$0x3FB4];
	_ =	sdelay $0x3  }
0x37: {  	[smem:$0x3FB4] =	sst s10  }
0x38: {  	s10 =	sld [smem:$0x3FB5]  }
0x39: {  	_ = 	snop;
	(pc) =	sbr.ind lr, $3  }
0x3a: {  	_ = 	snop  }
0x3b: {  	_ = 	snop  }
0x3c: {  	p2 =	seq.s32 s10, $0x1;
	s10 =	sld [smem:$0x3FB4]  }
0x3d: {  	_ =	shalt  }
0x3e: {  	_ =	shalt  }
0x3f: {  	_ =	shalt  }
0x40: {  	_ =	shalt  }
0x41: {  	_ =	shalt  }
0x42: {  	_ =	shalt  }
0x43: {  	_ =	shalt  }
0x44: {  	_ =	shalt  }
0x45: {  	_ =	shalt  }
0x46: {  	_ =	shalt  }
0x47: {  	_ =	shalt  }
0x48: {  	_ =	shalt  }
0x49: {  	_ =	shalt  }
0x4a: {  	_ =	shalt  }
0x4b: {  	_ =	shalt  }
0x4c: {  	_ =	shalt  }
0x4d: {  	_ =	shalt  }
0x4e: {  	_ =	shalt  }
0x4f: {  	_ =	shalt  }
0x50: {  	_ =	shalt  }
0x51: {  	_ =	shalt  }
0x52: {  	_ =	shalt  }
0x53: {  	_ =	shalt  }
0x54: {  	_ =	shalt  }
0x55: {  	_ =	shalt  }
0x56: {  	_ =	shalt  }
0x57: {  	_ =	shalt  }
0x58: {  	_ =	shalt  }
0x59: {  	_ =	shalt  }
0x5a: {  	_ =	shalt  }
0x5b: {  	_ =	shalt  }
0x5c: {  	_ =	shalt  }
0x5d: {  	_ =	shalt  }
0x5e: {  	_ =	shalt  }
0x5f: {  	_ =	shalt  }
0x60: {  	_ =	shalt  }
0x61: {  	_ =	shalt  }
0x62: {  	_ =	shalt  }
0x63: {  	_ =	shalt  }
0x64: {  	_ =	shalt  }
0x65: {  	_ =	shalt  }
0x66: {  	_ =	shalt  }
0x67: {  	_ =	shalt  }
0x68: {  	_ =	shalt  }
0x69: {  	_ =	shalt  }
0x6a: {  	_ =	shalt  }
0x6b: {  	_ =	shalt  }
0x6c: {  	_ =	shalt  }
0x6d: {  	_ =	shalt  }
0x6e: {  	_ =	shalt  }
0x6f: {  	_ =	shalt  }
0x70: {  	_ =	shalt  }
0x71: {  	_ =	shalt  }
0x72: {  	_ =	shalt  }
0x73: {  	_ =	shalt  }
0x74: {  	_ =	shalt  }
0x75: {  	_ =	shalt  }
0x76: {  	_ =	shalt  }
0x77: {  	_ =	shalt  }
0x78: {  	_ =	shalt  }
0x79: {  	_ =	shalt  }
0x7a: {  	_ =	shalt  }
0x7b: {  	_ =	shalt  }
0x7c: {  	_ =	shalt  }
0x7d: {  	_ =	shalt  }
0x7e: {  	_ =	shalt  }
0x7f: {  	_ =	shalt  }
0x80: {  	_ =	shalt  }
0x81: {  	_ =	shalt  }
0x82: {  	_ =	shalt  }
0x83: {  	_ =	shalt  }
0x84: {  	_ =	shalt  }
0x85: {  	_ =	shalt  }
0x86: {  	_ =	shalt  }
0x87: {  	_ =	shalt  }
.Lfunc_end0:
.L_simem_size_0:
called_computation.1_lowered:
.L_overlay_start_0:
0x88: {  	s2 =	sld [smem:$0x3FD9]  }
0x89: {  	s3 =	sld [smem:$0x3FFE];
	_ =	sdelay $0x1  }
0x8a: {  	s1 =	srdreg.scid  }
0x8b: {  	s0 =	sand.u32 $0x1, s1  }
0x8c: {  	s17 =	sshll.u32 s0, $0xA;
	s2 =	sadd.s32 s3, s2  }
0x8d: {  	s2 =	sadd.s32 s2, s17  }
0x8e: {  	[smem:$0x3FC0] =	sst s2  }
0x8f: {  	_ = 	snop  }
0x90: {  	s2 =	sld [smem:$0x3FD0];
	(tm) =	ssettm $0x1  }
0x91: {  	s18 =	sld [smem:$0x3FFB];
	_ =	sdelay $0x3  }
0x92: {  	_ =	strace s18  }
0x93: {  	s3 =	sld [smem:$0x3FFC];
	_ =	sdelay $0x3  }
0x94: {  	_ =	strace s3  }
0x95: {  	s3 =	sld [smem:$0x3FFD];
	_ =	sdelay $0x3  }
0x96: {  	_ =	strace s3  }
0x97: {  	_ =	strace $0x8FFFFFFF  }
0x98: {  	s19 =	sld [smem:$0x3FDB];
	_ =	sdelay $0x1  }
0x99: {  	s4 =	simm.s32 $_scs_section_size  }
0x9a: {  	s5 =	simm.s32 $_size__tile_overlayer_lowered;
	s6 =	simm.s32 $_tile_overlayer_lowered  }
0x9b: {  	s22 =	simm.s32 $0x1BFF;
	s21 =	sshll.u32 s6, $0x1;
	s3 =	sadd.s32 s4, s19  }
0x9c: {  	s7 =	simm.s32 $0x0;
	s20 =	sshll.u32 s5, $0x1;
	s5 =	sadd.s32 s21, s3  }
0x9d: {  	[timem:s7], [sflag:s22] =	dma.local [hbm:s5], s20  }
0x9e: {  	_ =	swait.ge [sflag:s22], s20  }
0x9f: {  	s4 =	ssub.s32 $0x0, s20;
	[sflag:s22] =	ssyncset.done $0x0  }
0xa0: {  	[sflag:s22] =	ssyncadd.s32 s4;
	_ =	sdelay $0x1  }
0xa1: {  	s23 =	simm.s32 $0x1B8B  }
0xa2: {  	_ =	swait.ge [sflag:s23], $0x1  }
0xa3: {  	[sflag:s23] =	ssyncset.done $0x0  }
0xa4: {  	s25 =	simm.s32 $0x1B8E;
	s24 =	sld [smem:$0x3FFE];
	[sflag:s23] =	ssyncadd.s32 $0xFFFFFFFF  }
0xa5: {  	s26 =	simm.s32 $execute0_lowered;
	[smem:$0x3FD2] =	sst s25  }
0xa6: {  	s5 =	sshll.u32 s26, $0x1;
	_ =	strace $0x80000049;
	[dreg:$0x1] =	wrdreg $0xFFFFFFFF  }
0xa7: {  	s28 =	simm.s32 $_size_execute0_lowered;
	s3 =	sadd.s32 s3, s5;
	[dreg:$0x0] =	wrdreg $0x0  }
0xa8: {  	s5 =	sshll.u32 s28, $0x1;
	[dreg:$0x2] =	wrdreg s3  }
0xa9: {  	[dreg:$0x3] =	wrdreg s5  }
0xaa: {  	[dreg:$0x4] =	wrdreg $0xC0  }
0xab: {  	_ =	task [dreg:s7], $0x5FFFF  }
0xac: {  	[dreg:$0x1] =	wrdreg $0xFFFFFFFF  }
0xad: {  	[dreg:$0x0] =	wrdreg $0x60  }
0xae: {  	[dreg:$0x2] =	wrdreg s2  }
0xaf: {  	[dreg:$0x3] =	wrdreg s24  }
0xb0: {  	[dreg:$0x4] =	wrdreg $0xB7800  }
0xb1: {  	[dreg:$0x5] =	wrdreg $0x9  }
0xb2: {  	_ =	task.clear_ibuf [dreg:s7], $0x6FFFF;
	_ =	strace $0x90000049  }
0xb3: {  	s29 =	simm.s32 $0x9;
	_ =	strace $0x8000004B  }
0xb4: {  	_ =	swait.ge [sflag:s29], $0x1  }
0xb5: {  	[sflag:s29] =	ssyncadd.s32 $0xFFFFFFFF  }
0xb6: {  	_ =	strace $0x9000004B  }
0xb7: {  	_ =	sfence  }
0xb8: {  	s30 =	sld [smem:$0x0];
	_ =	sdelay $0x2  }
0xb9: {  	s31 =	sshll.u32 s1, $0xD;
	s1 =	sshrl.u32 s1, $0x2  }
0xba: {  	s3 =	sand.u32 $0x4000, s31;
	s1 =	sadd.s32 s1, s30  }
0xbb: {  	s0 =	sor.u32 s3, s0;
	s1 =	sshll.u32 s1, $0x11  }
0xbc: {  	s0 =	sor.u32 s1, s0  }
0xbd: {  	s0 =	sadd.s32 $0x8F2B, s0  }
0xbe: {  	[sflag:s0] =	ssyncadd.remote.s32 $0x1  }
0xbf: {  	_ =	sfence.sel $0xFFFF  }
0xc0: {  	[dreg:$0x0] =	wrdreg $0xFFFFFFFF;
	(pc) =	sbr.abs _section_cstart, $3  }
0xc1: {  	[dreg:$0x1] =	wrdreg $0xFFFFFFFF  }
0xc2: {  	_ =	task.clear_ibuf [dreg:s7], $0x2FFFF;
	_ =	strace $0x9FFFFFFF  }
0xc3: {  	(tm) =	ssettm $0x7FFFFFFF  }
tec
execute0_lowered:
.L_overlay_start_1:
0x0: {  	(tag) =	ssettag $0x1  }
0x1: {  	s0 =	srdreg.scid  }
0x2: {  	s26 =	stileid.u32;
	s6 =	rddreg [dreg:$0x1];
	s14 =	simm.s32 $0x50  }
0x3: {  	s15 =	simm.s32 $0x6780;
	s16 =	simm.s32 $0x8F80;
	s17 =	simm.s32 $0x1  }
0x4: {  	s18 =	simm.s32 $0x2;
	s19 =	simm.s32 $0x6380;
	s20 =	simm.s32 $0x2620  }
0x5: {  	s21 =	simm.s32 $0x6400;
	s22 =	simm.s32 $0x2670;
	s23 =	simm.s32 $0x6480  }
0x6: {  	s28 =	simm.s32 $0x6580;
	s29 =	simm.s32 $0x0;
	s9 =	smul.u32 $0x50000, s26  }
0x7: {  	s2 =	sand.u32 $0x1, s0;
	s4 =	sshll.u32 s26, $0x7;
	s25 =	smul.u32 $0x2800, s26  }
0x8: {  	s31 =	sshll.u32 s26, $0x6;
	s1 =	sshll.u32 s2, $0x4;
	s8 =	sand.u32 $0x380, s4  }
0x9: {  	s4 =	simm.s32 $0x0;
	s30 =	smul.u32 $0x28000, s2;
	s2 =	ssub.s32 $0x2, s2  }
0xa: {  	s12 =	sor.u32 $0x1C03, s31;
	s5 =	sor.u32 s26, s1;
	s1 =	rddreg [dreg:$0x0]  }
0xb: {  	[smem:$0x7FF] =	sst s4;
	s11 =	sshrl.u32 s2, $0x1;
	s9 =	sshrl.u32 s9, $0x2  }
0xc: {  	s26 =	simm.s32 $0x6500;
	s3 =	sshrl.u32 s5, $0x3;
	s5 =	sshll.u32 s5, $0xB  }
0xd: {  	s2 =	ssub.s32 s2, s11;
	s11 =	simm.s32 $0x3;
	s7 =	smul.u32 $0x13C00, s3  }
0xe: {  	s3 =	rddreg [dreg:$0x2];
	_ =	strace $0x8000004A;
	s10 =	sadd.s32 s5, s6  }
0xf: {  	s5 =	sadd.s32 $0x1BC00, s6;
	s13 =	sadd.s32 s9, s3;
	s9 =	simm.s32 $0x80  }
0x10: {  	s7 =	sor.u32 s8, s7;
	s8 =	sadd.s32 s30, s6;
	s13 =	sshrl.u32 s13, $0x3  }
0x11: {  	s7 =	sshrl.u32 s7, $0x3;
	s24 =	sadd.s32 $0x1E400, s8;
	s8 =	smax.u32 s2, $0x1  }
0x12: {  	s7 =	sadd.s32 s7, s6;
	s24 =	sadd.s32 s25, s24;
	s25 =	simm.s32 $0x26C0  }
0x13: {  	s6 =	sadd.s32 $0x11E00, s7;
	s7 =	sadd.s32 $0x1E00, s10;
	s10 =	simm.s32 $0x400  }
.LBB2_1:
0x14: {  	[tilespmem:s4], [sflag:$0x3] =	stream.strided.gather [hbm4b:s6+s9], $0x2780, s10, s9, $0x38;
	[tilespmem:$0x1F780] =	vst v63  }
0x15: {  	_ =	swait.ge [sflag:s11], $0x2780  }
0x16: {  	[sflag:s11] =	ssyncset.done $0x0  }
0x17: {  	s2 =	simm.s32 $0x2780;
	[sflag:s11] =	ssyncadd.s32 $0xFFFFD880  }
0x18: {  	[tilespmem:s2], [sflag:$0x3] =	stream.linear.gather [hbm4b:s7+s4], $0x3E80, $0x38;
	[tilespmem:$0x1F780] =	vst v63  }
0x19: {  	_ =	swait.ge [sflag:s11], $0x3E80  }
0x1a: {  	[sflag:s11] =	ssyncset.done $0x0  }
0x1b: {  	[sflag:s11] =	ssyncadd.s32 $0xFFFFC180  }
0x1c: {  	[spmem:s13], [sflag:s12] =	dma.local [hbm:s5], $0x2800  }
0x1d: {  	_ =	swait.ge [sflag:s11], $0x2800  }
0x1e: {  	[sflag:s11] =	ssyncset.done $0x0  }
0x1f: {  	[sflag:s11] =	ssyncadd.s32 $0xFFFFD800  }
0x20: {  	[bflag:$0x0] =	sbarrier.arrive $0xFFFF  }
0x21: {  	[tilespmem:s15], [sflag:$0x1] =	stream.indirect.gather [hbm4b:s1+s14], $0x80, s4, s14, $0xb8;
	[tilespmem:$0x1F780] =	vst v63  }
0x22: {  	_ = 	snop  }
0x23: {  	[tilespmem:s16], [sflag:$0x2] =	stream.indirect.gather [hbm4b:s1+s14], $0x80, s14, s14, $0xb8;
	[tilespmem:$0x1F780] =	vst v63  }
0x24: {  	_ =	swait.ge [sflag:s17], $0x2800  }
0x25: {  	[sflag:s17] =	ssyncset.done $0x0  }
0x26: {  	[sflag:s17] =	ssyncadd.s32 $0xFFFFD800  }
0x27: {  	[spmem:s3] =	stream.indirect.scatter.add.f32 [tilespmem:s15], [sflag:$0x3], $0x80, s2, s14, $0xb8;
	[tilespmem:$0x1F780] =	vst v63  }
0x28: {  	_ =	swait.ge [sflag:s11], $0x2800  }
0x29: {  	[sflag:s11] =	ssyncset.done $0x0  }
0x2a: {  	s0 =	simm.s32 $0xA0;
	[sflag:s11] =	ssyncadd.s32 $0xFFFFD800  }
0x2b: {  	[tilespmem:s15], [sflag:$0x1] =	stream.indirect.gather [hbm4b:s1+s14], $0x80, s0, s14, $0xb8;
	[tilespmem:$0x1F780] =	vst v63  }
0x2c: {  	_ =	swait.ge [sflag:s18], $0x2800  }
0x2d: {  	[sflag:s18] =	ssyncset.done $0x0  }
0x2e: {  	s0 =	simm.s32 $0x2800;
	[sflag:s18] =	ssyncadd.s32 $0xFFFFD800  }
0x2f: {  	[spmem:s3] =	stream.indirect.scatter.add.f32 [tilespmem:s16], [sflag:$0x3], $0x80, s0, s14, $0xb8;
	[tilespmem:$0x1F780] =	vst v63  }
0x30: {  	_ =	swait.ge [sflag:s11], $0x2800  }
0x31: {  	[sflag:s11] =	ssyncset.done $0x0  }
0x32: {  	s0 =	simm.s32 $0xF0;
	[sflag:s11] =	ssyncadd.s32 $0xFFFFD800  }
0x33: {  	[tilespmem:s16], [sflag:$0x2] =	stream.indirect.gather [hbm4b:s1+s14], $0x80, s0, s14, $0xb8;
	[tilespmem:$0x1F780] =	vst v63  }
0x34: {  	_ =	swait.ge [sflag:s17], $0x2800  }
0x35: {  	[sflag:s17] =	ssyncset.done $0x0  }
0x36: {  	s0 =	simm.s32 $0x2880;
	[sflag:s17] =	ssyncadd.s32 $0xFFFFD800  }
0x37: {  	[spmem:s3] =	stream.indirect.scatter.add.f32 [tilespmem:s15], [sflag:$0x3], $0x80, s0, s14, $0xb8;
	[tilespmem:$0x1F780] =	vst v63  }
0x38: {  	_ =	swait.ge [sflag:s11], $0x2800  }
0x39: {  	[sflag:s11] =	ssyncset.done $0x0  }
0x3a: {  	s0 =	simm.s32 $0x140;
	[sflag:s11] =	ssyncadd.s32 $0xFFFFD800  }
0x3b: {  	[tilespmem:s15], [sflag:$0x1] =	stream.indirect.gather [hbm4b:s1+s14], $0x80, s0, s14, $0xb8;
	[tilespmem:$0x1F780] =	vst v63  }
0x3c: {  	_ =	swait.ge [sflag:s18], $0x2800  }
0x3d: {  	[sflag:s18] =	ssyncset.done $0x0  }
0x3e: {  	s0 =	simm.s32 $0x2900;
	[sflag:s18] =	ssyncadd.s32 $0xFFFFD800  }
0x3f: {  	[spmem:s3] =	stream.indirect.scatter.add.f32 [tilespmem:s16], [sflag:$0x3], $0x80, s0, s14, $0xb8;
	[tilespmem:$0x1F780] =	vst v63  }
0x40: {  	_ =	swait.ge [sflag:s11], $0x2800  }
0x41: {  	s30 =	simm.s32 $0x500;
	[sflag:s11] =	ssyncset.done $0x0  }
0x42: {  	s31 =	simm.s32 $0x2980;
	s2 =	simm.s32 $0x190;
	[sflag:s11] =	ssyncadd.s32 $0xFFFFD800  }
.LBB2_2:
0x43: {  	[tilespmem:s16], [sflag:$0x2] =	stream.indirect.gather [hbm4b:s1+s14], $0x80, s2, s14, $0xb8;
	[tilespmem:$0x1F780] =	vst v63  }
0x44: {  	s2 =	smov.u32 s30  }
0x45: {  	p0 =	sne.s32 s30, $0x9100;
	s30 =	sadd.s32 $0x500, s30;
	_ =	swait.ge [sflag:s17], $0x2800  }
0x46: {  	[sflag:s17] =	ssyncset.done $0x0  }
0x47: {  	[sflag:s17] =	ssyncadd.s32 $0xFFFFD800  }
0x48: {  	[spmem:s3] =	stream.indirect.scatter.add.f32 [tilespmem:s15], [sflag:$0x3], $0x80, s31, s14, $0xb8;
	[tilespmem:$0x1F780] =	vst v63  }
0x49: {  	_ =	swait.ge [sflag:s11], $0x2800  }
0x4a: {  	s2 =	sshra.s32 s2, $0x2;
	[sflag:s11] =	ssyncset.done $0x0  }
0x4b: {  	s0 =	sadd.s32 $0xA0, s2;
	[sflag:s11] =	ssyncadd.s32 $0xFFFFD800  }
0x4c: {  	[tilespmem:s15], [sflag:$0x1] =	stream.indirect.gather [hbm4b:s1+s14], $0x80, s0, s14, $0xb8;
	[tilespmem:$0x1F780] =	vst v63  }
0x4d: {  	_ =	swait.ge [sflag:s18], $0x2800  }
0x4e: {  	[sflag:s18] =	ssyncset.done $0x0  }
0x4f: {  	s0 =	sadd.s32 $0x80, s31;
	[sflag:s18] =	ssyncadd.s32 $0xFFFFD800  }
0x50: {  	[spmem:s3] =	stream.indirect.scatter.add.f32 [tilespmem:s16], [sflag:$0x3], $0x80, s0, s14, $0xb8;
	[tilespmem:$0x1F780] =	vst v63  }
0x51: {  	_ =	swait.ge [sflag:s11], $0x2800  }
0x52: {  	[sflag:s11] =	ssyncset.done $0x0  }
0x53: {  	s0 =	sadd.s32 $0xF0, s2;
	[sflag:s11] =	ssyncadd.s32 $0xFFFFD800  }
0x54: {  	[tilespmem:s16], [sflag:$0x2] =	stream.indirect.gather [hbm4b:s1+s14], $0x80, s0, s14, $0xb8;
	[tilespmem:$0x1F780] =	vst v63  }
0x55: {  	_ =	swait.ge [sflag:s17], $0x2800  }
0x56: {  	[sflag:s17] =	ssyncset.done $0x0  }
0x57: {  	s0 =	sadd.s32 $0x100, s31;
	[sflag:s17] =	ssyncadd.s32 $0xFFFFD800  }
0x58: {  	[spmem:s3] =	stream.indirect.scatter.add.f32 [tilespmem:s15], [sflag:$0x3], $0x80, s0, s14, $0xb8;
	[tilespmem:$0x1F780] =	vst v63  }
0x59: {  	_ =	swait.ge [sflag:s11], $0x2800  }
0x5a: {  	[sflag:s11] =	ssyncset.done $0x0  }
0x5b: {  	s0 =	sadd.s32 $0x140, s2;
	[sflag:s11] =	ssyncadd.s32 $0xFFFFD800  }
0x5c: {  	[tilespmem:s15], [sflag:$0x1] =	stream.indirect.gather [hbm4b:s1+s14], $0x80, s0, s14, $0xb8;
	[tilespmem:$0x1F780] =	vst v63  }
0x5d: {  	_ =	swait.ge [sflag:s18], $0x2800  }
0x5e: {  	[sflag:s18] =	ssyncset.done $0x0  }
.Ltmp0:
0x5f: {  	s0 =	sadd.s32 $0x180, s31;
	[sflag:s18] =	ssyncadd.s32 $0xFFFFD800;
	(pc) =	sbr.rel @p0 .LBB2_2-.Ltmp0, $4  }
0x60: {  	[spmem:s3] =	stream.indirect.scatter.add.f32 [tilespmem:s16], [sflag:$0x3], $0x80, s0, s14, $0xb8;
	[tilespmem:$0x1F780] =	vst v63  }
0x61: {  	_ =	swait.ge [sflag:s11], $0x2800  }
0x62: {  	[sflag:s11] =	ssyncset.done $0x0  }
0x63: {  	s2 =	sadd.s32 $0x190, s2;
	s31 =	sadd.s32 $0x200, s31;
	[sflag:s11] =	ssyncadd.s32 $0xFFFFD800  }
0x64: {  	[tilespmem:s16], [sflag:$0x2] =	stream.indirect.gather [hbm4b:s1+s14], $0x80, s2, s14, $0xb8;
	[tilespmem:$0x1F780] =	vst v63  }
0x65: {  	_ =	swait.ge [sflag:s17], $0x2800  }
0x66: {  	[sflag:s17] =	ssyncset.done $0x0  }
0x67: {  	[sflag:s17] =	ssyncadd.s32 $0xFFFFD800  }
0x68: {  	[spmem:s3] =	stream.indirect.scatter.add.f32 [tilespmem:s15], [sflag:$0x3], $0x80, s19, s14, $0xb8;
	[tilespmem:$0x1F780] =	vst v63  }
0x69: {  	_ =	swait.ge [sflag:s11], $0x2800  }
0x6a: {  	[sflag:s11] =	ssyncset.done $0x0  }
0x6b: {  	[sflag:s11] =	ssyncadd.s32 $0xFFFFD800  }
0x6c: {  	[tilespmem:s15], [sflag:$0x1] =	stream.indirect.gather [hbm4b:s1+s14], $0x80, s20, s14, $0xb8;
	[tilespmem:$0x1F780] =	vst v63  }
0x6d: {  	_ =	swait.ge [sflag:s18], $0x2800  }
0x6e: {  	[sflag:s18] =	ssyncset.done $0x0  }
0x6f: {  	[sflag:s18] =	ssyncadd.s32 $0xFFFFD800  }
0x70: {  	[spmem:s3] =	stream.indirect.scatter.add.f32 [tilespmem:s16], [sflag:$0x3], $0x80, s21, s14, $0xb8;
	[tilespmem:$0x1F780] =	vst v63  }
0x71: {  	_ =	swait.ge [sflag:s11], $0x2800  }
0x72: {  	[sflag:s11] =	ssyncset.done $0x0  }
0x73: {  	[sflag:s11] =	ssyncadd.s32 $0xFFFFD800  }
0x74: {  	[tilespmem:s16], [sflag:$0x2] =	stream.indirect.gather [hbm4b:s1+s14], $0x80, s22, s14, $0xb8;
	[tilespmem:$0x1F780] =	vst v63  }
0x75: {  	_ =	swait.ge [sflag:s17], $0x2800  }
0x76: {  	[sflag:s17] =	ssyncset.done $0x0  }
0x77: {  	[sflag:s17] =	ssyncadd.s32 $0xFFFFD800  }
0x78: {  	[spmem:s3] =	stream.indirect.scatter.add.f32 [tilespmem:s15], [sflag:$0x3], $0x80, s23, s14, $0xb8;
	[tilespmem:$0x1F780] =	vst v63  }
0x79: {  	_ =	swait.ge [sflag:s11], $0x2800  }
0x7a: {  	[sflag:s11] =	ssyncset.done $0x0  }
0x7b: {  	[sflag:s11] =	ssyncadd.s32 $0xFFFFD800  }
0x7c: {  	[tilespmem:s15], [sflag:$0x1] =	stream.indirect.gather [hbm4b:s1+s14], $0x80, s25, s14, $0xb8;
	[tilespmem:$0x1F780] =	vst v63  }
0x7d: {  	_ =	swait.ge [sflag:s18], $0x2800  }
0x7e: {  	[sflag:s18] =	ssyncset.done $0x0  }
0x7f: {  	[sflag:s18] =	ssyncadd.s32 $0xFFFFD800  }
0x80: {  	[spmem:s3] =	stream.indirect.scatter.add.f32 [tilespmem:s16], [sflag:$0x3], $0x80, s26, s14, $0xb8;
	[tilespmem:$0x1F780] =	vst v63  }
0x81: {  	_ =	swait.ge [sflag:s11], $0x2800  }
0x82: {  	[sflag:s11] =	ssyncset.done $0x0  }
0x83: {  	[sflag:s11] =	ssyncadd.s32 $0xFFFFD800  }
0x84: {  	_ =	swait.ge [sflag:s17], $0x2800  }
0x85: {  	[sflag:s17] =	ssyncset.done $0x0  }
0x86: {  	[sflag:s17] =	ssyncadd.s32 $0xFFFFD800  }
0x87: {  	[spmem:s3] =	stream.indirect.scatter.add.f32 [tilespmem:s15], [sflag:$0x3], $0x80, s28, s14, $0xb8;
	[tilespmem:$0x1F780] =	vst v63  }
0x88: {  	_ =	swait.ge [sflag:s11], $0x2800  }
0x89: {  	s29 =	sadd.s32 $0x1, s29;
	[sflag:s11] =	ssyncset.done $0x0  }
0x8a: {  	p0 =	sne.s32 s29, s8;
	[sflag:s11] =	ssyncadd.s32 $0xFFFFD800  }
.Ltmp1:
0x8b: {  	[bflag:$0x0] =	sbarrier.arrive $0xFFFF;
	(pc) =	sbr.rel @p0 .LBB2_1-.Ltmp1, $4  }
0x8c: {  	[hbm:s24], [sflag:s12] =	dma.local [spmem:s13], $0x2800  }
0x8d: {  	_ =	swait.ge [sflag:s11], $0x2800  }
0x8e: {  	[sflag:s11] =	ssyncset.done $0x0  }
0x8f: {  	[sflag:s11] =	ssyncadd.s32 $0xFFFFD800  }
0x90: {  	_ =	sfence.sel $0x180000  }
0x91: {  	[bflag:$0x0] =	sbarrier.arrive $0xFFFF  }
0x92: {  	_ =	strace $0x9000004A  }
0x93: {  	s0 =	stileid.u32;
	[bflag:$0x2] =	sbarrier.arrive $0xFFFF  }
0x94: {  	p0 =	sne.s32 s0, $0x0;
	s0 =	rddreg [dreg:$0x3]  }
0x95: {  	s0 =	sadd.s32 @!p0 $0x100000, s0  }
0x96: {  	[sflag:s0] =	ssyncadd.tile.s32 @!p0 $0x1;
	_ =	shalt  }
.Lfunc_end2:
_tile_overlayer_lowered:
.L_overlay_start_2:
0x97: {  	(tag) =	ssettag $0x2  }
0x98: {  	s0 =	rddreg [dreg:$0x0];
	s2 =	stileid.u32  }
0x99: {  	s1 =	rddreg [dreg:$0x1];
	p0 =	sne.s32 s2, $0x0  }
0x9a: {  	s3 =	rddreg [dreg:$0x2];
	[bflag:$0x3] =	sbarrier.arrive $0xFFFF;
	s2 =	simm.s32 @!p0 $0x1C03  }
0x9b: {  	[timem:s3], [sflag:s2] =	dma.local @!p0 [hbm:s0], s1  }
0x9c: {  	s0 =	simm.s32 @!p0 $0x3  }
0x9d: {  	_ =	swait.ge @!p0 [sflag:s0], s1  }
0x9e: {  	s1 =	ssub.s32 @!p0 $0x0, s1;
	[sflag:s0] =	ssyncset.done @!p0 $0x0  }
0x9f: {  	[sflag:s0] =	ssyncadd.s32 @!p0 s1  }
0xa0: {  	[bflag:$0x3] =	sbarrier.arrive $0xFFFF  }
0xa1: {  	_ =	shalt  }

// kernel: kernel.15.cloned.1.call-start
scs
__scs_entry_jumppad:
0x0: {  	(pc) =	sbr.rel $0x88, $3  }
0x1: {  	(tag) =	ssettag $0x0;
	lr =	simm.s32 $0x1  }
0x2: {  	[smem:$0x3F99] =	sst lr;
	_ =	strace $0xD0000000  }
0x3: {  	_ = 	snop  }
0x4: {  	_ = 	snop  }
0x5: {  	_ = 	snop  }
0x6: {  	_ = 	snop  }
0x7: {  	_ = 	snop  }
__scs_overlays_trampoline_lowered:
0x8: {  	[smem:$0x3FA8] =	sst s0  }
0x9: {  	[smem:$0x3FA9] =	sst s1  }
0xa: {  	[smem:$0x3FAA] =	sst s2  }
0xb: {  	[smem:$0x3FAB] =	sst s3  }
0xc: {  	[smem:$0x3FAC] =	sst s4  }
0xd: {  	[smem:$0x3FAD] =	sst s5  }
0xe: {  	[smem:$0x3FAE] =	sst s6  }
0xf: {  	[smem:$0x3FAF] =	sst s7  }
0x10: {  	[smem:$0x3FB0] =	sst s8  }
0x11: {  	[smem:$0x3FB1] =	sst s9;
	s0 =	simm.s32 @!p0 $0x0  }
0x12: {  	s1 =	sld [smem:$0x3F97];
	s0 =	simm.s32 @p0 $0x1  }
0x13: {  	[smem:$0x3FB2] =	sst s0;
	s0 =	simm.s32 @!p1 $0x0  }
0x14: {  	s2 =	sld [smem:$0x3F96];
	s0 =	simm.s32 @p1 $0x1  }
0x15: {  	[smem:$0x3FB3] =	sst s0;
	s0 =	simm.s32 @!p2 $0x0  }
0x16: {  	s3 =	sld [smem:$0x3FDB];
	s0 =	simm.s32 @p2 $0x1  }
0x17: {  	s4 =	simm.s32 $0x1BF5;
	[smem:$0x3FB5] =	sst s0  }
0x18: {  	s0 =	sld [smem:$0x3F98];
	_ =	swait.ge [sflag:s4], $0x0  }
0x19: {  	s7 =	sld [smem:$0x3F99]  }
0x1a: {  	s8 =	sadd.s32 $0xFFFFE003, lr  }
0x1b: {  	s9 =	sadd.s32 $0xFFFFFEF7, lr;
	s5 =	simm.s32 $0xFFFFFFFF;
	p2 =	slt.u32 s8, $0xFFFFF086  }
0x1c: {  	p1 =	slt.u32 s9, $0xF7A;
	s5 =	simm.s32 @!p2 $0x0  }
0x1d: {  	s5 =	simm.s32 @p1 $0x1;
	p0 =	seq.s32 s7, s2  }
0x1e: {  	s7 =	smul.u32 @!p0 $0xF7A, s2;
	p2 =	seq.s32 @!p0 s5, $0x0  }
0x1f: {  	s9 =	smul.u32 $0xF7A, s1;
	s8 =	simm.s32 @!p0 $0x1BF5;
	p2 =	por !p2, p0  }
0x20: {  	[sflag:s8] =	ssyncset.s32 @!p0 $0xFFFFF086;
	s6 =	sadd.s32 @!p0 s3, s7;
	s7 =	simm.s32 @!p0 $0x108  }
0x21: {  	s3 =	sadd.s32 s3, s9;
	s6 =	sadd.s32 @!p0 $0x88, s6;
	s7 =	simm.s32 @p2 $0x1082  }
0x22: {  	[simem:s7], [sflag:s8] =	dma.local @!p0 [hbm:s6], $0xF7A  }
0x23: {  	s9 =	sor.u32 $0xD0000000, s2;
	s6 =	simm.s32 $0x108;
	_ =	swait.ge @!p0 [sflag:s8], $0x0  }
0x24: {  	s3 =	sadd.s32 $0x88, s3;
	s6 =	simm.s32 @!p1 $0x1082;
	[sflag:s4] =	ssyncset.s32 $0xFFFFF086  }
0x25: {  	[simem:s6], [sflag:s4] =	dma.local [hbm:s3], $0xF7A  }
0x26: {  	[smem:$0x3F99] =	sst s1;
	(tag) =	ssettag s2;
	_ =	strace s9  }
0x27: {  	s1 =	sld [smem:$0x3FA9]  }
0x28: {  	s2 =	sld [smem:$0x3FAA]  }
0x29: {  	s4 =	sld [smem:$0x3FAC]  }
0x2a: {  	p0 =	seq.s32 s5, $0x0;
	s5 =	sld [smem:$0x3FAD]  }
0x2b: {  	s6 =	sld [smem:$0x3FAE]  }
0x2c: {  	s7 =	sld [smem:$0x3FAF]  }
0x2d: {  	s3 =	simm.s32 $0x108;
	s8 =	sld [smem:$0x3FB0]  }
0x2e: {  	s3 =	simm.s32 @!p0 $0x1082;
	s9 =	sld [smem:$0x3FB1]  }
0x2f: {  	lr =	sadd.s32 s0, s3;
	s0 =	sld [smem:$0x3FA8]  }
0x30: {  	s3 =	sld [smem:$0x3FAB]  }
0x31: {  	[smem:$0x3FB4] =	sst s10  }
0x32: {  	s10 =	sld [smem:$0x3FB2];
	_ =	sdelay $0x3  }
0x33: {  	p0 =	seq.s32 s10, $0x1;
	s10 =	sld [smem:$0x3FB4];
	_ =	sdelay $0x3  }
0x34: {  	[smem:$0x3FB4] =	sst s10  }
0x35: {  	s10 =	sld [smem:$0x3FB3];
	_ =	sdelay $0x3  }
0x36: {  	p1 =	seq.s32 s10, $0x1;
	s10 =	sld [smem:$0x3FB4];
	_ =	sdelay $0x3  }
0x37: {  	[smem:$0x3FB4] =	sst s10  }
0x38: {  	s10 =	sld [smem:$0x3FB5]  }
0x39: {  	_ = 	snop;
	(pc) =	sbr.ind lr, $3  }
0x3a: {  	_ = 	snop  }
0x3b: {  	_ = 	snop  }
0x3c: {  	p2 =	seq.s32 s10, $0x1;
	s10 =	sld [smem:$0x3FB4]  }
0x3d: {  	_ =	shalt  }
0x3e: {  	_ =	shalt  }
0x3f: {  	_ =	shalt  }
0x40: {  	_ =	shalt  }
0x41: {  	_ =	shalt  }
0x42: {  	_ =	shalt  }
0x43: {  	_ =	shalt  }
0x44: {  	_ =	shalt  }
0x45: {  	_ =	shalt  }
0x46: {  	_ =	shalt  }
0x47: {  	_ =	shalt  }
0x48: {  	_ =	shalt  }
0x49: {  	_ =	shalt  }
0x4a: {  	_ =	shalt  }
0x4b: {  	_ =	shalt  }
0x4c: {  	_ =	shalt  }
0x4d: {  	_ =	shalt  }
0x4e: {  	_ =	shalt  }
0x4f: {  	_ =	shalt  }
0x50: {  	_ =	shalt  }
0x51: {  	_ =	shalt  }
0x52: {  	_ =	shalt  }
0x53: {  	_ =	shalt  }
0x54: {  	_ =	shalt  }
0x55: {  	_ =	shalt  }
0x56: {  	_ =	shalt  }
0x57: {  	_ =	shalt  }
0x58: {  	_ =	shalt  }
0x59: {  	_ =	shalt  }
0x5a: {  	_ =	shalt  }
0x5b: {  	_ =	shalt  }
0x5c: {  	_ =	shalt  }
0x5d: {  	_ =	shalt  }
0x5e: {  	_ =	shalt  }
0x5f: {  	_ =	shalt  }
0x60: {  	_ =	shalt  }
0x61: {  	_ =	shalt  }
0x62: {  	_ =	shalt  }
0x63: {  	_ =	shalt  }
0x64: {  	_ =	shalt  }
0x65: {  	_ =	shalt  }
0x66: {  	_ =	shalt  }
0x67: {  	_ =	shalt  }
0x68: {  	_ =	shalt  }
0x69: {  	_ =	shalt  }
0x6a: {  	_ =	shalt  }
0x6b: {  	_ =	shalt  }
0x6c: {  	_ =	shalt  }
0x6d: {  	_ =	shalt  }
0x6e: {  	_ =	shalt  }
0x6f: {  	_ =	shalt  }
0x70: {  	_ =	shalt  }
0x71: {  	_ =	shalt  }
0x72: {  	_ =	shalt  }
0x73: {  	_ =	shalt  }
0x74: {  	_ =	shalt  }
0x75: {  	_ =	shalt  }
0x76: {  	_ =	shalt  }
0x77: {  	_ =	shalt  }
0x78: {  	_ =	shalt  }
0x79: {  	_ =	shalt  }
0x7a: {  	_ =	shalt  }
0x7b: {  	_ =	shalt  }
0x7c: {  	_ =	shalt  }
0x7d: {  	_ =	shalt  }
0x7e: {  	_ =	shalt  }
0x7f: {  	_ =	shalt  }
0x80: {  	_ =	shalt  }
0x81: {  	_ =	shalt  }
0x82: {  	_ =	shalt  }
0x83: {  	_ =	shalt  }
0x84: {  	_ =	shalt  }
0x85: {  	_ =	shalt  }
0x86: {  	_ =	shalt  }
0x87: {  	_ =	shalt  }
.Lfunc_end0:
.L_simem_size_0:
called_computation.2_lowered:
.L_overlay_start_0:
0x88: {  	s2 =	sld [smem:$0x3FD9]  }
0x89: {  	s3 =	sld [smem:$0x3FFE];
	_ =	sdelay $0x1  }
0x8a: {  	s1 =	srdreg.scid  }
0x8b: {  	s0 =	sand.u32 $0x1, s1  }
0x8c: {  	s17 =	sshll.u32 s0, $0xA;
	s2 =	sadd.s32 s3, s2  }
0x8d: {  	s2 =	sadd.s32 s2, s17  }
0x8e: {  	[smem:$0x3FC0] =	sst s2  }
0x8f: {  	_ = 	snop  }
0x90: {  	s2 =	sld [smem:$0x3FD0];
	(tm) =	ssettm $0x1  }
0x91: {  	s18 =	sld [smem:$0x3FFB];
	_ =	sdelay $0x3  }
0x92: {  	_ =	strace s18  }
0x93: {  	s3 =	sld [smem:$0x3FFC];
	_ =	sdelay $0x3  }
0x94: {  	_ =	strace s3  }
0x95: {  	s3 =	sld [smem:$0x3FFD];
	_ =	sdelay $0x3  }
0x96: {  	_ =	strace s3  }
0x97: {  	_ =	strace $0x8FFFFFFF  }
0x98: {  	s19 =	sld [smem:$0x3FDB];
	_ =	sdelay $0x1  }
0x99: {  	s4 =	simm.s32 $_scs_section_size  }
0x9a: {  	s5 =	simm.s32 $_size__tile_overlayer_lowered;
	s6 =	simm.s32 $_tile_overlayer_lowered  }
0x9b: {  	s22 =	simm.s32 $0x1BFF;
	s21 =	sshll.u32 s6, $0x1;
	s3 =	sadd.s32 s4, s19  }
0x9c: {  	s7 =	simm.s32 $0x0;
	s20 =	sshll.u32 s5, $0x1;
	s5 =	sadd.s32 s21, s3  }
0x9d: {  	[timem:s7], [sflag:s22] =	dma.local [hbm:s5], s20  }
0x9e: {  	_ =	swait.ge [sflag:s22], s20  }
0x9f: {  	s4 =	ssub.s32 $0x0, s20;
	[sflag:s22] =	ssyncset.done $0x0  }
0xa0: {  	[sflag:s22] =	ssyncadd.s32 s4;
	_ =	sdelay $0x1  }
0xa1: {  	s23 =	simm.s32 $0x1B8B  }
0xa2: {  	_ =	swait.ge [sflag:s23], $0x1  }
0xa3: {  	[sflag:s23] =	ssyncset.done $0x0  }
0xa4: {  	s25 =	simm.s32 $0x1B8E;
	s24 =	sld [smem:$0x3FFE];
	[sflag:s23] =	ssyncadd.s32 $0xFFFFFFFF  }
0xa5: {  	s26 =	simm.s32 $execute0_lowered;
	[smem:$0x3FD2] =	sst s25  }
0xa6: {  	s5 =	sshll.u32 s26, $0x1;
	_ =	strace $0x8000004C;
	[dreg:$0x1] =	wrdreg $0xFFFFFFFF  }
0xa7: {  	s28 =	simm.s32 $_size_execute0_lowered;
	s3 =	sadd.s32 s3, s5;
	[dreg:$0x0] =	wrdreg $0x0  }
0xa8: {  	s5 =	sshll.u32 s28, $0x1;
	[dreg:$0x2] =	wrdreg s3  }
0xa9: {  	[dreg:$0x3] =	wrdreg s5  }
0xaa: {  	[dreg:$0x4] =	wrdreg $0xC0  }
0xab: {  	_ =	task [dreg:s7], $0x5FFFF  }
0xac: {  	[dreg:$0x1] =	wrdreg $0xFFFFFFFF  }
0xad: {  	[dreg:$0x0] =	wrdreg $0x60  }
0xae: {  	[dreg:$0x2] =	wrdreg s2  }
0xaf: {  	[dreg:$0x3] =	wrdreg s24  }
0xb0: {  	[dreg:$0x4] =	wrdreg $0xB7800  }
0xb1: {  	[dreg:$0x5] =	wrdreg $0x9  }
0xb2: {  	_ =	task.clear_ibuf [dreg:s7], $0x6FFFF;
	_ =	strace $0x9000004C  }
0xb3: {  	s29 =	simm.s32 $0x9;
	_ =	strace $0x8000004E  }
0xb4: {  	_ =	swait.ge [sflag:s29], $0x1  }
0xb5: {  	[sflag:s29] =	ssyncadd.s32 $0xFFFFFFFF  }
0xb6: {  	_ =	strace $0x9000004E  }
0xb7: {  	_ =	sfence  }
0xb8: {  	s30 =	sld [smem:$0x0];
	_ =	sdelay $0x2  }
0xb9: {  	s31 =	sshll.u32 s1, $0xD;
	s1 =	sshrl.u32 s1, $0x2  }
0xba: {  	s3 =	sand.u32 $0x4000, s31;
	s1 =	sadd.s32 s1, s30  }
0xbb: {  	s0 =	sor.u32 s3, s0;
	s1 =	sshll.u32 s1, $0x11  }
0xbc: {  	s0 =	sor.u32 s1, s0  }
0xbd: {  	s0 =	sadd.s32 $0x8F2B, s0  }
0xbe: {  	[sflag:s0] =	ssyncadd.remote.s32 $0x1  }
0xbf: {  	_ =	sfence.sel $0xFFFF  }
0xc0: {  	[dreg:$0x0] =	wrdreg $0xFFFFFFFF;
	(pc) =	sbr.abs _section_cstart, $3  }
0xc1: {  	[dreg:$0x1] =	wrdreg $0xFFFFFFFF  }
0xc2: {  	_ =	task.clear_ibuf [dreg:s7], $0x2FFFF;
	_ =	strace $0x9FFFFFFF  }
0xc3: {  	(tm) =	ssettm $0x7FFFFFFF  }
tec
execute0_lowered:
.L_overlay_start_1:
0x0: {  	(tag) =	ssettag $0x1  }
0x1: {  	s0 =	srdreg.scid  }
0x2: {  	s26 =	stileid.u32;
	s6 =	rddreg [dreg:$0x1];
	s14 =	simm.s32 $0x50  }
0x3: {  	s15 =	simm.s32 $0x6780;
	s16 =	simm.s32 $0x8F80;
	s17 =	simm.s32 $0x1  }
0x4: {  	s18 =	simm.s32 $0x2;
	s19 =	simm.s32 $0x6380;
	s20 =	simm.s32 $0x2620  }
0x5: {  	s21 =	simm.s32 $0x6400;
	s22 =	simm.s32 $0x2670;
	s23 =	simm.s32 $0x6480  }
0x6: {  	s28 =	simm.s32 $0x6580;
	s29 =	simm.s32 $0x0;
	s9 =	smul.u32 $0x50000, s26  }
0x7: {  	s2 =	sand.u32 $0x1, s0;
	s4 =	sshll.u32 s26, $0x7;
	s25 =	smul.u32 $0x2800, s26  }
0x8: {  	s31 =	sshll.u32 s26, $0x6;
	s1 =	sshll.u32 s2, $0x4;
	s8 =	sand.u32 $0x380, s4  }
0x9: {  	s4 =	simm.s32 $0x0;
	s30 =	smul.u32 $0x28000, s2;
	s2 =	ssub.s32 $0x2, s2  }
0xa: {  	s12 =	sor.u32 $0x1C03, s31;
	s5 =	sor.u32 s26, s1;
	s1 =	rddreg [dreg:$0x0]  }
0xb: {  	[smem:$0x7FF] =	sst s4;
	s11 =	sshrl.u32 s2, $0x1;
	s9 =	sshrl.u32 s9, $0x2  }
0xc: {  	s26 =	simm.s32 $0x6500;
	s3 =	sshrl.u32 s5, $0x3;
	s5 =	sshll.u32 s5, $0xB  }
0xd: {  	s2 =	ssub.s32 s2, s11;
	s11 =	simm.s32 $0x3;
	s7 =	smul.u32 $0x13C00, s3  }
0xe: {  	s3 =	rddreg [dreg:$0x2];
	_ =	strace $0x8000004D;
	s10 =	sadd.s32 s5, s6  }
0xf: {  	s5 =	sadd.s32 $0x1BC00, s6;
	s13 =	sadd.s32 s9, s3;
	s9 =	simm.s32 $0x80  }
0x10: {  	s7 =	sor.u32 s8, s7;
	s8 =	sadd.s32 s30, s6;
	s13 =	sshrl.u32 s13, $0x3  }
0x11: {  	s7 =	sshrl.u32 s7, $0x3;
	s24 =	sadd.s32 $0x1E400, s8;
	s8 =	smax.u32 s2, $0x1  }
0x12: {  	s7 =	sadd.s32 s7, s6;
	s24 =	sadd.s32 s25, s24;
	s25 =	simm.s32 $0x26C0  }
0x13: {  	s6 =	sadd.s32 $0x11E00, s7;
	s7 =	sadd.s32 $0x1E00, s10;
	s10 =	simm.s32 $0x400  }
.LBB2_1:
0x14: {  	[tilespmem:s4], [sflag:$0x3] =	stream.strided.gather [hbm4b:s6+s9], $0x2780, s10, s9, $0x38;
	[tilespmem:$0x1F780] =	vst v63  }
0x15: {  	_ =	swait.ge [sflag:s11], $0x2780  }
0x16: {  	[sflag:s11] =	ssyncset.done $0x0  }
0x17: {  	s2 =	simm.s32 $0x2780;
	[sflag:s11] =	ssyncadd.s32 $0xFFFFD880  }
0x18: {  	[tilespmem:s2], [sflag:$0x3] =	stream.linear.gather [hbm4b:s7+s4], $0x3E80, $0x38;
	[tilespmem:$0x1F780] =	vst v63  }
0x19: {  	_ =	swait.ge [sflag:s11], $0x3E80  }
0x1a: {  	[sflag:s11] =	ssyncset.done $0x0  }
0x1b: {  	[sflag:s11] =	ssyncadd.s32 $0xFFFFC180  }
0x1c: {  	[spmem:s13], [sflag:s12] =	dma.local [hbm:s5], $0x2800  }
0x1d: {  	_ =	swait.ge [sflag:s11], $0x2800  }
0x1e: {  	[sflag:s11] =	ssyncset.done $0x0  }
0x1f: {  	[sflag:s11] =	ssyncadd.s32 $0xFFFFD800  }
0x20: {  	[bflag:$0x0] =	sbarrier.arrive $0xFFFF  }
0x21: {  	[tilespmem:s15], [sflag:$0x1] =	stream.indirect.gather [hbm4b:s1+s14], $0x80, s4, s14, $0xb8;
	[tilespmem:$0x1F780] =	vst v63  }
0x22: {  	_ = 	snop  }
0x23: {  	[tilespmem:s16], [sflag:$0x2] =	stream.indirect.gather [hbm4b:s1+s14], $0x80, s14, s14, $0xb8;
	[tilespmem:$0x1F780] =	vst v63  }
0x24: {  	_ =	swait.ge [sflag:s17], $0x2800  }
0x25: {  	[sflag:s17] =	ssyncset.done $0x0  }
0x26: {  	[sflag:s17] =	ssyncadd.s32 $0xFFFFD800  }
0x27: {  	[spmem:s3] =	stream.indirect.scatter.add.f32 [tilespmem:s15], [sflag:$0x3], $0x80, s2, s14, $0xb8;
	[tilespmem:$0x1F780] =	vst v63  }
0x28: {  	_ =	swait.ge [sflag:s11], $0x2800  }
0x29: {  	[sflag:s11] =	ssyncset.done $0x0  }
0x2a: {  	s0 =	simm.s32 $0xA0;
	[sflag:s11] =	ssyncadd.s32 $0xFFFFD800  }
0x2b: {  	[tilespmem:s15], [sflag:$0x1] =	stream.indirect.gather [hbm4b:s1+s14], $0x80, s0, s14, $0xb8;
	[tilespmem:$0x1F780] =	vst v63  }
0x2c: {  	_ =	swait.ge [sflag:s18], $0x2800  }
0x2d: {  	[sflag:s18] =	ssyncset.done $0x0  }
0x2e: {  	s0 =	simm.s32 $0x2800;
	[sflag:s18] =	ssyncadd.s32 $0xFFFFD800  }
0x2f: {  	[spmem:s3] =	stream.indirect.scatter.add.f32 [tilespmem:s16], [sflag:$0x3], $0x80, s0, s14, $0xb8;
	[tilespmem:$0x1F780] =	vst v63  }
0x30: {  	_ =	swait.ge [sflag:s11], $0x2800  }
0x31: {  	[sflag:s11] =	ssyncset.done $0x0  }
0x32: {  	s0 =	simm.s32 $0xF0;
	[sflag:s11] =	ssyncadd.s32 $0xFFFFD800  }
0x33: {  	[tilespmem:s16], [sflag:$0x2] =	stream.indirect.gather [hbm4b:s1+s14], $0x80, s0, s14, $0xb8;
	[tilespmem:$0x1F780] =	vst v63  }
0x34: {  	_ =	swait.ge [sflag:s17], $0x2800  }
0x35: {  	[sflag:s17] =	ssyncset.done $0x0  }
0x36: {  	s0 =	simm.s32 $0x2880;
	[sflag:s17] =	ssyncadd.s32 $0xFFFFD800  }
0x37: {  	[spmem:s3] =	stream.indirect.scatter.add.f32 [tilespmem:s15], [sflag:$0x3], $0x80, s0, s14, $0xb8;
	[tilespmem:$0x1F780] =	vst v63  }
0x38: {  	_ =	swait.ge [sflag:s11], $0x2800  }
0x39: {  	[sflag:s11] =	ssyncset.done $0x0  }
0x3a: {  	s0 =	simm.s32 $0x140;
	[sflag:s11] =	ssyncadd.s32 $0xFFFFD800  }
0x3b: {  	[tilespmem:s15], [sflag:$0x1] =	stream.indirect.gather [hbm4b:s1+s14], $0x80, s0, s14, $0xb8;
	[tilespmem:$0x1F780] =	vst v63  }
0x3c: {  	_ =	swait.ge [sflag:s18], $0x2800  }
0x3d: {  	[sflag:s18] =	ssyncset.done $0x0  }
0x3e: {  	s0 =	simm.s32 $0x2900;
	[sflag:s18] =	ssyncadd.s32 $0xFFFFD800  }
0x3f: {  	[spmem:s3] =	stream.indirect.scatter.add.f32 [tilespmem:s16], [sflag:$0x3], $0x80, s0, s14, $0xb8;
	[tilespmem:$0x1F780] =	vst v63  }
0x40: {  	_ =	swait.ge [sflag:s11], $0x2800  }
0x41: {  	s30 =	simm.s32 $0x500;
	[sflag:s11] =	ssyncset.done $0x0  }
0x42: {  	s31 =	simm.s32 $0x2980;
	s2 =	simm.s32 $0x190;
	[sflag:s11] =	ssyncadd.s32 $0xFFFFD800  }
.LBB2_2:
0x43: {  	[tilespmem:s16], [sflag:$0x2] =	stream.indirect.gather [hbm4b:s1+s14], $0x80, s2, s14, $0xb8;
	[tilespmem:$0x1F780] =	vst v63  }
0x44: {  	s2 =	smov.u32 s30  }
0x45: {  	p0 =	sne.s32 s30, $0x9100;
	s30 =	sadd.s32 $0x500, s30;
	_ =	swait.ge [sflag:s17], $0x2800  }
0x46: {  	[sflag:s17] =	ssyncset.done $0x0  }
0x47: {  	[sflag:s17] =	ssyncadd.s32 $0xFFFFD800  }
0x48: {  	[spmem:s3] =	stream.indirect.scatter.add.f32 [tilespmem:s15], [sflag:$0x3], $0x80, s31, s14, $0xb8;
	[tilespmem:$0x1F780] =	vst v63  }
0x49: {  	_ =	swait.ge [sflag:s11], $0x2800  }
0x4a: {  	s2 =	sshra.s32 s2, $0x2;
	[sflag:s11] =	ssyncset.done $0x0  }
0x4b: {  	s0 =	sadd.s32 $0xA0, s2;
	[sflag:s11] =	ssyncadd.s32 $0xFFFFD800  }
0x4c: {  	[tilespmem:s15], [sflag:$0x1] =	stream.indirect.gather [hbm4b:s1+s14], $0x80, s0, s14, $0xb8;
	[tilespmem:$0x1F780] =	vst v63  }
0x4d: {  	_ =	swait.ge [sflag:s18], $0x2800  }
0x4e: {  	[sflag:s18] =	ssyncset.done $0x0  }
0x4f: {  	s0 =	sadd.s32 $0x80, s31;
	[sflag:s18] =	ssyncadd.s32 $0xFFFFD800  }
0x50: {  	[spmem:s3] =	stream.indirect.scatter.add.f32 [tilespmem:s16], [sflag:$0x3], $0x80, s0, s14, $0xb8;
	[tilespmem:$0x1F780] =	vst v63  }
0x51: {  	_ =	swait.ge [sflag:s11], $0x2800  }
0x52: {  	[sflag:s11] =	ssyncset.done $0x0  }
0x53: {  	s0 =	sadd.s32 $0xF0, s2;
	[sflag:s11] =	ssyncadd.s32 $0xFFFFD800  }
0x54: {  	[tilespmem:s16], [sflag:$0x2] =	stream.indirect.gather [hbm4b:s1+s14], $0x80, s0, s14, $0xb8;
	[tilespmem:$0x1F780] =	vst v63  }
0x55: {  	_ =	swait.ge [sflag:s17], $0x2800  }
0x56: {  	[sflag:s17] =	ssyncset.done $0x0  }
0x57: {  	s0 =	sadd.s32 $0x100, s31;
	[sflag:s17] =	ssyncadd.s32 $0xFFFFD800  }
0x58: {  	[spmem:s3] =	stream.indirect.scatter.add.f32 [tilespmem:s15], [sflag:$0x3], $0x80, s0, s14, $0xb8;
	[tilespmem:$0x1F780] =	vst v63  }
0x59: {  	_ =	swait.ge [sflag:s11], $0x2800  }
0x5a: {  	[sflag:s11] =	ssyncset.done $0x0  }
0x5b: {  	s0 =	sadd.s32 $0x140, s2;
	[sflag:s11] =	ssyncadd.s32 $0xFFFFD800  }
0x5c: {  	[tilespmem:s15], [sflag:$0x1] =	stream.indirect.gather [hbm4b:s1+s14], $0x80, s0, s14, $0xb8;
	[tilespmem:$0x1F780] =	vst v63  }
0x5d: {  	_ =	swait.ge [sflag:s18], $0x2800  }
0x5e: {  	[sflag:s18] =	ssyncset.done $0x0  }
.Ltmp0:
0x5f: {  	s0 =	sadd.s32 $0x180, s31;
	[sflag:s18] =	ssyncadd.s32 $0xFFFFD800;
	(pc) =	sbr.rel @p0 .LBB2_2-.Ltmp0, $4  }
0x60: {  	[spmem:s3] =	stream.indirect.scatter.add.f32 [tilespmem:s16], [sflag:$0x3], $0x80, s0, s14, $0xb8;
	[tilespmem:$0x1F780] =	vst v63  }
0x61: {  	_ =	swait.ge [sflag:s11], $0x2800  }
0x62: {  	[sflag:s11] =	ssyncset.done $0x0  }
0x63: {  	s2 =	sadd.s32 $0x190, s2;
	s31 =	sadd.s32 $0x200, s31;
	[sflag:s11] =	ssyncadd.s32 $0xFFFFD800  }
0x64: {  	[tilespmem:s16], [sflag:$0x2] =	stream.indirect.gather [hbm4b:s1+s14], $0x80, s2, s14, $0xb8;
	[tilespmem:$0x1F780] =	vst v63  }
0x65: {  	_ =	swait.ge [sflag:s17], $0x2800  }
0x66: {  	[sflag:s17] =	ssyncset.done $0x0  }
0x67: {  	[sflag:s17] =	ssyncadd.s32 $0xFFFFD800  }
0x68: {  	[spmem:s3] =	stream.indirect.scatter.add.f32 [tilespmem:s15], [sflag:$0x3], $0x80, s19, s14, $0xb8;
	[tilespmem:$0x1F780] =	vst v63  }
0x69: {  	_ =	swait.ge [sflag:s11], $0x2800  }
0x6a: {  	[sflag:s11] =	ssyncset.done $0x0  }
0x6b: {  	[sflag:s11] =	ssyncadd.s32 $0xFFFFD800  }
0x6c: {  	[tilespmem:s15], [sflag:$0x1] =	stream.indirect.gather [hbm4b:s1+s14], $0x80, s20, s14, $0xb8;
	[tilespmem:$0x1F780] =	vst v63  }
0x6d: {  	_ =	swait.ge [sflag:s18], $0x2800  }
0x6e: {  	[sflag:s18] =	ssyncset.done $0x0  }
0x6f: {  	[sflag:s18] =	ssyncadd.s32 $0xFFFFD800  }
0x70: {  	[spmem:s3] =	stream.indirect.scatter.add.f32 [tilespmem:s16], [sflag:$0x3], $0x80, s21, s14, $0xb8;
	[tilespmem:$0x1F780] =	vst v63  }
0x71: {  	_ =	swait.ge [sflag:s11], $0x2800  }
0x72: {  	[sflag:s11] =	ssyncset.done $0x0  }
0x73: {  	[sflag:s11] =	ssyncadd.s32 $0xFFFFD800  }
0x74: {  	[tilespmem:s16], [sflag:$0x2] =	stream.indirect.gather [hbm4b:s1+s14], $0x80, s22, s14, $0xb8;
	[tilespmem:$0x1F780] =	vst v63  }
0x75: {  	_ =	swait.ge [sflag:s17], $0x2800  }
0x76: {  	[sflag:s17] =	ssyncset.done $0x0  }
0x77: {  	[sflag:s17] =	ssyncadd.s32 $0xFFFFD800  }
0x78: {  	[spmem:s3] =	stream.indirect.scatter.add.f32 [tilespmem:s15], [sflag:$0x3], $0x80, s23, s14, $0xb8;
	[tilespmem:$0x1F780] =	vst v63  }
0x79: {  	_ =	swait.ge [sflag:s11], $0x2800  }
0x7a: {  	[sflag:s11] =	ssyncset.done $0x0  }
0x7b: {  	[sflag:s11] =	ssyncadd.s32 $0xFFFFD800  }
0x7c: {  	[tilespmem:s15], [sflag:$0x1] =	stream.indirect.gather [hbm4b:s1+s14], $0x80, s25, s14, $0xb8;
	[tilespmem:$0x1F780] =	vst v63  }
0x7d: {  	_ =	swait.ge [sflag:s18], $0x2800  }
0x7e: {  	[sflag:s18] =	ssyncset.done $0x0  }
0x7f: {  	[sflag:s18] =	ssyncadd.s32 $0xFFFFD800  }
0x80: {  	[spmem:s3] =	stream.indirect.scatter.add.f32 [tilespmem:s16], [sflag:$0x3], $0x80, s26, s14, $0xb8;
	[tilespmem:$0x1F780] =	vst v63  }
0x81: {  	_ =	swait.ge [sflag:s11], $0x2800  }
0x82: {  	[sflag:s11] =	ssyncset.done $0x0  }
0x83: {  	[sflag:s11] =	ssyncadd.s32 $0xFFFFD800  }
0x84: {  	_ =	swait.ge [sflag:s17], $0x2800  }
0x85: {  	[sflag:s17] =	ssyncset.done $0x0  }
0x86: {  	[sflag:s17] =	ssyncadd.s32 $0xFFFFD800  }
0x87: {  	[spmem:s3] =	stream.indirect.scatter.add.f32 [tilespmem:s15], [sflag:$0x3], $0x80, s28, s14, $0xb8;
	[tilespmem:$0x1F780] =	vst v63  }
0x88: {  	_ =	swait.ge [sflag:s11], $0x2800  }
0x89: {  	s29 =	sadd.s32 $0x1, s29;
	[sflag:s11] =	ssyncset.done $0x0  }
0x8a: {  	p0 =	sne.s32 s29, s8;
	[sflag:s11] =	ssyncadd.s32 $0xFFFFD800  }
.Ltmp1:
0x8b: {  	[bflag:$0x0] =	sbarrier.arrive $0xFFFF;
	(pc) =	sbr.rel @p0 .LBB2_1-.Ltmp1, $4  }
0x8c: {  	[hbm:s24], [sflag:s12] =	dma.local [spmem:s13], $0x2800  }
0x8d: {  	_ =	swait.ge [sflag:s11], $0x2800  }
0x8e: {  	[sflag:s11] =	ssyncset.done $0x0  }
0x8f: {  	[sflag:s11] =	ssyncadd.s32 $0xFFFFD800  }
0x90: {  	_ =	sfence.sel $0x180000  }
0x91: {  	[bflag:$0x0] =	sbarrier.arrive $0xFFFF  }
0x92: {  	_ =	strace $0x9000004D  }
0x93: {  	s0 =	stileid.u32;
	[bflag:$0x2] =	sbarrier.arrive $0xFFFF  }
0x94: {  	p0 =	sne.s32 s0, $0x0;
	s0 =	rddreg [dreg:$0x3]  }
0x95: {  	s0 =	sadd.s32 @!p0 $0x100000, s0  }
0x96: {  	[sflag:s0] =	ssyncadd.tile.s32 @!p0 $0x1;
	_ =	shalt  }
.Lfunc_end2:
_tile_overlayer_lowered:
.L_overlay_start_2:
0x97: {  	(tag) =	ssettag $0x2  }
0x98: {  	s0 =	rddreg [dreg:$0x0];
	s2 =	stileid.u32  }
0x99: {  	s1 =	rddreg [dreg:$0x1];
	p0 =	sne.s32 s2, $0x0  }
0x9a: {  	s3 =	rddreg [dreg:$0x2];
	[bflag:$0x3] =	sbarrier.arrive $0xFFFF;
	s2 =	simm.s32 @!p0 $0x1C03  }
0x9b: {  	[timem:s3], [sflag:s2] =	dma.local @!p0 [hbm:s0], s1  }
0x9c: {  	s0 =	simm.s32 @!p0 $0x3  }
0x9d: {  	_ =	swait.ge @!p0 [sflag:s0], s1  }
0x9e: {  	s1 =	ssub.s32 @!p0 $0x0, s1;
	[sflag:s0] =	ssyncset.done @!p0 $0x0  }
0x9f: {  	[sflag:s0] =	ssyncadd.s32 @!p0 s1  }
0xa0: {  	[bflag:$0x3] =	sbarrier.arrive $0xFFFF  }
0xa1: {  	_ =	shalt  }

// kernel: kernel.9.cloned.1.call-start
scs
__scs_entry_jumppad:
0x0: {  	(pc) =	sbr.rel $0x88, $3  }
0x1: {  	(tag) =	ssettag $0x0;
	lr =	simm.s32 $0x1  }
0x2: {  	[smem:$0x3F99] =	sst lr;
	_ =	strace $0xD0000000  }
0x3: {  	_ = 	snop  }
0x4: {  	_ = 	snop  }
0x5: {  	_ = 	snop  }
0x6: {  	_ = 	snop  }
0x7: {  	_ = 	snop  }
__scs_overlays_trampoline_lowered:
0x8: {  	[smem:$0x3FA8] =	sst s0  }
0x9: {  	[smem:$0x3FA9] =	sst s1  }
0xa: {  	[smem:$0x3FAA] =	sst s2  }
0xb: {  	[smem:$0x3FAB] =	sst s3  }
0xc: {  	[smem:$0x3FAC] =	sst s4  }
0xd: {  	[smem:$0x3FAD] =	sst s5  }
0xe: {  	[smem:$0x3FAE] =	sst s6  }
0xf: {  	[smem:$0x3FAF] =	sst s7  }
0x10: {  	[smem:$0x3FB0] =	sst s8  }
0x11: {  	[smem:$0x3FB1] =	sst s9;
	s0 =	simm.s32 @!p0 $0x0  }
0x12: {  	s1 =	sld [smem:$0x3F97];
	s0 =	simm.s32 @p0 $0x1  }
0x13: {  	[smem:$0x3FB2] =	sst s0;
	s0 =	simm.s32 @!p1 $0x0  }
0x14: {  	s2 =	sld [smem:$0x3F96];
	s0 =	simm.s32 @p1 $0x1  }
0x15: {  	[smem:$0x3FB3] =	sst s0;
	s0 =	simm.s32 @!p2 $0x0  }
0x16: {  	s3 =	sld [smem:$0x3FDB];
	s0 =	simm.s32 @p2 $0x1  }
0x17: {  	s4 =	simm.s32 $0x1BF5;
	[smem:$0x3FB5] =	sst s0  }
0x18: {  	s0 =	sld [smem:$0x3F98];
	_ =	swait.ge [sflag:s4], $0x0  }
0x19: {  	s7 =	sld [smem:$0x3F99]  }
0x1a: {  	s8 =	sadd.s32 $0xFFFFE003, lr  }
0x1b: {  	s9 =	sadd.s32 $0xFFFFFEF7, lr;
	s5 =	simm.s32 $0xFFFFFFFF;
	p2 =	slt.u32 s8, $0xFFFFF086  }
0x1c: {  	p1 =	slt.u32 s9, $0xF7A;
	s5 =	simm.s32 @!p2 $0x0  }
0x1d: {  	s5 =	simm.s32 @p1 $0x1;
	p0 =	seq.s32 s7, s2  }
0x1e: {  	s7 =	smul.u32 @!p0 $0xF7A, s2;
	p2 =	seq.s32 @!p0 s5, $0x0  }
0x1f: {  	s9 =	smul.u32 $0xF7A, s1;
	s8 =	simm.s32 @!p0 $0x1BF5;
	p2 =	por !p2, p0  }
0x20: {  	[sflag:s8] =	ssyncset.s32 @!p0 $0xFFFFF086;
	s6 =	sadd.s32 @!p0 s3, s7;
	s7 =	simm.s32 @!p0 $0x108  }
0x21: {  	s3 =	sadd.s32 s3, s9;
	s6 =	sadd.s32 @!p0 $0x88, s6;
	s7 =	simm.s32 @p2 $0x1082  }
0x22: {  	[simem:s7], [sflag:s8] =	dma.local @!p0 [hbm:s6], $0xF7A  }
0x23: {  	s9 =	sor.u32 $0xD0000000, s2;
	s6 =	simm.s32 $0x108;
	_ =	swait.ge @!p0 [sflag:s8], $0x0  }
0x24: {  	s3 =	sadd.s32 $0x88, s3;
	s6 =	simm.s32 @!p1 $0x1082;
	[sflag:s4] =	ssyncset.s32 $0xFFFFF086  }
0x25: {  	[simem:s6], [sflag:s4] =	dma.local [hbm:s3], $0xF7A  }
0x26: {  	[smem:$0x3F99] =	sst s1;
	(tag) =	ssettag s2;
	_ =	strace s9  }
0x27: {  	s1 =	sld [smem:$0x3FA9]  }
0x28: {  	s2 =	sld [smem:$0x3FAA]  }
0x29: {  	s4 =	sld [smem:$0x3FAC]  }
0x2a: {  	p0 =	seq.s32 s5, $0x0;
	s5 =	sld [smem:$0x3FAD]  }
0x2b: {  	s6 =	sld [smem:$0x3FAE]  }
0x2c: {  	s7 =	sld [smem:$0x3FAF]  }
0x2d: {  	s3 =	simm.s32 $0x108;
	s8 =	sld [smem:$0x3FB0]  }
0x2e: {  	s3 =	simm.s32 @!p0 $0x1082;
	s9 =	sld [smem:$0x3FB1]  }
0x2f: {  	lr =	sadd.s32 s0, s3;
	s0 =	sld [smem:$0x3FA8]  }
0x30: {  	s3 =	sld [smem:$0x3FAB]  }
0x31: {  	[smem:$0x3FB4] =	sst s10  }
0x32: {  	s10 =	sld [smem:$0x3FB2];
	_ =	sdelay $0x3  }
0x33: {  	p0 =	seq.s32 s10, $0x1;
	s10 =	sld [smem:$0x3FB4];
	_ =	sdelay $0x3  }
0x34: {  	[smem:$0x3FB4] =	sst s10  }
0x35: {  	s10 =	sld [smem:$0x3FB3];
	_ =	sdelay $0x3  }
0x36: {  	p1 =	seq.s32 s10, $0x1;
	s10 =	sld [smem:$0x3FB4];
	_ =	sdelay $0x3  }
0x37: {  	[smem:$0x3FB4] =	sst s10  }
0x38: {  	s10 =	sld [smem:$0x3FB5]  }
0x39: {  	_ = 	snop;
	(pc) =	sbr.ind lr, $3  }
0x3a: {  	_ = 	snop  }
0x3b: {  	_ = 	snop  }
0x3c: {  	p2 =	seq.s32 s10, $0x1;
	s10 =	sld [smem:$0x3FB4]  }
0x3d: {  	_ =	shalt  }
0x3e: {  	_ =	shalt  }
0x3f: {  	_ =	shalt  }
0x40: {  	_ =	shalt  }
0x41: {  	_ =	shalt  }
0x42: {  	_ =	shalt  }
0x43: {  	_ =	shalt  }
0x44: {  	_ =	shalt  }
0x45: {  	_ =	shalt  }
0x46: {  	_ =	shalt  }
0x47: {  	_ =	shalt  }
0x48: {  	_ =	shalt  }
0x49: {  	_ =	shalt  }
0x4a: {  	_ =	shalt  }
0x4b: {  	_ =	shalt  }
0x4c: {  	_ =	shalt  }
0x4d: {  	_ =	shalt  }
0x4e: {  	_ =	shalt  }
0x4f: {  	_ =	shalt  }
0x50: {  	_ =	shalt  }
0x51: {  	_ =	shalt  }
0x52: {  	_ =	shalt  }
0x53: {  	_ =	shalt  }
0x54: {  	_ =	shalt  }
0x55: {  	_ =	shalt  }
0x56: {  	_ =	shalt  }
0x57: {  	_ =	shalt  }
0x58: {  	_ =	shalt  }
0x59: {  	_ =	shalt  }
0x5a: {  	_ =	shalt  }
0x5b: {  	_ =	shalt  }
0x5c: {  	_ =	shalt  }
0x5d: {  	_ =	shalt  }
0x5e: {  	_ =	shalt  }
0x5f: {  	_ =	shalt  }
0x60: {  	_ =	shalt  }
0x61: {  	_ =	shalt  }
0x62: {  	_ =	shalt  }
0x63: {  	_ =	shalt  }
0x64: {  	_ =	shalt  }
0x65: {  	_ =	shalt  }
0x66: {  	_ =	shalt  }
0x67: {  	_ =	shalt  }
0x68: {  	_ =	shalt  }
0x69: {  	_ =	shalt  }
0x6a: {  	_ =	shalt  }
0x6b: {  	_ =	shalt  }
0x6c: {  	_ =	shalt  }
0x6d: {  	_ =	shalt  }
0x6e: {  	_ =	shalt  }
0x6f: {  	_ =	shalt  }
0x70: {  	_ =	shalt  }
0x71: {  	_ =	shalt  }
0x72: {  	_ =	shalt  }
0x73: {  	_ =	shalt  }
0x74: {  	_ =	shalt  }
0x75: {  	_ =	shalt  }
0x76: {  	_ =	shalt  }
0x77: {  	_ =	shalt  }
0x78: {  	_ =	shalt  }
0x79: {  	_ =	shalt  }
0x7a: {  	_ =	shalt  }
0x7b: {  	_ =	shalt  }
0x7c: {  	_ =	shalt  }
0x7d: {  	_ =	shalt  }
0x7e: {  	_ =	shalt  }
0x7f: {  	_ =	shalt  }
0x80: {  	_ =	shalt  }
0x81: {  	_ =	shalt  }
0x82: {  	_ =	shalt  }
0x83: {  	_ =	shalt  }
0x84: {  	_ =	shalt  }
0x85: {  	_ =	shalt  }
0x86: {  	_ =	shalt  }
0x87: {  	_ =	shalt  }
.Lfunc_end0:
.L_simem_size_0:
called_computation_lowered:
.L_overlay_start_0:
0x88: {  	s2 =	sld [smem:$0x3FD9]  }
0x89: {  	s3 =	sld [smem:$0x3FFE];
	_ =	sdelay $0x1  }
0x8a: {  	s1 =	srdreg.scid  }
0x8b: {  	s0 =	sand.u32 $0x1, s1  }
0x8c: {  	s17 =	sshll.u32 s0, $0xA;
	s2 =	sadd.s32 s3, s2  }
0x8d: {  	s2 =	sadd.s32 s2, s17  }
0x8e: {  	[smem:$0x3FC0] =	sst s2  }
0x8f: {  	_ = 	snop  }
0x90: {  	s2 =	sld [smem:$0x3FD0];
	(tm) =	ssettm $0x1  }
0x91: {  	s18 =	sld [smem:$0x3FFB];
	_ =	sdelay $0x3  }
0x92: {  	_ =	strace s18  }
0x93: {  	s3 =	sld [smem:$0x3FFC];
	_ =	sdelay $0x3  }
0x94: {  	_ =	strace s3  }
0x95: {  	s3 =	sld [smem:$0x3FFD];
	_ =	sdelay $0x3  }
0x96: {  	_ =	strace s3  }
0x97: {  	_ =	strace $0x8FFFFFFF  }
0x98: {  	s19 =	sld [smem:$0x3FDB];
	_ =	sdelay $0x1  }
0x99: {  	s4 =	simm.s32 $_scs_section_size  }
0x9a: {  	s5 =	simm.s32 $_size__tile_overlayer_lowered;
	s6 =	simm.s32 $_tile_overlayer_lowered  }
0x9b: {  	s22 =	simm.s32 $0x1BFF;
	s21 =	sshll.u32 s6, $0x1;
	s3 =	sadd.s32 s4, s19  }
0x9c: {  	s7 =	simm.s32 $0x0;
	s20 =	sshll.u32 s5, $0x1;
	s5 =	sadd.s32 s21, s3  }
0x9d: {  	[timem:s7], [sflag:s22] =	dma.local [hbm:s5], s20  }
0x9e: {  	_ =	swait.ge [sflag:s22], s20  }
0x9f: {  	s4 =	ssub.s32 $0x0, s20;
	[sflag:s22] =	ssyncset.done $0x0  }
0xa0: {  	[sflag:s22] =	ssyncadd.s32 s4;
	_ =	sdelay $0x1  }
0xa1: {  	s23 =	simm.s32 $0x1B8B  }
0xa2: {  	_ =	swait.ge [sflag:s23], $0x1  }
0xa3: {  	[sflag:s23] =	ssyncset.done $0x0  }
0xa4: {  	s25 =	simm.s32 $0x1B8E;
	s24 =	sld [smem:$0x3FFE];
	[sflag:s23] =	ssyncadd.s32 $0xFFFFFFFF  }
0xa5: {  	s26 =	simm.s32 $execute0_lowered;
	[smem:$0x3FD2] =	sst s25  }
0xa6: {  	s5 =	sshll.u32 s26, $0x1;
	_ =	strace $0x80000046;
	[dreg:$0x1] =	wrdreg $0xFFFFFFFF  }
0xa7: {  	s28 =	simm.s32 $_size_execute0_lowered;
	s3 =	sadd.s32 s3, s5;
	[dreg:$0x0] =	wrdreg $0x0  }
0xa8: {  	s5 =	sshll.u32 s28, $0x1;
	[dreg:$0x2] =	wrdreg s3  }
0xa9: {  	[dreg:$0x3] =	wrdreg s5  }
0xaa: {  	[dreg:$0x4] =	wrdreg $0xC0  }
0xab: {  	_ =	task [dreg:s7], $0x5FFFF  }
0xac: {  	[dreg:$0x1] =	wrdreg $0xFFFFFFFF  }
0xad: {  	[dreg:$0x0] =	wrdreg $0x60  }
0xae: {  	[dreg:$0x2] =	wrdreg s2  }
0xaf: {  	[dreg:$0x3] =	wrdreg s24  }
0xb0: {  	[dreg:$0x4] =	wrdreg $0xB7800  }
0xb1: {  	[dreg:$0x5] =	wrdreg $0x9  }
0xb2: {  	_ =	task.clear_ibuf [dreg:s7], $0x6FFFF;
	_ =	strace $0x90000046  }
0xb3: {  	s29 =	simm.s32 $0x9;
	_ =	strace $0x80000048  }
0xb4: {  	_ =	swait.ge [sflag:s29], $0x1  }
0xb5: {  	[sflag:s29] =	ssyncadd.s32 $0xFFFFFFFF  }
0xb6: {  	_ =	strace $0x90000048  }
0xb7: {  	_ =	sfence  }
0xb8: {  	s30 =	sld [smem:$0x0];
	_ =	sdelay $0x2  }
0xb9: {  	s31 =	sshll.u32 s1, $0xD;
	s1 =	sshrl.u32 s1, $0x2  }
0xba: {  	s3 =	sand.u32 $0x4000, s31;
	s1 =	sadd.s32 s1, s30  }
0xbb: {  	s0 =	sor.u32 s3, s0;
	s1 =	sshll.u32 s1, $0x11  }
0xbc: {  	s0 =	sor.u32 s1, s0  }
0xbd: {  	s0 =	sadd.s32 $0x8F2B, s0  }
0xbe: {  	[sflag:s0] =	ssyncadd.remote.s32 $0x1  }
0xbf: {  	_ =	sfence.sel $0xFFFF  }
0xc0: {  	[dreg:$0x0] =	wrdreg $0xFFFFFFFF;
	(pc) =	sbr.abs _section_cstart, $3  }
0xc1: {  	[dreg:$0x1] =	wrdreg $0xFFFFFFFF  }
0xc2: {  	_ =	task.clear_ibuf [dreg:s7], $0x2FFFF;
	_ =	strace $0x9FFFFFFF  }
0xc3: {  	(tm) =	ssettm $0x7FFFFFFF  }
tec
execute0_lowered:
.L_overlay_start_1:
0x0: {  	(tag) =	ssettag $0x1  }
0x1: {  	s0 =	srdreg.scid  }
0x2: {  	s26 =	stileid.u32;
	s6 =	rddreg [dreg:$0x1];
	s14 =	simm.s32 $0x50  }
0x3: {  	s15 =	simm.s32 $0x6780;
	s16 =	simm.s32 $0x8F80;
	s17 =	simm.s32 $0x1  }
0x4: {  	s18 =	simm.s32 $0x2;
	s19 =	simm.s32 $0x6380;
	s20 =	simm.s32 $0x2620  }
0x5: {  	s21 =	simm.s32 $0x6400;
	s22 =	simm.s32 $0x2670;
	s23 =	simm.s32 $0x6480  }
0x6: {  	s28 =	simm.s32 $0x6580;
	s29 =	simm.s32 $0x0;
	s9 =	smul.u32 $0x50000, s26  }
0x7: {  	s2 =	sand.u32 $0x1, s0;
	s4 =	sshll.u32 s26, $0x7;
	s25 =	smul.u32 $0x2800, s26  }
0x8: {  	s31 =	sshll.u32 s26, $0x6;
	s1 =	sshll.u32 s2, $0x4;
	s8 =	sand.u32 $0x380, s4  }
0x9: {  	s4 =	simm.s32 $0x0;
	s30 =	smul.u32 $0x28000, s2;
	s2 =	ssub.s32 $0x2, s2  }
0xa: {  	s12 =	sor.u32 $0x1C03, s31;
	s5 =	sor.u32 s26, s1;
	s1 =	rddreg [dreg:$0x0]  }
0xb: {  	[smem:$0x7FF] =	sst s4;
	s11 =	sshrl.u32 s2, $0x1;
	s9 =	sshrl.u32 s9, $0x2  }
0xc: {  	s26 =	simm.s32 $0x6500;
	s3 =	sshrl.u32 s5, $0x3;
	s5 =	sshll.u32 s5, $0xB  }
0xd: {  	s2 =	ssub.s32 s2, s11;
	s11 =	simm.s32 $0x3;
	s7 =	smul.u32 $0x13C00, s3  }
0xe: {  	s3 =	rddreg [dreg:$0x2];
	_ =	strace $0x80000047;
	s10 =	sadd.s32 s5, s6  }
0xf: {  	s5 =	sadd.s32 $0x1BC00, s6;
	s13 =	sadd.s32 s9, s3;
	s9 =	simm.s32 $0x80  }
0x10: {  	s7 =	sor.u32 s8, s7;
	s8 =	sadd.s32 s30, s6;
	s13 =	sshrl.u32 s13, $0x3  }
0x11: {  	s7 =	sshrl.u32 s7, $0x3;
	s24 =	sadd.s32 $0x1E400, s8;
	s8 =	smax.u32 s2, $0x1  }
0x12: {  	s7 =	sadd.s32 s7, s6;
	s24 =	sadd.s32 s25, s24;
	s25 =	simm.s32 $0x26C0  }
0x13: {  	s6 =	sadd.s32 $0x11E00, s7;
	s7 =	sadd.s32 $0x1E00, s10;
	s10 =	simm.s32 $0x400  }
.LBB2_1:
0x14: {  	[tilespmem:s4], [sflag:$0x3] =	stream.strided.gather [hbm4b:s6+s9], $0x2780, s10, s9, $0x38;
	[tilespmem:$0x1F780] =	vst v63  }
0x15: {  	_ =	swait.ge [sflag:s11], $0x2780  }
0x16: {  	[sflag:s11] =	ssyncset.done $0x0  }
0x17: {  	s2 =	simm.s32 $0x2780;
	[sflag:s11] =	ssyncadd.s32 $0xFFFFD880  }
0x18: {  	[tilespmem:s2], [sflag:$0x3] =	stream.linear.gather [hbm4b:s7+s4], $0x3E80, $0x38;
	[tilespmem:$0x1F780] =	vst v63  }
0x19: {  	_ =	swait.ge [sflag:s11], $0x3E80  }
0x1a: {  	[sflag:s11] =	ssyncset.done $0x0  }
0x1b: {  	[sflag:s11] =	ssyncadd.s32 $0xFFFFC180  }
0x1c: {  	[spmem:s13], [sflag:s12] =	dma.local [hbm:s5], $0x2800  }
0x1d: {  	_ =	swait.ge [sflag:s11], $0x2800  }
0x1e: {  	[sflag:s11] =	ssyncset.done $0x0  }
0x1f: {  	[sflag:s11] =	ssyncadd.s32 $0xFFFFD800  }
0x20: {  	[bflag:$0x0] =	sbarrier.arrive $0xFFFF  }
0x21: {  	[tilespmem:s15], [sflag:$0x1] =	stream.indirect.gather [hbm4b:s1+s14], $0x80, s4, s14, $0xb8;
	[tilespmem:$0x1F780] =	vst v63  }
0x22: {  	_ = 	snop  }
0x23: {  	[tilespmem:s16], [sflag:$0x2] =	stream.indirect.gather [hbm4b:s1+s14], $0x80, s14, s14, $0xb8;
	[tilespmem:$0x1F780] =	vst v63  }
0x24: {  	_ =	swait.ge [sflag:s17], $0x2800  }
0x25: {  	[sflag:s17] =	ssyncset.done $0x0  }
0x26: {  	[sflag:s17] =	ssyncadd.s32 $0xFFFFD800  }
0x27: {  	[spmem:s3] =	stream.indirect.scatter.add.f32 [tilespmem:s15], [sflag:$0x3], $0x80, s2, s14, $0xb8;
	[tilespmem:$0x1F780] =	vst v63  }
0x28: {  	_ =	swait.ge [sflag:s11], $0x2800  }
0x29: {  	[sflag:s11] =	ssyncset.done $0x0  }
0x2a: {  	s0 =	simm.s32 $0xA0;
	[sflag:s11] =	ssyncadd.s32 $0xFFFFD800  }
0x2b: {  	[tilespmem:s15], [sflag:$0x1] =	stream.indirect.gather [hbm4b:s1+s14], $0x80, s0, s14, $0xb8;
	[tilespmem:$0x1F780] =	vst v63  }
0x2c: {  	_ =	swait.ge [sflag:s18], $0x2800  }
0x2d: {  	[sflag:s18] =	ssyncset.done $0x0  }
0x2e: {  	s0 =	simm.s32 $0x2800;
	[sflag:s18] =	ssyncadd.s32 $0xFFFFD800  }
0x2f: {  	[spmem:s3] =	stream.indirect.scatter.add.f32 [tilespmem:s16], [sflag:$0x3], $0x80, s0, s14, $0xb8;
	[tilespmem:$0x1F780] =	vst v63  }
0x30: {  	_ =	swait.ge [sflag:s11], $0x2800  }
0x31: {  	[sflag:s11] =	ssyncset.done $0x0  }
0x32: {  	s0 =	simm.s32 $0xF0;
	[sflag:s11] =	ssyncadd.s32 $0xFFFFD800  }
0x33: {  	[tilespmem:s16], [sflag:$0x2] =	stream.indirect.gather [hbm4b:s1+s14], $0x80, s0, s14, $0xb8;
	[tilespmem:$0x1F780] =	vst v63  }
0x34: {  	_ =	swait.ge [sflag:s17], $0x2800  }
0x35: {  	[sflag:s17] =	ssyncset.done $0x0  }
0x36: {  	s0 =	simm.s32 $0x2880;
	[sflag:s17] =	ssyncadd.s32 $0xFFFFD800  }
0x37: {  	[spmem:s3] =	stream.indirect.scatter.add.f32 [tilespmem:s15], [sflag:$0x3], $0x80, s0, s14, $0xb8;
	[tilespmem:$0x1F780] =	vst v63  }
0x38: {  	_ =	swait.ge [sflag:s11], $0x2800  }
0x39: {  	[sflag:s11] =	ssyncset.done $0x0  }
0x3a: {  	s0 =	simm.s32 $0x140;
	[sflag:s11] =	ssyncadd.s32 $0xFFFFD800  }
0x3b: {  	[tilespmem:s15], [sflag:$0x1] =	stream.indirect.gather [hbm4b:s1+s14], $0x80, s0, s14, $0xb8;
	[tilespmem:$0x1F780] =	vst v63  }
0x3c: {  	_ =	swait.ge [sflag:s18], $0x2800  }
0x3d: {  	[sflag:s18] =	ssyncset.done $0x0  }
0x3e: {  	s0 =	simm.s32 $0x2900;
	[sflag:s18] =	ssyncadd.s32 $0xFFFFD800  }
0x3f: {  	[spmem:s3] =	stream.indirect.scatter.add.f32 [tilespmem:s16], [sflag:$0x3], $0x80, s0, s14, $0xb8;
	[tilespmem:$0x1F780] =	vst v63  }
0x40: {  	_ =	swait.ge [sflag:s11], $0x2800  }
0x41: {  	s30 =	simm.s32 $0x500;
	[sflag:s11] =	ssyncset.done $0x0  }
0x42: {  	s31 =	simm.s32 $0x2980;
	s2 =	simm.s32 $0x190;
	[sflag:s11] =	ssyncadd.s32 $0xFFFFD800  }
.LBB2_2:
0x43: {  	[tilespmem:s16], [sflag:$0x2] =	stream.indirect.gather [hbm4b:s1+s14], $0x80, s2, s14, $0xb8;
	[tilespmem:$0x1F780] =	vst v63  }
0x44: {  	s2 =	smov.u32 s30  }
0x45: {  	p0 =	sne.s32 s30, $0x9100;
	s30 =	sadd.s32 $0x500, s30;
	_ =	swait.ge [sflag:s17], $0x2800  }
0x46: {  	[sflag:s17] =	ssyncset.done $0x0  }
0x47: {  	[sflag:s17] =	ssyncadd.s32 $0xFFFFD800  }
0x48: {  	[spmem:s3] =	stream.indirect.scatter.add.f32 [tilespmem:s15], [sflag:$0x3], $0x80, s31, s14, $0xb8;
	[tilespmem:$0x1F780] =	vst v63  }
0x49: {  	_ =	swait.ge [sflag:s11], $0x2800  }
0x4a: {  	s2 =	sshra.s32 s2, $0x2;
	[sflag:s11] =	ssyncset.done $0x0  }
0x4b: {  	s0 =	sadd.s32 $0xA0, s2;
	[sflag:s11] =	ssyncadd.s32 $0xFFFFD800  }
0x4c: {  	[tilespmem:s15], [sflag:$0x1] =	stream.indirect.gather [hbm4b:s1+s14], $0x80, s0, s14, $0xb8;
	[tilespmem:$0x1F780] =	vst v63  }
0x4d: {  	_ =	swait.ge [sflag:s18], $0x2800  }
0x4e: {  	[sflag:s18] =	ssyncset.done $0x0  }
0x4f: {  	s0 =	sadd.s32 $0x80, s31;
	[sflag:s18] =	ssyncadd.s32 $0xFFFFD800  }
0x50: {  	[spmem:s3] =	stream.indirect.scatter.add.f32 [tilespmem:s16], [sflag:$0x3], $0x80, s0, s14, $0xb8;
	[tilespmem:$0x1F780] =	vst v63  }
0x51: {  	_ =	swait.ge [sflag:s11], $0x2800  }
0x52: {  	[sflag:s11] =	ssyncset.done $0x0  }
0x53: {  	s0 =	sadd.s32 $0xF0, s2;
	[sflag:s11] =	ssyncadd.s32 $0xFFFFD800  }
0x54: {  	[tilespmem:s16], [sflag:$0x2] =	stream.indirect.gather [hbm4b:s1+s14], $0x80, s0, s14, $0xb8;
	[tilespmem:$0x1F780] =	vst v63  }
0x55: {  	_ =	swait.ge [sflag:s17], $0x2800  }
0x56: {  	[sflag:s17] =	ssyncset.done $0x0  }
0x57: {  	s0 =	sadd.s32 $0x100, s31;
	[sflag:s17] =	ssyncadd.s32 $0xFFFFD800  }
0x58: {  	[spmem:s3] =	stream.indirect.scatter.add.f32 [tilespmem:s15], [sflag:$0x3], $0x80, s0, s14, $0xb8;
	[tilespmem:$0x1F780] =	vst v63  }
0x59: {  	_ =	swait.ge [sflag:s11], $0x2800  }
0x5a: {  	[sflag:s11] =	ssyncset.done $0x0  }
0x5b: {  	s0 =	sadd.s32 $0x140, s2;
	[sflag:s11] =	ssyncadd.s32 $0xFFFFD800  }
0x5c: {  	[tilespmem:s15], [sflag:$0x1] =	stream.indirect.gather [hbm4b:s1+s14], $0x80, s0, s14, $0xb8;
	[tilespmem:$0x1F780] =	vst v63  }
0x5d: {  	_ =	swait.ge [sflag:s18], $0x2800  }
0x5e: {  	[sflag:s18] =	ssyncset.done $0x0  }
.Ltmp0:
0x5f: {  	s0 =	sadd.s32 $0x180, s31;
	[sflag:s18] =	ssyncadd.s32 $0xFFFFD800;
	(pc) =	sbr.rel @p0 .LBB2_2-.Ltmp0, $4  }
0x60: {  	[spmem:s3] =	stream.indirect.scatter.add.f32 [tilespmem:s16], [sflag:$0x3], $0x80, s0, s14, $0xb8;
	[tilespmem:$0x1F780] =	vst v63  }
0x61: {  	_ =	swait.ge [sflag:s11], $0x2800  }
0x62: {  	[sflag:s11] =	ssyncset.done $0x0  }
0x63: {  	s2 =	sadd.s32 $0x190, s2;
	s31 =	sadd.s32 $0x200, s31;
	[sflag:s11] =	ssyncadd.s32 $0xFFFFD800  }
0x64: {  	[tilespmem:s16], [sflag:$0x2] =	stream.indirect.gather [hbm4b:s1+s14], $0x80, s2, s14, $0xb8;
	[tilespmem:$0x1F780] =	vst v63  }
0x65: {  	_ =	swait.ge [sflag:s17], $0x2800  }
0x66: {  	[sflag:s17] =	ssyncset.done $0x0  }
0x67: {  	[sflag:s17] =	ssyncadd.s32 $0xFFFFD800  }
0x68: {  	[spmem:s3] =	stream.indirect.scatter.add.f32 [tilespmem:s15], [sflag:$0x3], $0x80, s19, s14, $0xb8;
	[tilespmem:$0x1F780] =	vst v63  }
0x69: {  	_ =	swait.ge [sflag:s11], $0x2800  }
0x6a: {  	[sflag:s11] =	ssyncset.done $0x0  }
0x6b: {  	[sflag:s11] =	ssyncadd.s32 $0xFFFFD800  }
0x6c: {  	[tilespmem:s15], [sflag:$0x1] =	stream.indirect.gather [hbm4b:s1+s14], $0x80, s20, s14, $0xb8;
	[tilespmem:$0x1F780] =	vst v63  }
0x6d: {  	_ =	swait.ge [sflag:s18], $0x2800  }
0x6e: {  	[sflag:s18] =	ssyncset.done $0x0  }
0x6f: {  	[sflag:s18] =	ssyncadd.s32 $0xFFFFD800  }
0x70: {  	[spmem:s3] =	stream.indirect.scatter.add.f32 [tilespmem:s16], [sflag:$0x3], $0x80, s21, s14, $0xb8;
	[tilespmem:$0x1F780] =	vst v63  }
0x71: {  	_ =	swait.ge [sflag:s11], $0x2800  }
0x72: {  	[sflag:s11] =	ssyncset.done $0x0  }
0x73: {  	[sflag:s11] =	ssyncadd.s32 $0xFFFFD800  }
0x74: {  	[tilespmem:s16], [sflag:$0x2] =	stream.indirect.gather [hbm4b:s1+s14], $0x80, s22, s14, $0xb8;
	[tilespmem:$0x1F780] =	vst v63  }
0x75: {  	_ =	swait.ge [sflag:s17], $0x2800  }
0x76: {  	[sflag:s17] =	ssyncset.done $0x0  }
0x77: {  	[sflag:s17] =	ssyncadd.s32 $0xFFFFD800  }
0x78: {  	[spmem:s3] =	stream.indirect.scatter.add.f32 [tilespmem:s15], [sflag:$0x3], $0x80, s23, s14, $0xb8;
	[tilespmem:$0x1F780] =	vst v63  }
0x79: {  	_ =	swait.ge [sflag:s11], $0x2800  }
0x7a: {  	[sflag:s11] =	ssyncset.done $0x0  }
0x7b: {  	[sflag:s11] =	ssyncadd.s32 $0xFFFFD800  }
0x7c: {  	[tilespmem:s15], [sflag:$0x1] =	stream.indirect.gather [hbm4b:s1+s14], $0x80, s25, s14, $0xb8;
	[tilespmem:$0x1F780] =	vst v63  }
0x7d: {  	_ =	swait.ge [sflag:s18], $0x2800  }
0x7e: {  	[sflag:s18] =	ssyncset.done $0x0  }
0x7f: {  	[sflag:s18] =	ssyncadd.s32 $0xFFFFD800  }
0x80: {  	[spmem:s3] =	stream.indirect.scatter.add.f32 [tilespmem:s16], [sflag:$0x3], $0x80, s26, s14, $0xb8;
	[tilespmem:$0x1F780] =	vst v63  }
0x81: {  	_ =	swait.ge [sflag:s11], $0x2800  }
0x82: {  	[sflag:s11] =	ssyncset.done $0x0  }
0x83: {  	[sflag:s11] =	ssyncadd.s32 $0xFFFFD800  }
0x84: {  	_ =	swait.ge [sflag:s17], $0x2800  }
0x85: {  	[sflag:s17] =	ssyncset.done $0x0  }
0x86: {  	[sflag:s17] =	ssyncadd.s32 $0xFFFFD800  }
0x87: {  	[spmem:s3] =	stream.indirect.scatter.add.f32 [tilespmem:s15], [sflag:$0x3], $0x80, s28, s14, $0xb8;
	[tilespmem:$0x1F780] =	vst v63  }
0x88: {  	_ =	swait.ge [sflag:s11], $0x2800  }
0x89: {  	s29 =	sadd.s32 $0x1, s29;
	[sflag:s11] =	ssyncset.done $0x0  }
0x8a: {  	p0 =	sne.s32 s29, s8;
	[sflag:s11] =	ssyncadd.s32 $0xFFFFD800  }
.Ltmp1:
0x8b: {  	[bflag:$0x0] =	sbarrier.arrive $0xFFFF;
	(pc) =	sbr.rel @p0 .LBB2_1-.Ltmp1, $4  }
0x8c: {  	[hbm:s24], [sflag:s12] =	dma.local [spmem:s13], $0x2800  }
0x8d: {  	_ =	swait.ge [sflag:s11], $0x2800  }
0x8e: {  	[sflag:s11] =	ssyncset.done $0x0  }
0x8f: {  	[sflag:s11] =	ssyncadd.s32 $0xFFFFD800  }
0x90: {  	_ =	sfence.sel $0x180000  }
0x91: {  	[bflag:$0x0] =	sbarrier.arrive $0xFFFF  }
0x92: {  	_ =	strace $0x90000047  }
0x93: {  	s0 =	stileid.u32;
	[bflag:$0x2] =	sbarrier.arrive $0xFFFF  }
0x94: {  	p0 =	sne.s32 s0, $0x0;
	s0 =	rddreg [dreg:$0x3]  }
0x95: {  	s0 =	sadd.s32 @!p0 $0x100000, s0  }
0x96: {  	[sflag:s0] =	ssyncadd.tile.s32 @!p0 $0x1;
	_ =	shalt  }
.Lfunc_end2:
_tile_overlayer_lowered:
.L_overlay_start_2:
0x97: {  	(tag) =	ssettag $0x2  }
0x98: {  	s0 =	rddreg [dreg:$0x0];
	s2 =	stileid.u32  }
0x99: {  	s1 =	rddreg [dreg:$0x1];
	p0 =	sne.s32 s2, $0x0  }
0x9a: {  	s3 =	rddreg [dreg:$0x2];
	[bflag:$0x3] =	sbarrier.arrive $0xFFFF;
	s2 =	simm.s32 @!p0 $0x1C03  }
0x9b: {  	[timem:s3], [sflag:s2] =	dma.local @!p0 [hbm:s0], s1  }
0x9c: {  	s0 =	simm.s32 @!p0 $0x3  }
0x9d: {  	_ =	swait.ge @!p0 [sflag:s0], s1  }
0x9e: {  	s1 =	ssub.s32 @!p0 $0x0, s1;
	[sflag:s0] =	ssyncset.done @!p0 $0x0  }
0x9f: {  	[sflag:s0] =	ssyncadd.s32 @!p0 s1  }
0xa0: {  	[bflag:$0x3] =	sbarrier.arrive $0xFFFF  }
0xa1: {  	_ =	shalt  }

</sc_bundles>
